<compile_context>
chip_gen: v7x
topology: tpu7x:2x2x1
jax: 0.10.2.dev20260603
libtpu: 0.0.44.dev20260713+nightly
codegen_flags: <defaults>
</compile_context>

<pallas_src>
import functools

import jax
import jax.numpy as jnp
from jax import lax
from jax.experimental import pallas as pl
from jax.experimental.pallas import tpu as pltpu
from jax.experimental.pallas import tpu_sc as plsc

N = 10000
E = 320000
D = 128
HID = 128
HH = HID // 2
QW = HID // 4
K = 16

NC = 2
NS = 16
CHUNK = 128
NCHUNK = 160
EDGES_PER_TILE = CHUNK * NCHUNK
E_PAD = NS * EDGES_PER_TILE
NCHUNK_D = NCHUNK // NC
ROWS_PAD = 10112
ROWS_PER_TILE = ROWS_PAD // NS
DUMMY = N

RB = 1000
NB = N // RB

_MESH = plsc.VectorSubcoreMesh(core_axis_name="c", subcore_axis_name="s")


@functools.partial(
    pl.kernel,
    out_type=jax.ShapeDtypeStruct((ROWS_PAD, HID), jnp.float32),
    mesh=_MESH,
    compiler_params=pltpu.CompilerParams(use_tc_tiling_on_sc=False),
    scratch_types=[
        pltpu.VMEM((NCHUNK_D, CHUNK), jnp.int32),
        pltpu.VMEM((CHUNK, 8), jnp.float32),
        pltpu.VMEM_SHARED((ROWS_PAD, 8), jnp.float32),
    ],
)
def _sc_degree(dst_hbm, ones_hbm, zeros_hbm, out_hbm, dst_v, ones_v, deg_sh):
    c = lax.axis_index("c")
    s = lax.axis_index("s")
    r0 = s * ROWS_PER_TILE
    pltpu.sync_copy(zeros_hbm.at[pl.ds(r0, ROWS_PER_TILE)],
                    deg_sh.at[pl.ds(r0, ROWS_PER_TILE)])
    pltpu.sync_copy(dst_hbm.at[s].at[pl.ds(c * NCHUNK_D, NCHUNK_D)], dst_v)
    pltpu.sync_copy(ones_hbm, ones_v)
    plsc.subcore_barrier()

    def body(j, carry):
        pltpu.sync_copy(ones_v, deg_sh.at[dst_v.at[j]], add=True)
        return carry

    lax.fori_loop(0, NCHUNK_D, body, 0)
    plsc.subcore_barrier()
    pltpu.sync_copy(deg_sh.at[pl.ds(r0, ROWS_PER_TILE)],
                    out_hbm.at[pl.ds(r0, ROWS_PER_TILE), pl.ds(c * 8, 8)])


GRP = 2
NGRP = NCHUNK // GRP


NSTAGE = N // NS


@functools.partial(
    pl.kernel,
    out_type=jax.ShapeDtypeStruct((ROWS_PAD, HID), jnp.float32),
    mesh=_MESH,
    compiler_params=pltpu.CompilerParams(use_tc_tiling_on_sc=False),
    scratch_types=[
        pltpu.VMEM((NCHUNK, CHUNK), jnp.int32),
        pltpu.VMEM((NCHUNK, CHUNK), jnp.int32),
        pltpu.VMEM((2 * GRP, CHUNK, QW), jnp.float32),
        pltpu.VMEM_SHARED((ROWS_PAD, QW), jnp.float32),
        pltpu.VMEM_SHARED((N, QW), jnp.float32),
        [pltpu.SemaphoreType.DMA] * (2 * GRP),
        [pltpu.SemaphoreType.DMA] * (2 * GRP),
    ],
)
def _sc_agg(y_hbm, src_hbm, dst_hbm, zeros_hbm, out_hbm,
            src_v, dst_v, bufs, agg_sh, y_sh, gsems, ssems):
    c = lax.axis_index("c")
    s = lax.axis_index("s")
    r0 = s * ROWS_PER_TILE
    pltpu.sync_copy(src_hbm.at[s], src_v)
    pltpu.sync_copy(dst_hbm.at[s], dst_v)

    def gather(j, b):
        pltpu.async_copy(y_sh.at[src_v.at[j]], bufs.at[b], gsems[b])

    def group_body(g, half):
        for k in range(GRP):
            b = half * GRP + k
            j = g * GRP + k
            pltpu.make_async_copy(y_sh.at[src_v.at[j]], bufs.at[b],
                                  gsems[b]).wait()
            pltpu.async_copy(bufs.at[b], agg_sh.at[dst_v.at[j]], ssems[b],
                             add=True)
        for k in range(GRP):
            b = half * GRP + k
            j = g * GRP + k
            pltpu.make_async_copy(bufs.at[b], agg_sh.at[dst_v.at[j]],
                                  ssems[b]).wait()

        @pl.when(g + 2 < NGRP)
        def _():
            for k in range(GRP):
                gather((g + 2) * GRP + k, half * GRP + k)

    def body(t, carry):
        group_body(2 * t, 0)
        group_body(2 * t + 1, 1)
        return carry

    for q in range(2):
        q0 = (2 * c + q) * QW
        pltpu.sync_copy(zeros_hbm.at[pl.ds(r0, ROWS_PER_TILE)],
                        agg_sh.at[pl.ds(r0, ROWS_PER_TILE)])
        pltpu.sync_copy(y_hbm.at[pl.ds(s * NSTAGE, NSTAGE), pl.ds(q0, QW)],
                        y_sh.at[pl.ds(s * NSTAGE, NSTAGE)])
        plsc.subcore_barrier()
        for b in range(2 * GRP):
            gather(b, b)
        lax.fori_loop(0, NGRP // 2, body, 0)
        plsc.subcore_barrier()
        pltpu.sync_copy(agg_sh.at[pl.ds(r0, ROWS_PER_TILE)],
                        out_hbm.at[pl.ds(r0, ROWS_PER_TILE), pl.ds(q0, QW)])


def _tc_pre_body(x_ref, w_ref, deg_ref, y_ref, dinv_ref):
    deg = deg_ref[:, 0:1] + deg_ref[:, 8:9] + 1.0
    dinv = lax.rsqrt(deg)
    xw = jnp.dot(x_ref[...], w_ref[...], preferred_element_type=jnp.float32)
    y_ref[...] = xw * dinv
    dinv_ref[...] = dinv


def _tc_pre(x, w0, deg2):
    return pl.pallas_call(
        _tc_pre_body,
        grid=(NB,),
        in_specs=[
            pl.BlockSpec((RB, D), lambda i: (i, 0)),
            pl.BlockSpec((D, HID), lambda i: (0, 0)),
            pl.BlockSpec((RB, HID), lambda i: (i, 0)),
        ],
        out_specs=[
            pl.BlockSpec((RB, HID), lambda i: (i, 0)),
            pl.BlockSpec((RB, 1), lambda i: (i, 0)),
        ],
        out_shape=[
            jax.ShapeDtypeStruct((N, HID), jnp.float32),
            jax.ShapeDtypeStruct((N, 1), jnp.float32),
        ],
    )(x, w0, deg2)


def _z_of(agg_ref, y_ref, dinv_ref, b_ref):
    return (agg_ref[...] + y_ref[...]) * dinv_ref[...] + b_ref[...]


def _bn_relu(z, ssum, ssq, g_ref, be_ref):
    mu = ssum[...] * (1.0 / N)
    var = ssq[...] * (1.0 / N) - mu * mu
    return jnp.maximum((z - mu) * lax.rsqrt(var + 1e-5) * g_ref[...]
                       + be_ref[...], 0.0)


def _tc_mid1_body(agg_ref, y_ref, dinv_ref, b_ref, g_ref, be_ref, w_ref,
                  out_ref, ssum, ssq):
    p = pl.program_id(0)
    i = pl.program_id(1)
    z = _z_of(agg_ref, y_ref, dinv_ref, b_ref)

    @pl.when(jnp.logical_and(p == 0, i == 0))
    def _():
        ssum[...] = jnp.zeros_like(ssum)
        ssq[...] = jnp.zeros_like(ssq)

    @pl.when(p == 0)
    def _():
        ssum[...] += jnp.sum(z, axis=0, keepdims=True)
        ssq[...] += jnp.sum(z * z, axis=0, keepdims=True)

    @pl.when(p == 1)
    def _():
        h = _bn_relu(z, ssum, ssq, g_ref, be_ref)
        out_ref[...] = jnp.dot(h, w_ref[...],
                               preferred_element_type=jnp.float32) * dinv_ref[...]


def _tc_mid1(agg2, y0, dinv, b, g, be, w1):
    return pl.pallas_call(
        _tc_mid1_body,
        grid=(2, NB),
        in_specs=[
            pl.BlockSpec((RB, HID), lambda p, i: (i, 0)),
            pl.BlockSpec((RB, HID), lambda p, i: (i, 0)),
            pl.BlockSpec((RB, 1), lambda p, i: (i, 0)),
            pl.BlockSpec((1, HID), lambda p, i: (0, 0)),
            pl.BlockSpec((1, HID), lambda p, i: (0, 0)),
            pl.BlockSpec((1, HID), lambda p, i: (0, 0)),
            pl.BlockSpec((HID, HID), lambda p, i: (0, 0)),
        ],
        out_specs=pl.BlockSpec((RB, HID), lambda p, i: (i, 0)),
        out_shape=jax.ShapeDtypeStruct((N, HID), jnp.float32),
        scratch_shapes=[
            pltpu.VMEM((1, HID), jnp.float32),
            pltpu.VMEM((1, HID), jnp.float32),
        ],
    )(agg2, y0, dinv, b, g, be, w1)


def _tc_mid2_body(agg_ref, y_ref, dinv_ref, b_ref, g_ref, be_ref,
                  aw1_ref, ab1_ref, aw2_ref, ab2_ref,
                  h_ref, s_ref, ssum, ssq):
    p = pl.program_id(0)
    i = pl.program_id(1)
    z = _z_of(agg_ref, y_ref, dinv_ref, b_ref)

    @pl.when(jnp.logical_and(p == 0, i == 0))
    def _():
        ssum[...] = jnp.zeros_like(ssum)
        ssq[...] = jnp.zeros_like(ssq)

    @pl.when(p == 0)
    def _():
        ssum[...] += jnp.sum(z, axis=0, keepdims=True)
        ssq[...] += jnp.sum(z * z, axis=0, keepdims=True)

    @pl.when(p == 1)
    def _():
        h = _bn_relu(z, ssum, ssq, g_ref, be_ref)
        h_ref[...] = h
        hid = jnp.maximum(
            jnp.dot(h, aw1_ref[...], preferred_element_type=jnp.float32)
            + ab1_ref[...], 0.0)
        logits = jnp.dot(hid, aw2_ref[...],
                         preferred_element_type=jnp.float32) + ab2_ref[...]
        m = jnp.max(logits, axis=-1, keepdims=True)
        e = jnp.exp(logits - m)
        s_ref[...] = e / jnp.sum(e, axis=-1, keepdims=True)


def _tc_mid2(agg2, y1, dinv, b, g, be, aw1, ab1, aw2, ab2):
    return pl.pallas_call(
        _tc_mid2_body,
        grid=(2, NB),
        in_specs=[
            pl.BlockSpec((RB, HID), lambda p, i: (i, 0)),
            pl.BlockSpec((RB, HID), lambda p, i: (i, 0)),
            pl.BlockSpec((RB, 1), lambda p, i: (i, 0)),
            pl.BlockSpec((1, HID), lambda p, i: (0, 0)),
            pl.BlockSpec((1, HID), lambda p, i: (0, 0)),
            pl.BlockSpec((1, HID), lambda p, i: (0, 0)),
            pl.BlockSpec((HID, HID), lambda p, i: (0, 0)),
            pl.BlockSpec((1, HID), lambda p, i: (0, 0)),
            pl.BlockSpec((HID, K), lambda p, i: (0, 0)),
            pl.BlockSpec((1, K), lambda p, i: (0, 0)),
        ],
        out_specs=[
            pl.BlockSpec((RB, HID), lambda p, i: (i, 0)),
            pl.BlockSpec((RB, K), lambda p, i: (i, 0)),
        ],
        out_shape=[
            jax.ShapeDtypeStruct((N, HID), jnp.float32),
            jax.ShapeDtypeStruct((N, K), jnp.float32),
        ],
        scratch_shapes=[
            pltpu.VMEM((1, HID), jnp.float32),
            pltpu.VMEM((1, HID), jnp.float32),
        ],
    )(agg2, y1, dinv, b, g, be, aw1, ab1, aw2, ab2)


def kernel(x, edge_index, W0, b0, g0, be0, W1, b1, g1, be1, aW1, ab1, aW2, ab2):
    pad = E_PAD - E
    src = jnp.concatenate(
        [edge_index[0], jnp.zeros((pad,), jnp.int32)]).reshape(NS, NCHUNK, CHUNK)
    dst = jnp.concatenate(
        [edge_index[1], jnp.full((pad,), DUMMY, jnp.int32)]).reshape(NS, NCHUNK, CHUNK)
    zeros8 = jnp.zeros((ROWS_PAD, 8), jnp.float32)
    ones8 = jnp.ones((CHUNK, 8), jnp.float32)
    zerosH = jnp.zeros((ROWS_PAD, QW), jnp.float32)

    deg2 = _sc_degree(dst, ones8, zeros8)
    y0, dinv = _tc_pre(x, W0, deg2)
    agg0 = _sc_agg(y0, src, dst, zerosH)
    y1 = _tc_mid1(agg0, y0, dinv, b0.reshape(1, -1), g0.reshape(1, -1),
                  be0.reshape(1, -1), W1)
    agg1 = _sc_agg(y1, src, dst, zerosH)
    h, S = _tc_mid2(agg1, y1, dinv, b1.reshape(1, -1), g1.reshape(1, -1),
                    be1.reshape(1, -1), aW1, ab1.reshape(1, -1), aW2,
                    ab2.reshape(1, -1))
    return (h, S)

# --- scband reference (transcript-rebuilt; emitter-appended) ---
"""Pipeline reference for scband-dmo-nencoder-55052890800724 (READ-ONLY COPY).

The authoritative reference and input builder live on the scoring server;
editing this copy changes nothing except your own understanding.
"""

import jax, jax.numpy as jnp
import numpy as np

N = 10000
E = 320000
D = 128
HID = 128
K = 16

def setup_inputs(seed: int = 0):
    key = jax.random.key(seed)
    ks = jax.random.split(key, 8)
    inp = {}
    inp['x'] = jax.random.normal(ks[0], (N, D), dtype=jnp.float32)
    inp['edge_index'] = jax.random.randint(ks[1], (2, E), 0, N, dtype=jnp.int32)
    inp['W0'] = jax.random.normal(ks[2], (D, HID), dtype=jnp.float32) * 0.05
    inp['b0'] = jnp.zeros((HID,), jnp.float32)
    inp['g0'] = jnp.ones((HID,), jnp.float32)
    inp['be0'] = jnp.zeros((HID,), jnp.float32)
    inp['W1'] = jax.random.normal(ks[3], (HID, HID), dtype=jnp.float32) * 0.05
    inp['b1'] = jnp.zeros((HID,), jnp.float32)
    inp['g1'] = jnp.ones((HID,), jnp.float32)
    inp['be1'] = jnp.zeros((HID,), jnp.float32)
    inp['aW1'] = jax.random.normal(ks[4], (HID, HID), dtype=jnp.float32) * 0.05
    inp['ab1'] = jnp.zeros((HID,), jnp.float32)
    inp['aW2'] = jax.random.normal(ks[5], (HID, K), dtype=jnp.float32) * 0.05
    inp['ab2'] = jnp.zeros((K,), jnp.float32)
    return inp

def _gcn(x, W, b, src, dst, norm):
    # GCNConv (PyG-style): x @ W, then normalized scatter-add aggregation at dst
    xw = x @ W
    msg = xw[src] * norm[:, None]
    out = jnp.zeros((x.shape[0], W.shape[1]), x.dtype).at[dst].add(msg)
    return out + b

def _bn(h, g, b):
    # BatchNorm1d with batch statistics
    mu = jnp.mean(h, axis=0)
    var = jnp.var(h, axis=0)
    return (h - mu) / jnp.sqrt(var + 1e-5) * g + b

def reference(x, edge_index, W0, b0, g0, be0, W1, b1, g1, be1, aW1, ab1, aW2, ab2):
    n = x.shape[0]
    # symmetric normalization with self-loops
    loop = jnp.arange(n, dtype=edge_index.dtype)
    src = jnp.concatenate([edge_index[0], loop])
    dst = jnp.concatenate([edge_index[1], loop])
    deg = jnp.zeros((n,), jnp.float32).at[dst].add(1.0)
    dinv = jnp.where(deg > 0, 1.0 / jnp.sqrt(deg), 0.0)
    norm = dinv[src] * dinv[dst]
    h = jax.nn.relu(_bn(_gcn(x, W0, b0, src, dst, norm), g0, be0))
    h = jax.nn.relu(_bn(_gcn(h, W1, b1, src, dst, norm), g1, be1))
    hid = jax.nn.relu(h @ aW1 + ab1)
    logits = hid @ aW2 + ab2
    S = jax.nn.softmax(logits, axis=-1)
    return (h, S)

if __name__ == "__main__":
    import jax
    _d = setup_inputs()
    print(jax.jit(kernel)(*tuple(_d.values())))

</pallas_src>

<mosaic_0001>
#map = affine_map<(d0, d1) -> (0, 0)>
#map1 = affine_map<(d0, d1) -> (0, 0, 0)>
module attributes {stable_mosaic.version = 14 : i64} {
  func.func @_sc_agg(%arg0: i32, %arg1: i32, %arg2: memref<10000x128xf32, #tpu.memory_space<hbm>>, %arg3: memref<16x160x128xi32, #tpu.memory_space<hbm>>, %arg4: memref<16x160x128xi32, #tpu.memory_space<hbm>>, %arg5: memref<10112x32xf32, #tpu.memory_space<hbm>>, %arg6: memref<10112x128xf32, #tpu.memory_space<hbm>>, %arg7: memref<160x128xi32, #tpu.memory_space<vmem>>, %arg8: memref<160x128xi32, #tpu.memory_space<vmem>>, %arg9: memref<4x128x32xf32, #tpu.memory_space<vmem>>, %arg10: memref<10112x32xf32, #tpu.memory_space<vmem_shared>>, %arg11: memref<10000x32xf32, #tpu.memory_space<vmem_shared>>, %arg12: memref<!tpu.dma_semaphore, #tpu.memory_space<semaphore_mem>>, %arg13: memref<!tpu.dma_semaphore, #tpu.memory_space<semaphore_mem>>, %arg14: memref<!tpu.dma_semaphore, #tpu.memory_space<semaphore_mem>>, %arg15: memref<!tpu.dma_semaphore, #tpu.memory_space<semaphore_mem>>, %arg16: memref<!tpu.dma_semaphore, #tpu.memory_space<semaphore_mem>>, %arg17: memref<!tpu.dma_semaphore, #tpu.memory_space<semaphore_mem>>, %arg18: memref<!tpu.dma_semaphore, #tpu.memory_space<semaphore_mem>>, %arg19: memref<!tpu.dma_semaphore, #tpu.memory_space<semaphore_mem>>) attributes {dimension_semantics = [#tpu.dimension_semantics<core_parallel>, #tpu.dimension_semantics<subcore_parallel>], iteration_bounds = array<i64: 2, 16>, scalar_prefetch = 0 : i64, scratch_operands = 13 : i64, tpu.core_type = #tpu.core_type<sc_vector_subcore>, window_params = [{transform_indices = #map}, {transform_indices = #map1}, {transform_indices = #map1}, {transform_indices = #map}, {transform_indices = #map}]} {
    %mul3A = arith.constant 632 : i32
    %mul3A_0 = arith.muli %arg1, %mul3A : i32
    "tpu.region"() ({
      %run_scoped3A = tpu.sem_alloc : memref<!tpu.dma_semaphore, #tpu.memory_space<semaphore_mem>>
      %dma_start3A_129 = arith.constant 0 : i32
      %dma_start3A_130 = arith.constant 0 : i32
      %dma_start3A_131 = tpu.memref_slice %arg3[%arg1, %dma_start3A_129, %dma_start3A_130] : memref<16x160x128xi32, #tpu.memory_space<hbm>> -> memref<1x160x128xi32, #tpu.memory_space<hbm>>
      %dma_start3A_132 = tpu.memref_squeeze %dma_start3A_131 : memref<1x160x128xi32, #tpu.memory_space<hbm>> -> memref<160x128xi32, #tpu.memory_space<hbm>>
      %dma_start3A_133 = arith.constant 0 : i32
      %dma_start3A_134 = arith.constant 0 : i32
      %dma_start3A_135 = tpu.memref_slice %arg3[%arg1, %dma_start3A_133, %dma_start3A_134] : memref<16x160x128xi32, #tpu.memory_space<hbm>> -> memref<1x160x128xi32, #tpu.memory_space<hbm>>
      %dma_start3A_136 = tpu.memref_squeeze %dma_start3A_135 : memref<1x160x128xi32, #tpu.memory_space<hbm>> -> memref<160x128xi32, #tpu.memory_space<hbm>>
      tpu.enqueue_dma source(%dma_start3A_136 : memref<160x128xi32, #tpu.memory_space<hbm>>) target(%arg7 : memref<160x128xi32, #tpu.memory_space<vmem>>) target_semaphore(%run_scoped3A : memref<!tpu.dma_semaphore, #tpu.memory_space<semaphore_mem>>)
      %dma_wait3A = arith.constant 0 : i32
      %dma_wait3A_137 = arith.constant 0 : i32
      %dma_wait3A_138 = tpu.memref_slice %arg3[%arg1, %dma_wait3A, %dma_wait3A_137] : memref<16x160x128xi32, #tpu.memory_space<hbm>> -> memref<1x160x128xi32, #tpu.memory_space<hbm>>
      %dma_wait3A_139 = tpu.memref_squeeze %dma_wait3A_138 : memref<1x160x128xi32, #tpu.memory_space<hbm>> -> memref<160x128xi32, #tpu.memory_space<hbm>>
      %dma_wait3A_140 = arith.constant 0 : i32
      %dma_wait3A_141 = arith.constant 0 : i32
      %dma_wait3A_142 = tpu.memref_slice %arg3[%arg1, %dma_wait3A_140, %dma_wait3A_141] : memref<16x160x128xi32, #tpu.memory_space<hbm>> -> memref<1x160x128xi32, #tpu.memory_space<hbm>>
      %dma_wait3A_143 = tpu.memref_squeeze %dma_wait3A_142 : memref<1x160x128xi32, #tpu.memory_space<hbm>> -> memref<160x128xi32, #tpu.memory_space<hbm>>
      tpu.wait_dma2 semaphore(%run_scoped3A : memref<!tpu.dma_semaphore, #tpu.memory_space<semaphore_mem>>) src(%dma_wait3A_143 : memref<160x128xi32, #tpu.memory_space<hbm>>) dst(%arg7 : memref<160x128xi32, #tpu.memory_space<vmem>>)
      tpu.yield
    }) : () -> ()
    "tpu.region"() ({
      %run_scoped3A = tpu.sem_alloc : memref<!tpu.dma_semaphore, #tpu.memory_space<semaphore_mem>>
      %dma_start3A_129 = arith.constant 0 : i32
      %dma_start3A_130 = arith.constant 0 : i32
      %dma_start3A_131 = tpu.memref_slice %arg4[%arg1, %dma_start3A_129, %dma_start3A_130] : memref<16x160x128xi32, #tpu.memory_space<hbm>> -> memref<1x160x128xi32, #tpu.memory_space<hbm>>
      %dma_start3A_132 = tpu.memref_squeeze %dma_start3A_131 : memref<1x160x128xi32, #tpu.memory_space<hbm>> -> memref<160x128xi32, #tpu.memory_space<hbm>>
      %dma_start3A_133 = arith.constant 0 : i32
      %dma_start3A_134 = arith.constant 0 : i32
      %dma_start3A_135 = tpu.memref_slice %arg4[%arg1, %dma_start3A_133, %dma_start3A_134] : memref<16x160x128xi32, #tpu.memory_space<hbm>> -> memref<1x160x128xi32, #tpu.memory_space<hbm>>
      %dma_start3A_136 = tpu.memref_squeeze %dma_start3A_135 : memref<1x160x128xi32, #tpu.memory_space<hbm>> -> memref<160x128xi32, #tpu.memory_space<hbm>>
      tpu.enqueue_dma source(%dma_start3A_136 : memref<160x128xi32, #tpu.memory_space<hbm>>) target(%arg8 : memref<160x128xi32, #tpu.memory_space<vmem>>) target_semaphore(%run_scoped3A : memref<!tpu.dma_semaphore, #tpu.memory_space<semaphore_mem>>)
      %dma_wait3A = arith.constant 0 : i32
      %dma_wait3A_137 = arith.constant 0 : i32
      %dma_wait3A_138 = tpu.memref_slice %arg4[%arg1, %dma_wait3A, %dma_wait3A_137] : memref<16x160x128xi32, #tpu.memory_space<hbm>> -> memref<1x160x128xi32, #tpu.memory_space<hbm>>
      %dma_wait3A_139 = tpu.memref_squeeze %dma_wait3A_138 : memref<1x160x128xi32, #tpu.memory_space<hbm>> -> memref<160x128xi32, #tpu.memory_space<hbm>>
      %dma_wait3A_140 = arith.constant 0 : i32
      %dma_wait3A_141 = arith.constant 0 : i32
      %dma_wait3A_142 = tpu.memref_slice %arg4[%arg1, %dma_wait3A_140, %dma_wait3A_141] : memref<16x160x128xi32, #tpu.memory_space<hbm>> -> memref<1x160x128xi32, #tpu.memory_space<hbm>>
      %dma_wait3A_143 = tpu.memref_squeeze %dma_wait3A_142 : memref<1x160x128xi32, #tpu.memory_space<hbm>> -> memref<160x128xi32, #tpu.memory_space<hbm>>
      tpu.wait_dma2 semaphore(%run_scoped3A : memref<!tpu.dma_semaphore, #tpu.memory_space<semaphore_mem>>) src(%dma_wait3A_143 : memref<160x128xi32, #tpu.memory_space<hbm>>) dst(%arg8 : memref<160x128xi32, #tpu.memory_space<vmem>>)
      tpu.yield
    }) : () -> ()
    %mul3A_1 = arith.constant 2 : i32
    %mul3A_2 = arith.muli %mul3A_1, %arg0 : i32
    %add3A = arith.constant 0 : i32
    %add3A_3 = arith.addi %mul3A_2, %add3A : i32
    %mul3A_4 = arith.constant 32 : i32
    %mul3A_5 = arith.muli %add3A_3, %mul3A_4 : i32
    "tpu.region"() ({
      %run_scoped3A = tpu.sem_alloc : memref<!tpu.dma_semaphore, #tpu.memory_space<semaphore_mem>>
      %dma_start3A_129 = arith.constant 0 : i32
      %dma_start3A_130 = tpu.memref_slice %arg10[%mul3A_0, %dma_start3A_129] : memref<10112x32xf32, #tpu.memory_space<vmem_shared>> -> memref<632x32xf32, #tpu.memory_space<vmem_shared>>
      %dma_start3A_131 = arith.constant 0 : i32
      %dma_start3A_132 = tpu.memref_slice %arg5[%mul3A_0, %dma_start3A_131] : memref<10112x32xf32, #tpu.memory_space<hbm>> -> memref<632x32xf32, #tpu.memory_space<hbm>>
      tpu.enqueue_dma source(%dma_start3A_132 : memref<632x32xf32, #tpu.memory_space<hbm>>) target(%dma_start3A_130 : memref<632x32xf32, #tpu.memory_space<vmem_shared>>) target_semaphore(%run_scoped3A : memref<!tpu.dma_semaphore, #tpu.memory_space<semaphore_mem>>)
      %dma_wait3A = arith.constant 0 : i32
      %dma_wait3A_133 = tpu.memref_slice %arg10[%mul3A_0, %dma_wait3A] : memref<10112x32xf32, #tpu.memory_space<vmem_shared>> -> memref<632x32xf32, #tpu.memory_space<vmem_shared>>
      %dma_wait3A_134 = arith.constant 0 : i32
      %dma_wait3A_135 = tpu.memref_slice %arg5[%mul3A_0, %dma_wait3A_134] : memref<10112x32xf32, #tpu.memory_space<hbm>> -> memref<632x32xf32, #tpu.memory_space<hbm>>
      tpu.wait_dma2 semaphore(%run_scoped3A : memref<!tpu.dma_semaphore, #tpu.memory_space<semaphore_mem>>) src(%dma_wait3A_135 : memref<632x32xf32, #tpu.memory_space<hbm>>) dst(%dma_wait3A_133 : memref<632x32xf32, #tpu.memory_space<vmem_shared>>)
      tpu.yield
    }) : () -> ()
    %mul3A_6 = arith.constant 625 : i32
    %mul3A_7 = arith.muli %arg1, %mul3A_6 : i32
    %mul3A_8 = arith.constant 625 : i32
    %mul3A_9 = arith.muli %arg1, %mul3A_8 : i32
    "tpu.region"() ({
      %run_scoped3A = tpu.sem_alloc : memref<!tpu.dma_semaphore, #tpu.memory_space<semaphore_mem>>
      %dma_start3A_129 = arith.constant 0 : i32
      %dma_start3A_130 = tpu.memref_slice %arg11[%mul3A_9, %dma_start3A_129] : memref<10000x32xf32, #tpu.memory_space<vmem_shared>> -> memref<625x32xf32, #tpu.memory_space<vmem_shared>>
      %dma_start3A_131 = tpu.memref_slice %arg2[%mul3A_7, %mul3A_5] : memref<10000x128xf32, #tpu.memory_space<hbm>> -> memref<625x32xf32, #tpu.memory_space<hbm>>
      tpu.enqueue_dma source(%dma_start3A_131 : memref<625x32xf32, #tpu.memory_space<hbm>>) target(%dma_start3A_130 : memref<625x32xf32, #tpu.memory_space<vmem_shared>>) target_semaphore(%run_scoped3A : memref<!tpu.dma_semaphore, #tpu.memory_space<semaphore_mem>>)
      %dma_wait3A = arith.constant 0 : i32
      %dma_wait3A_132 = tpu.memref_slice %arg11[%mul3A_9, %dma_wait3A] : memref<10000x32xf32, #tpu.memory_space<vmem_shared>> -> memref<625x32xf32, #tpu.memory_space<vmem_shared>>
      %dma_wait3A_133 = tpu.memref_slice %arg2[%mul3A_7, %mul3A_5] : memref<10000x128xf32, #tpu.memory_space<hbm>> -> memref<625x32xf32, #tpu.memory_space<hbm>>
      tpu.wait_dma2 semaphore(%run_scoped3A : memref<!tpu.dma_semaphore, #tpu.memory_space<semaphore_mem>>) src(%dma_wait3A_133 : memref<625x32xf32, #tpu.memory_space<hbm>>) dst(%dma_wait3A_132 : memref<625x32xf32, #tpu.memory_space<vmem_shared>>)
      tpu.yield
    }) : () -> ()
    %barrier3A = arith.constant 0 : index
    tpu.barrier barrier_id(%barrier3A)
    %dma_start3A = arith.constant 0 : i32
    %dma_start3A_10 = arith.constant 0 : i32
    %dma_start3A_11 = arith.constant 0 : i32
    %dma_start3A_12 = arith.constant 0 : i32
    %dma_start3A_13 = tpu.memref_slice %arg9[%dma_start3A_10, %dma_start3A_11, %dma_start3A_12] : memref<4x128x32xf32, #tpu.memory_space<vmem>> -> memref<1x128x32xf32, #tpu.memory_space<vmem>>
    %dma_start3A_14 = tpu.memref_squeeze %dma_start3A_13 : memref<1x128x32xf32, #tpu.memory_space<vmem>> -> memref<128x32xf32, #tpu.memory_space<vmem>>
    %dma_start3A_15 = arith.constant 0 : i32
    %dma_start3A_16 = tpu.memref_slice %arg7[%dma_start3A, %dma_start3A_15] : memref<160x128xi32, #tpu.memory_space<vmem>> -> memref<1x128xi32, #tpu.memory_space<vmem>>
    %dma_start3A_17 = tpu.memref_squeeze %dma_start3A_16 : memref<1x128xi32, #tpu.memory_space<vmem>> -> memref<128xi32, #tpu.memory_space<vmem>>
    %dma_start3A_18 = arith.constant 0 : i32
    %dma_start3A_19 = arith.constant 0 : i32
    %dma_start3A_20 = tpu.memref_slice %arg11[%dma_start3A_18, %dma_start3A_19] : memref<10000x32xf32, #tpu.memory_space<vmem_shared>> -> memref<10000x32xf32, #tpu.memory_space<vmem_shared>>
    tpu.enqueue_indirect_dma source(%dma_start3A_20 : memref<10000x32xf32, #tpu.memory_space<vmem_shared>>) target(%dma_start3A_14 : memref<128x32xf32, #tpu.memory_space<vmem>>) offsets(%dma_start3A_17 : memref<128xi32, #tpu.memory_space<vmem>>) semaphore(%arg12 : memref<!tpu.dma_semaphore, #tpu.memory_space<semaphore_mem>>)
    %dma_start3A_21 = arith.constant 1 : i32
    %dma_start3A_22 = arith.constant 1 : i32
    %dma_start3A_23 = arith.constant 0 : i32
    %dma_start3A_24 = arith.constant 0 : i32
    %dma_start3A_25 = tpu.memref_slice %arg9[%dma_start3A_22, %dma_start3A_23, %dma_start3A_24] : memref<4x128x32xf32, #tpu.memory_space<vmem>> -> memref<1x128x32xf32, #tpu.memory_space<vmem>>
    %dma_start3A_26 = tpu.memref_squeeze %dma_start3A_25 : memref<1x128x32xf32, #tpu.memory_space<vmem>> -> memref<128x32xf32, #tpu.memory_space<vmem>>
    %dma_start3A_27 = arith.constant 0 : i32
    %dma_start3A_28 = tpu.memref_slice %arg7[%dma_start3A_21, %dma_start3A_27] : memref<160x128xi32, #tpu.memory_space<vmem>> -> memref<1x128xi32, #tpu.memory_space<vmem>>
    %dma_start3A_29 = tpu.memref_squeeze %dma_start3A_28 : memref<1x128xi32, #tpu.memory_space<vmem>> -> memref<128xi32, #tpu.memory_space<vmem>>
    %dma_start3A_30 = arith.constant 0 : i32
    %dma_start3A_31 = arith.constant 0 : i32
    %dma_start3A_32 = tpu.memref_slice %arg11[%dma_start3A_30, %dma_start3A_31] : memref<10000x32xf32, #tpu.memory_space<vmem_shared>> -> memref<10000x32xf32, #tpu.memory_space<vmem_shared>>
    tpu.enqueue_indirect_dma source(%dma_start3A_32 : memref<10000x32xf32, #tpu.memory_space<vmem_shared>>) target(%dma_start3A_26 : memref<128x32xf32, #tpu.memory_space<vmem>>) offsets(%dma_start3A_29 : memref<128xi32, #tpu.memory_space<vmem>>) semaphore(%arg13 : memref<!tpu.dma_semaphore, #tpu.memory_space<semaphore_mem>>)
    %dma_start3A_33 = arith.constant 2 : i32
    %dma_start3A_34 = arith.constant 2 : i32
    %dma_start3A_35 = arith.constant 0 : i32
    %dma_start3A_36 = arith.constant 0 : i32
    %dma_start3A_37 = tpu.memref_slice %arg9[%dma_start3A_34, %dma_start3A_35, %dma_start3A_36] : memref<4x128x32xf32, #tpu.memory_space<vmem>> -> memref<1x128x32xf32, #tpu.memory_space<vmem>>
    %dma_start3A_38 = tpu.memref_squeeze %dma_start3A_37 : memref<1x128x32xf32, #tpu.memory_space<vmem>> -> memref<128x32xf32, #tpu.memory_space<vmem>>
    %dma_start3A_39 = arith.constant 0 : i32
    %dma_start3A_40 = tpu.memref_slice %arg7[%dma_start3A_33, %dma_start3A_39] : memref<160x128xi32, #tpu.memory_space<vmem>> -> memref<1x128xi32, #tpu.memory_space<vmem>>
    %dma_start3A_41 = tpu.memref_squeeze %dma_start3A_40 : memref<1x128xi32, #tpu.memory_space<vmem>> -> memref<128xi32, #tpu.memory_space<vmem>>
    %dma_start3A_42 = arith.constant 0 : i32
    %dma_start3A_43 = arith.constant 0 : i32
    %dma_start3A_44 = tpu.memref_slice %arg11[%dma_start3A_42, %dma_start3A_43] : memref<10000x32xf32, #tpu.memory_space<vmem_shared>> -> memref<10000x32xf32, #tpu.memory_space<vmem_shared>>
    tpu.enqueue_indirect_dma source(%dma_start3A_44 : memref<10000x32xf32, #tpu.memory_space<vmem_shared>>) target(%dma_start3A_38 : memref<128x32xf32, #tpu.memory_space<vmem>>) offsets(%dma_start3A_41 : memref<128xi32, #tpu.memory_space<vmem>>) semaphore(%arg14 : memref<!tpu.dma_semaphore, #tpu.memory_space<semaphore_mem>>)
    %dma_start3A_45 = arith.constant 3 : i32
    %dma_start3A_46 = arith.constant 3 : i32
    %dma_start3A_47 = arith.constant 0 : i32
    %dma_start3A_48 = arith.constant 0 : i32
    %dma_start3A_49 = tpu.memref_slice %arg9[%dma_start3A_46, %dma_start3A_47, %dma_start3A_48] : memref<4x128x32xf32, #tpu.memory_space<vmem>> -> memref<1x128x32xf32, #tpu.memory_space<vmem>>
    %dma_start3A_50 = tpu.memref_squeeze %dma_start3A_49 : memref<1x128x32xf32, #tpu.memory_space<vmem>> -> memref<128x32xf32, #tpu.memory_space<vmem>>
    %dma_start3A_51 = arith.constant 0 : i32
    %dma_start3A_52 = tpu.memref_slice %arg7[%dma_start3A_45, %dma_start3A_51] : memref<160x128xi32, #tpu.memory_space<vmem>> -> memref<1x128xi32, #tpu.memory_space<vmem>>
    %dma_start3A_53 = tpu.memref_squeeze %dma_start3A_52 : memref<1x128xi32, #tpu.memory_space<vmem>> -> memref<128xi32, #tpu.memory_space<vmem>>
    %dma_start3A_54 = arith.constant 0 : i32
    %dma_start3A_55 = arith.constant 0 : i32
    %dma_start3A_56 = tpu.memref_slice %arg11[%dma_start3A_54, %dma_start3A_55] : memref<10000x32xf32, #tpu.memory_space<vmem_shared>> -> memref<10000x32xf32, #tpu.memory_space<vmem_shared>>
    tpu.enqueue_indirect_dma source(%dma_start3A_56 : memref<10000x32xf32, #tpu.memory_space<vmem_shared>>) target(%dma_start3A_50 : memref<128x32xf32, #tpu.memory_space<vmem>>) offsets(%dma_start3A_53 : memref<128xi32, #tpu.memory_space<vmem>>) semaphore(%arg15 : memref<!tpu.dma_semaphore, #tpu.memory_space<semaphore_mem>>)
    %scan3A = arith.constant 0 : i32
    %scan3A_57 = arith.constant 0 : i32
    %scan3A_58 = arith.constant 40 : i32
    %scan3A_59 = arith.addi %scan3A_57, %scan3A_58 : i32
    %scan3A_60 = arith.constant 1 : i32
    scf.for %scan3A_129 = %scan3A_57 to %scan3A_59 step %scan3A_60  : i32 {
      %mul3A_130 = arith.constant 2 : i32
      %mul3A_131 = arith.muli %mul3A_130, %scan3A_129 : i32
      %mul3A_132 = arith.constant 2 : i32
      %mul3A_133 = arith.muli %mul3A_131, %mul3A_132 : i32
      %add3A_134 = arith.constant 0 : i32
      %add3A_135 = arith.addi %mul3A_133, %add3A_134 : i32
      %dma_wait3A = arith.constant 0 : i32
      %dma_wait3A_136 = arith.constant 0 : i32
      %dma_wait3A_137 = arith.constant 0 : i32
      %dma_wait3A_138 = tpu.memref_slice %arg9[%dma_wait3A, %dma_wait3A_136, %dma_wait3A_137] : memref<4x128x32xf32, #tpu.memory_space<vmem>> -> memref<1x128x32xf32, #tpu.memory_space<vmem>>
      %dma_wait3A_139 = tpu.memref_squeeze %dma_wait3A_138 : memref<1x128x32xf32, #tpu.memory_space<vmem>> -> memref<128x32xf32, #tpu.memory_space<vmem>>
      %dma_wait3A_140 = arith.constant 0 : i32
      %dma_wait3A_141 = tpu.memref_slice %arg7[%add3A_135, %dma_wait3A_140] : memref<160x128xi32, #tpu.memory_space<vmem>> -> memref<1x128xi32, #tpu.memory_space<vmem>>
      %dma_wait3A_142 = tpu.memref_squeeze %dma_wait3A_141 : memref<1x128xi32, #tpu.memory_space<vmem>> -> memref<128xi32, #tpu.memory_space<vmem>>
      %dma_wait3A_143 = arith.constant 0 : i32
      %dma_wait3A_144 = arith.constant 0 : i32
      %dma_wait3A_145 = tpu.memref_slice %arg11[%dma_wait3A_143, %dma_wait3A_144] : memref<10000x32xf32, #tpu.memory_space<vmem_shared>> -> memref<10000x32xf32, #tpu.memory_space<vmem_shared>>
      tpu.wait_indirect_dma semaphore(%arg12 : memref<!tpu.dma_semaphore, #tpu.memory_space<semaphore_mem>>) src(%dma_wait3A_145 : memref<10000x32xf32, #tpu.memory_space<vmem_shared>>) dst(%dma_wait3A_139 : memref<128x32xf32, #tpu.memory_space<vmem>>)
      %dma_start3A_146 = arith.constant 0 : i32
      %dma_start3A_147 = arith.constant 0 : i32
      %dma_start3A_148 = arith.constant 0 : i32
      %dma_start3A_149 = tpu.memref_slice %arg9[%dma_start3A_146, %dma_start3A_147, %dma_start3A_148] : memref<4x128x32xf32, #tpu.memory_space<vmem>> -> memref<1x128x32xf32, #tpu.memory_space<vmem>>
      %dma_start3A_150 = tpu.memref_squeeze %dma_start3A_149 : memref<1x128x32xf32, #tpu.memory_space<vmem>> -> memref<128x32xf32, #tpu.memory_space<vmem>>
      %dma_start3A_151 = arith.constant 0 : i32
      %dma_start3A_152 = tpu.memref_slice %arg8[%add3A_135, %dma_start3A_151] : memref<160x128xi32, #tpu.memory_space<vmem>> -> memref<1x128xi32, #tpu.memory_space<vmem>>
      %dma_start3A_153 = tpu.memref_squeeze %dma_start3A_152 : memref<1x128xi32, #tpu.memory_space<vmem>> -> memref<128xi32, #tpu.memory_space<vmem>>
      %dma_start3A_154 = arith.constant 0 : i32
      %dma_start3A_155 = arith.constant 0 : i32
      %dma_start3A_156 = tpu.memref_slice %arg10[%dma_start3A_154, %dma_start3A_155] : memref<10112x32xf32, #tpu.memory_space<vmem_shared>> -> memref<10112x32xf32, #tpu.memory_space<vmem_shared>>
      tpu.enqueue_indirect_dma source(%dma_start3A_150 : memref<128x32xf32, #tpu.memory_space<vmem>>) target(%dma_start3A_156 : memref<10112x32xf32, #tpu.memory_space<vmem_shared>>) offsets(%dma_start3A_153 : memref<128xi32, #tpu.memory_space<vmem>>) semaphore(%arg16 : memref<!tpu.dma_semaphore, #tpu.memory_space<semaphore_mem>>) {add = true}
      %mul3A_157 = arith.constant 2 : i32
      %mul3A_158 = arith.muli %mul3A_131, %mul3A_157 : i32
      %add3A_159 = arith.constant 1 : i32
      %add3A_160 = arith.addi %mul3A_158, %add3A_159 : i32
      %dma_wait3A_161 = arith.constant 1 : i32
      %dma_wait3A_162 = arith.constant 0 : i32
      %dma_wait3A_163 = arith.constant 0 : i32
      %dma_wait3A_164 = tpu.memref_slice %arg9[%dma_wait3A_161, %dma_wait3A_162, %dma_wait3A_163] : memref<4x128x32xf32, #tpu.memory_space<vmem>> -> memref<1x128x32xf32, #tpu.memory_space<vmem>>
      %dma_wait3A_165 = tpu.memref_squeeze %dma_wait3A_164 : memref<1x128x32xf32, #tpu.memory_space<vmem>> -> memref<128x32xf32, #tpu.memory_space<vmem>>
      %dma_wait3A_166 = arith.constant 0 : i32
      %dma_wait3A_167 = tpu.memref_slice %arg7[%add3A_160, %dma_wait3A_166] : memref<160x128xi32, #tpu.memory_space<vmem>> -> memref<1x128xi32, #tpu.memory_space<vmem>>
      %dma_wait3A_168 = tpu.memref_squeeze %dma_wait3A_167 : memref<1x128xi32, #tpu.memory_space<vmem>> -> memref<128xi32, #tpu.memory_space<vmem>>
      %dma_wait3A_169 = arith.constant 0 : i32
      %dma_wait3A_170 = arith.constant 0 : i32
      %dma_wait3A_171 = tpu.memref_slice %arg11[%dma_wait3A_169, %dma_wait3A_170] : memref<10000x32xf32, #tpu.memory_space<vmem_shared>> -> memref<10000x32xf32, #tpu.memory_space<vmem_shared>>
      tpu.wait_indirect_dma semaphore(%arg13 : memref<!tpu.dma_semaphore, #tpu.memory_space<semaphore_mem>>) src(%dma_wait3A_171 : memref<10000x32xf32, #tpu.memory_space<vmem_shared>>) dst(%dma_wait3A_165 : memref<128x32xf32, #tpu.memory_space<vmem>>)
      %dma_start3A_172 = arith.constant 1 : i32
      %dma_start3A_173 = arith.constant 0 : i32
      %dma_start3A_174 = arith.constant 0 : i32
      %dma_start3A_175 = tpu.memref_slice %arg9[%dma_start3A_172, %dma_start3A_173, %dma_start3A_174] : memref<4x128x32xf32, #tpu.memory_space<vmem>> -> memref<1x128x32xf32, #tpu.memory_space<vmem>>
      %dma_start3A_176 = tpu.memref_squeeze %dma_start3A_175 : memref<1x128x32xf32, #tpu.memory_space<vmem>> -> memref<128x32xf32, #tpu.memory_space<vmem>>
      %dma_start3A_177 = arith.constant 0 : i32
      %dma_start3A_178 = tpu.memref_slice %arg8[%add3A_160, %dma_start3A_177] : memref<160x128xi32, #tpu.memory_space<vmem>> -> memref<1x128xi32, #tpu.memory_space<vmem>>
      %dma_start3A_179 = tpu.memref_squeeze %dma_start3A_178 : memref<1x128xi32, #tpu.memory_space<vmem>> -> memref<128xi32, #tpu.memory_space<vmem>>
      %dma_start3A_180 = arith.constant 0 : i32
      %dma_start3A_181 = arith.constant 0 : i32
      %dma_start3A_182 = tpu.memref_slice %arg10[%dma_start3A_180, %dma_start3A_181] : memref<10112x32xf32, #tpu.memory_space<vmem_shared>> -> memref<10112x32xf32, #tpu.memory_space<vmem_shared>>
      tpu.enqueue_indirect_dma source(%dma_start3A_176 : memref<128x32xf32, #tpu.memory_space<vmem>>) target(%dma_start3A_182 : memref<10112x32xf32, #tpu.memory_space<vmem_shared>>) offsets(%dma_start3A_179 : memref<128xi32, #tpu.memory_space<vmem>>) semaphore(%arg17 : memref<!tpu.dma_semaphore, #tpu.memory_space<semaphore_mem>>) {add = true}
      %mul3A_183 = arith.constant 2 : i32
      %mul3A_184 = arith.muli %mul3A_131, %mul3A_183 : i32
      %add3A_185 = arith.constant 0 : i32
      %add3A_186 = arith.addi %mul3A_184, %add3A_185 : i32
      %dma_wait3A_187 = arith.constant 0 : i32
      %dma_wait3A_188 = arith.constant 0 : i32
      %dma_wait3A_189 = arith.constant 0 : i32
      %dma_wait3A_190 = tpu.memref_slice %arg9[%dma_wait3A_187, %dma_wait3A_188, %dma_wait3A_189] : memref<4x128x32xf32, #tpu.memory_space<vmem>> -> memref<1x128x32xf32, #tpu.memory_space<vmem>>
      %dma_wait3A_191 = tpu.memref_squeeze %dma_wait3A_190 : memref<1x128x32xf32, #tpu.memory_space<vmem>> -> memref<128x32xf32, #tpu.memory_space<vmem>>
      %dma_wait3A_192 = arith.constant 0 : i32
      %dma_wait3A_193 = tpu.memref_slice %arg8[%add3A_186, %dma_wait3A_192] : memref<160x128xi32, #tpu.memory_space<vmem>> -> memref<1x128xi32, #tpu.memory_space<vmem>>
      %dma_wait3A_194 = tpu.memref_squeeze %dma_wait3A_193 : memref<1x128xi32, #tpu.memory_space<vmem>> -> memref<128xi32, #tpu.memory_space<vmem>>
      %dma_wait3A_195 = arith.constant 0 : i32
      %dma_wait3A_196 = arith.constant 0 : i32
      %dma_wait3A_197 = tpu.memref_slice %arg10[%dma_wait3A_195, %dma_wait3A_196] : memref<10112x32xf32, #tpu.memory_space<vmem_shared>> -> memref<10112x32xf32, #tpu.memory_space<vmem_shared>>
      tpu.wait_indirect_dma semaphore(%arg16 : memref<!tpu.dma_semaphore, #tpu.memory_space<semaphore_mem>>) src(%dma_wait3A_191 : memref<128x32xf32, #tpu.memory_space<vmem>>) dst(%dma_wait3A_197 : memref<10112x32xf32, #tpu.memory_space<vmem_shared>>)
      %mul3A_198 = arith.constant 2 : i32
      %mul3A_199 = arith.muli %mul3A_131, %mul3A_198 : i32
      %add3A_200 = arith.constant 1 : i32
      %add3A_201 = arith.addi %mul3A_199, %add3A_200 : i32
      %dma_wait3A_202 = arith.constant 1 : i32
      %dma_wait3A_203 = arith.constant 0 : i32
      %dma_wait3A_204 = arith.constant 0 : i32
      %dma_wait3A_205 = tpu.memref_slice %arg9[%dma_wait3A_202, %dma_wait3A_203, %dma_wait3A_204] : memref<4x128x32xf32, #tpu.memory_space<vmem>> -> memref<1x128x32xf32, #tpu.memory_space<vmem>>
      %dma_wait3A_206 = tpu.memref_squeeze %dma_wait3A_205 : memref<1x128x32xf32, #tpu.memory_space<vmem>> -> memref<128x32xf32, #tpu.memory_space<vmem>>
      %dma_wait3A_207 = arith.constant 0 : i32
      %dma_wait3A_208 = tpu.memref_slice %arg8[%add3A_201, %dma_wait3A_207] : memref<160x128xi32, #tpu.memory_space<vmem>> -> memref<1x128xi32, #tpu.memory_space<vmem>>
      %dma_wait3A_209 = tpu.memref_squeeze %dma_wait3A_208 : memref<1x128xi32, #tpu.memory_space<vmem>> -> memref<128xi32, #tpu.memory_space<vmem>>
      %dma_wait3A_210 = arith.constant 0 : i32
      %dma_wait3A_211 = arith.constant 0 : i32
      %dma_wait3A_212 = tpu.memref_slice %arg10[%dma_wait3A_210, %dma_wait3A_211] : memref<10112x32xf32, #tpu.memory_space<vmem_shared>> -> memref<10112x32xf32, #tpu.memory_space<vmem_shared>>
      tpu.wait_indirect_dma semaphore(%arg17 : memref<!tpu.dma_semaphore, #tpu.memory_space<semaphore_mem>>) src(%dma_wait3A_206 : memref<128x32xf32, #tpu.memory_space<vmem>>) dst(%dma_wait3A_212 : memref<10112x32xf32, #tpu.memory_space<vmem_shared>>)
      %add3A_213 = arith.constant 2 : i32
      %add3A_214 = arith.addi %mul3A_131, %add3A_213 : i32
      %lt3A = arith.constant 80 : i32
      %lt3A_215 = arith.cmpi slt, %add3A_214, %lt3A : i32
      %convert_element_type3A = arith.extui %lt3A_215 : i1 to i32
      %cond3A = arith.constant 0 : i32
      %cond3A_216 = arith.cmpi ne, %convert_element_type3A, %cond3A : i32
      scf.if %cond3A_216 {
        %add3A_310 = arith.constant 2 : i32
        %add3A_311 = arith.addi %mul3A_131, %add3A_310 : i32
        %mul3A_312 = arith.constant 2 : i32
        %mul3A_313 = arith.muli %add3A_311, %mul3A_312 : i32
        %add3A_314 = arith.constant 0 : i32
        %add3A_315 = arith.addi %mul3A_313, %add3A_314 : i32
        %dma_start3A_316 = arith.constant 0 : i32
        %dma_start3A_317 = arith.constant 0 : i32
        %dma_start3A_318 = arith.constant 0 : i32
        %dma_start3A_319 = tpu.memref_slice %arg9[%dma_start3A_316, %dma_start3A_317, %dma_start3A_318] : memref<4x128x32xf32, #tpu.memory_space<vmem>> -> memref<1x128x32xf32, #tpu.memory_space<vmem>>
        %dma_start3A_320 = tpu.memref_squeeze %dma_start3A_319 : memref<1x128x32xf32, #tpu.memory_space<vmem>> -> memref<128x32xf32, #tpu.memory_space<vmem>>
        %dma_start3A_321 = arith.constant 0 : i32
        %dma_start3A_322 = tpu.memref_slice %arg7[%add3A_315, %dma_start3A_321] : memref<160x128xi32, #tpu.memory_space<vmem>> -> memref<1x128xi32, #tpu.memory_space<vmem>>
        %dma_start3A_323 = tpu.memref_squeeze %dma_start3A_322 : memref<1x128xi32, #tpu.memory_space<vmem>> -> memref<128xi32, #tpu.memory_space<vmem>>
        %dma_start3A_324 = arith.constant 0 : i32
        %dma_start3A_325 = arith.constant 0 : i32
        %dma_start3A_326 = tpu.memref_slice %arg11[%dma_start3A_324, %dma_start3A_325] : memref<10000x32xf32, #tpu.memory_space<vmem_shared>> -> memref<10000x32xf32, #tpu.memory_space<vmem_shared>>
        tpu.enqueue_indirect_dma source(%dma_start3A_326 : memref<10000x32xf32, #tpu.memory_space<vmem_shared>>) target(%dma_start3A_320 : memref<128x32xf32, #tpu.memory_space<vmem>>) offsets(%dma_start3A_323 : memref<128xi32, #tpu.memory_space<vmem>>) semaphore(%arg12 : memref<!tpu.dma_semaphore, #tpu.memory_space<semaphore_mem>>)
        %add3A_327 = arith.constant 2 : i32
        %add3A_328 = arith.addi %mul3A_131, %add3A_327 : i32
        %mul3A_329 = arith.constant 2 : i32
        %mul3A_330 = arith.muli %add3A_328, %mul3A_329 : i32
        %add3A_331 = arith.constant 1 : i32
        %add3A_332 = arith.addi %mul3A_330, %add3A_331 : i32
        %dma_start3A_333 = arith.constant 1 : i32
        %dma_start3A_334 = arith.constant 0 : i32
        %dma_start3A_335 = arith.constant 0 : i32
        %dma_start3A_336 = tpu.memref_slice %arg9[%dma_start3A_333, %dma_start3A_334, %dma_start3A_335] : memref<4x128x32xf32, #tpu.memory_space<vmem>> -> memref<1x128x32xf32, #tpu.memory_space<vmem>>
        %dma_start3A_337 = tpu.memref_squeeze %dma_start3A_336 : memref<1x128x32xf32, #tpu.memory_space<vmem>> -> memref<128x32xf32, #tpu.memory_space<vmem>>
        %dma_start3A_338 = arith.constant 0 : i32
        %dma_start3A_339 = tpu.memref_slice %arg7[%add3A_332, %dma_start3A_338] : memref<160x128xi32, #tpu.memory_space<vmem>> -> memref<1x128xi32, #tpu.memory_space<vmem>>
        %dma_start3A_340 = tpu.memref_squeeze %dma_start3A_339 : memref<1x128xi32, #tpu.memory_space<vmem>> -> memref<128xi32, #tpu.memory_space<vmem>>
        %dma_start3A_341 = arith.constant 0 : i32
        %dma_start3A_342 = arith.constant 0 : i32
        %dma_start3A_343 = tpu.memref_slice %arg11[%dma_start3A_341, %dma_start3A_342] : memref<10000x32xf32, #tpu.memory_space<vmem_shared>> -> memref<10000x32xf32, #tpu.memory_space<vmem_shared>>
        tpu.enqueue_indirect_dma source(%dma_start3A_343 : memref<10000x32xf32, #tpu.memory_space<vmem_shared>>) target(%dma_start3A_337 : memref<128x32xf32, #tpu.memory_space<vmem>>) offsets(%dma_start3A_340 : memref<128xi32, #tpu.memory_space<vmem>>) semaphore(%arg13 : memref<!tpu.dma_semaphore, #tpu.memory_space<semaphore_mem>>)
      } else {
      }
      %mul3A_217 = arith.constant 2 : i32
      %mul3A_218 = arith.muli %mul3A_217, %scan3A_129 : i32
      %add3A_219 = arith.constant 1 : i32
      %add3A_220 = arith.addi %mul3A_218, %add3A_219 : i32
      %mul3A_221 = arith.constant 2 : i32
      %mul3A_222 = arith.muli %add3A_220, %mul3A_221 : i32
      %add3A_223 = arith.constant 0 : i32
      %add3A_224 = arith.addi %mul3A_222, %add3A_223 : i32
      %dma_wait3A_225 = arith.constant 2 : i32
      %dma_wait3A_226 = arith.constant 0 : i32
      %dma_wait3A_227 = arith.constant 0 : i32
      %dma_wait3A_228 = tpu.memref_slice %arg9[%dma_wait3A_225, %dma_wait3A_226, %dma_wait3A_227] : memref<4x128x32xf32, #tpu.memory_space<vmem>> -> memref<1x128x32xf32, #tpu.memory_space<vmem>>
      %dma_wait3A_229 = tpu.memref_squeeze %dma_wait3A_228 : memref<1x128x32xf32, #tpu.memory_space<vmem>> -> memref<128x32xf32, #tpu.memory_space<vmem>>
      %dma_wait3A_230 = arith.constant 0 : i32
      %dma_wait3A_231 = tpu.memref_slice %arg7[%add3A_224, %dma_wait3A_230] : memref<160x128xi32, #tpu.memory_space<vmem>> -> memref<1x128xi32, #tpu.memory_space<vmem>>
      %dma_wait3A_232 = tpu.memref_squeeze %dma_wait3A_231 : memref<1x128xi32, #tpu.memory_space<vmem>> -> memref<128xi32, #tpu.memory_space<vmem>>
      %dma_wait3A_233 = arith.constant 0 : i32
      %dma_wait3A_234 = arith.constant 0 : i32
      %dma_wait3A_235 = tpu.memref_slice %arg11[%dma_wait3A_233, %dma_wait3A_234] : memref<10000x32xf32, #tpu.memory_space<vmem_shared>> -> memref<10000x32xf32, #tpu.memory_space<vmem_shared>>
      tpu.wait_indirect_dma semaphore(%arg14 : memref<!tpu.dma_semaphore, #tpu.memory_space<semaphore_mem>>) src(%dma_wait3A_235 : memref<10000x32xf32, #tpu.memory_space<vmem_shared>>) dst(%dma_wait3A_229 : memref<128x32xf32, #tpu.memory_space<vmem>>)
      %dma_start3A_236 = arith.constant 2 : i32
      %dma_start3A_237 = arith.constant 0 : i32
      %dma_start3A_238 = arith.constant 0 : i32
      %dma_start3A_239 = tpu.memref_slice %arg9[%dma_start3A_236, %dma_start3A_237, %dma_start3A_238] : memref<4x128x32xf32, #tpu.memory_space<vmem>> -> memref<1x128x32xf32, #tpu.memory_space<vmem>>
      %dma_start3A_240 = tpu.memref_squeeze %dma_start3A_239 : memref<1x128x32xf32, #tpu.memory_space<vmem>> -> memref<128x32xf32, #tpu.memory_space<vmem>>
      %dma_start3A_241 = arith.constant 0 : i32
      %dma_start3A_242 = tpu.memref_slice %arg8[%add3A_224, %dma_start3A_241] : memref<160x128xi32, #tpu.memory_space<vmem>> -> memref<1x128xi32, #tpu.memory_space<vmem>>
      %dma_start3A_243 = tpu.memref_squeeze %dma_start3A_242 : memref<1x128xi32, #tpu.memory_space<vmem>> -> memref<128xi32, #tpu.memory_space<vmem>>
      %dma_start3A_244 = arith.constant 0 : i32
      %dma_start3A_245 = arith.constant 0 : i32
      %dma_start3A_246 = tpu.memref_slice %arg10[%dma_start3A_244, %dma_start3A_245] : memref<10112x32xf32, #tpu.memory_space<vmem_shared>> -> memref<10112x32xf32, #tpu.memory_space<vmem_shared>>
      tpu.enqueue_indirect_dma source(%dma_start3A_240 : memref<128x32xf32, #tpu.memory_space<vmem>>) target(%dma_start3A_246 : memref<10112x32xf32, #tpu.memory_space<vmem_shared>>) offsets(%dma_start3A_243 : memref<128xi32, #tpu.memory_space<vmem>>) semaphore(%arg18 : memref<!tpu.dma_semaphore, #tpu.memory_space<semaphore_mem>>) {add = true}
      %mul3A_247 = arith.constant 2 : i32
      %mul3A_248 = arith.muli %add3A_220, %mul3A_247 : i32
      %add3A_249 = arith.constant 1 : i32
      %add3A_250 = arith.addi %mul3A_248, %add3A_249 : i32
      %dma_wait3A_251 = arith.constant 3 : i32
      %dma_wait3A_252 = arith.constant 0 : i32
      %dma_wait3A_253 = arith.constant 0 : i32
      %dma_wait3A_254 = tpu.memref_slice %arg9[%dma_wait3A_251, %dma_wait3A_252, %dma_wait3A_253] : memref<4x128x32xf32, #tpu.memory_space<vmem>> -> memref<1x128x32xf32, #tpu.memory_space<vmem>>
      %dma_wait3A_255 = tpu.memref_squeeze %dma_wait3A_254 : memref<1x128x32xf32, #tpu.memory_space<vmem>> -> memref<128x32xf32, #tpu.memory_space<vmem>>
      %dma_wait3A_256 = arith.constant 0 : i32
      %dma_wait3A_257 = tpu.memref_slice %arg7[%add3A_250, %dma_wait3A_256] : memref<160x128xi32, #tpu.memory_space<vmem>> -> memref<1x128xi32, #tpu.memory_space<vmem>>
      %dma_wait3A_258 = tpu.memref_squeeze %dma_wait3A_257 : memref<1x128xi32, #tpu.memory_space<vmem>> -> memref<128xi32, #tpu.memory_space<vmem>>
      %dma_wait3A_259 = arith.constant 0 : i32
      %dma_wait3A_260 = arith.constant 0 : i32
      %dma_wait3A_261 = tpu.memref_slice %arg11[%dma_wait3A_259, %dma_wait3A_260] : memref<10000x32xf32, #tpu.memory_space<vmem_shared>> -> memref<10000x32xf32, #tpu.memory_space<vmem_shared>>
      tpu.wait_indirect_dma semaphore(%arg15 : memref<!tpu.dma_semaphore, #tpu.memory_space<semaphore_mem>>) src(%dma_wait3A_261 : memref<10000x32xf32, #tpu.memory_space<vmem_shared>>) dst(%dma_wait3A_255 : memref<128x32xf32, #tpu.memory_space<vmem>>)
      %dma_start3A_262 = arith.constant 3 : i32
      %dma_start3A_263 = arith.constant 0 : i32
      %dma_start3A_264 = arith.constant 0 : i32
      %dma_start3A_265 = tpu.memref_slice %arg9[%dma_start3A_262, %dma_start3A_263, %dma_start3A_264] : memref<4x128x32xf32, #tpu.memory_space<vmem>> -> memref<1x128x32xf32, #tpu.memory_space<vmem>>
      %dma_start3A_266 = tpu.memref_squeeze %dma_start3A_265 : memref<1x128x32xf32, #tpu.memory_space<vmem>> -> memref<128x32xf32, #tpu.memory_space<vmem>>
      %dma_start3A_267 = arith.constant 0 : i32
      %dma_start3A_268 = tpu.memref_slice %arg8[%add3A_250, %dma_start3A_267] : memref<160x128xi32, #tpu.memory_space<vmem>> -> memref<1x128xi32, #tpu.memory_space<vmem>>
      %dma_start3A_269 = tpu.memref_squeeze %dma_start3A_268 : memref<1x128xi32, #tpu.memory_space<vmem>> -> memref<128xi32, #tpu.memory_space<vmem>>
      %dma_start3A_270 = arith.constant 0 : i32
      %dma_start3A_271 = arith.constant 0 : i32
      %dma_start3A_272 = tpu.memref_slice %arg10[%dma_start3A_270, %dma_start3A_271] : memref<10112x32xf32, #tpu.memory_space<vmem_shared>> -> memref<10112x32xf32, #tpu.memory_space<vmem_shared>>
      tpu.enqueue_indirect_dma source(%dma_start3A_266 : memref<128x32xf32, #tpu.memory_space<vmem>>) target(%dma_start3A_272 : memref<10112x32xf32, #tpu.memory_space<vmem_shared>>) offsets(%dma_start3A_269 : memref<128xi32, #tpu.memory_space<vmem>>) semaphore(%arg19 : memref<!tpu.dma_semaphore, #tpu.memory_space<semaphore_mem>>) {add = true}
      %mul3A_273 = arith.constant 2 : i32
      %mul3A_274 = arith.muli %add3A_220, %mul3A_273 : i32
      %add3A_275 = arith.constant 0 : i32
      %add3A_276 = arith.addi %mul3A_274, %add3A_275 : i32
      %dma_wait3A_277 = arith.constant 2 : i32
      %dma_wait3A_278 = arith.constant 0 : i32
      %dma_wait3A_279 = arith.constant 0 : i32
      %dma_wait3A_280 = tpu.memref_slice %arg9[%dma_wait3A_277, %dma_wait3A_278, %dma_wait3A_279] : memref<4x128x32xf32, #tpu.memory_space<vmem>> -> memref<1x128x32xf32, #tpu.memory_space<vmem>>
      %dma_wait3A_281 = tpu.memref_squeeze %dma_wait3A_280 : memref<1x128x32xf32, #tpu.memory_space<vmem>> -> memref<128x32xf32, #tpu.memory_space<vmem>>
      %dma_wait3A_282 = arith.constant 0 : i32
      %dma_wait3A_283 = tpu.memref_slice %arg8[%add3A_276, %dma_wait3A_282] : memref<160x128xi32, #tpu.memory_space<vmem>> -> memref<1x128xi32, #tpu.memory_space<vmem>>
      %dma_wait3A_284 = tpu.memref_squeeze %dma_wait3A_283 : memref<1x128xi32, #tpu.memory_space<vmem>> -> memref<128xi32, #tpu.memory_space<vmem>>
      %dma_wait3A_285 = arith.constant 0 : i32
      %dma_wait3A_286 = arith.constant 0 : i32
      %dma_wait3A_287 = tpu.memref_slice %arg10[%dma_wait3A_285, %dma_wait3A_286] : memref<10112x32xf32, #tpu.memory_space<vmem_shared>> -> memref<10112x32xf32, #tpu.memory_space<vmem_shared>>
      tpu.wait_indirect_dma semaphore(%arg18 : memref<!tpu.dma_semaphore, #tpu.memory_space<semaphore_mem>>) src(%dma_wait3A_281 : memref<128x32xf32, #tpu.memory_space<vmem>>) dst(%dma_wait3A_287 : memref<10112x32xf32, #tpu.memory_space<vmem_shared>>)
      %mul3A_288 = arith.constant 2 : i32
      %mul3A_289 = arith.muli %add3A_220, %mul3A_288 : i32
      %add3A_290 = arith.constant 1 : i32
      %add3A_291 = arith.addi %mul3A_289, %add3A_290 : i32
      %dma_wait3A_292 = arith.constant 3 : i32
      %dma_wait3A_293 = arith.constant 0 : i32
      %dma_wait3A_294 = arith.constant 0 : i32
      %dma_wait3A_295 = tpu.memref_slice %arg9[%dma_wait3A_292, %dma_wait3A_293, %dma_wait3A_294] : memref<4x128x32xf32, #tpu.memory_space<vmem>> -> memref<1x128x32xf32, #tpu.memory_space<vmem>>
      %dma_wait3A_296 = tpu.memref_squeeze %dma_wait3A_295 : memref<1x128x32xf32, #tpu.memory_space<vmem>> -> memref<128x32xf32, #tpu.memory_space<vmem>>
      %dma_wait3A_297 = arith.constant 0 : i32
      %dma_wait3A_298 = tpu.memref_slice %arg8[%add3A_291, %dma_wait3A_297] : memref<160x128xi32, #tpu.memory_space<vmem>> -> memref<1x128xi32, #tpu.memory_space<vmem>>
      %dma_wait3A_299 = tpu.memref_squeeze %dma_wait3A_298 : memref<1x128xi32, #tpu.memory_space<vmem>> -> memref<128xi32, #tpu.memory_space<vmem>>
      %dma_wait3A_300 = arith.constant 0 : i32
      %dma_wait3A_301 = arith.constant 0 : i32
      %dma_wait3A_302 = tpu.memref_slice %arg10[%dma_wait3A_300, %dma_wait3A_301] : memref<10112x32xf32, #tpu.memory_space<vmem_shared>> -> memref<10112x32xf32, #tpu.memory_space<vmem_shared>>
      tpu.wait_indirect_dma semaphore(%arg19 : memref<!tpu.dma_semaphore, #tpu.memory_space<semaphore_mem>>) src(%dma_wait3A_296 : memref<128x32xf32, #tpu.memory_space<vmem>>) dst(%dma_wait3A_302 : memref<10112x32xf32, #tpu.memory_space<vmem_shared>>)
      %add3A_303 = arith.constant 2 : i32
      %add3A_304 = arith.addi %add3A_220, %add3A_303 : i32
      %lt3A_305 = arith.constant 80 : i32
      %lt3A_306 = arith.cmpi slt, %add3A_304, %lt3A_305 : i32
      %convert_element_type3A_307 = arith.extui %lt3A_306 : i1 to i32
      %cond3A_308 = arith.constant 0 : i32
      %cond3A_309 = arith.cmpi ne, %convert_element_type3A_307, %cond3A_308 : i32
      scf.if %cond3A_309 {
        %add3A_310 = arith.constant 2 : i32
        %add3A_311 = arith.addi %add3A_220, %add3A_310 : i32
        %mul3A_312 = arith.constant 2 : i32
        %mul3A_313 = arith.muli %add3A_311, %mul3A_312 : i32
        %add3A_314 = arith.constant 0 : i32
        %add3A_315 = arith.addi %mul3A_313, %add3A_314 : i32
        %dma_start3A_316 = arith.constant 2 : i32
        %dma_start3A_317 = arith.constant 0 : i32
        %dma_start3A_318 = arith.constant 0 : i32
        %dma_start3A_319 = tpu.memref_slice %arg9[%dma_start3A_316, %dma_start3A_317, %dma_start3A_318] : memref<4x128x32xf32, #tpu.memory_space<vmem>> -> memref<1x128x32xf32, #tpu.memory_space<vmem>>
        %dma_start3A_320 = tpu.memref_squeeze %dma_start3A_319 : memref<1x128x32xf32, #tpu.memory_space<vmem>> -> memref<128x32xf32, #tpu.memory_space<vmem>>
        %dma_start3A_321 = arith.constant 0 : i32
        %dma_start3A_322 = tpu.memref_slice %arg7[%add3A_315, %dma_start3A_321] : memref<160x128xi32, #tpu.memory_space<vmem>> -> memref<1x128xi32, #tpu.memory_space<vmem>>
        %dma_start3A_323 = tpu.memref_squeeze %dma_start3A_322 : memref<1x128xi32, #tpu.memory_space<vmem>> -> memref<128xi32, #tpu.memory_space<vmem>>
        %dma_start3A_324 = arith.constant 0 : i32
        %dma_start3A_325 = arith.constant 0 : i32
        %dma_start3A_326 = tpu.memref_slice %arg11[%dma_start3A_324, %dma_start3A_325] : memref<10000x32xf32, #tpu.memory_space<vmem_shared>> -> memref<10000x32xf32, #tpu.memory_space<vmem_shared>>
        tpu.enqueue_indirect_dma source(%dma_start3A_326 : memref<10000x32xf32, #tpu.memory_space<vmem_shared>>) target(%dma_start3A_320 : memref<128x32xf32, #tpu.memory_space<vmem>>) offsets(%dma_start3A_323 : memref<128xi32, #tpu.memory_space<vmem>>) semaphore(%arg14 : memref<!tpu.dma_semaphore, #tpu.memory_space<semaphore_mem>>)
        %add3A_327 = arith.constant 2 : i32
        %add3A_328 = arith.addi %add3A_220, %add3A_327 : i32
        %mul3A_329 = arith.constant 2 : i32
        %mul3A_330 = arith.muli %add3A_328, %mul3A_329 : i32
        %add3A_331 = arith.constant 1 : i32
        %add3A_332 = arith.addi %mul3A_330, %add3A_331 : i32
        %dma_start3A_333 = arith.constant 3 : i32
        %dma_start3A_334 = arith.constant 0 : i32
        %dma_start3A_335 = arith.constant 0 : i32
        %dma_start3A_336 = tpu.memref_slice %arg9[%dma_start3A_333, %dma_start3A_334, %dma_start3A_335] : memref<4x128x32xf32, #tpu.memory_space<vmem>> -> memref<1x128x32xf32, #tpu.memory_space<vmem>>
        %dma_start3A_337 = tpu.memref_squeeze %dma_start3A_336 : memref<1x128x32xf32, #tpu.memory_space<vmem>> -> memref<128x32xf32, #tpu.memory_space<vmem>>
        %dma_start3A_338 = arith.constant 0 : i32
        %dma_start3A_339 = tpu.memref_slice %arg7[%add3A_332, %dma_start3A_338] : memref<160x128xi32, #tpu.memory_space<vmem>> -> memref<1x128xi32, #tpu.memory_space<vmem>>
        %dma_start3A_340 = tpu.memref_squeeze %dma_start3A_339 : memref<1x128xi32, #tpu.memory_space<vmem>> -> memref<128xi32, #tpu.memory_space<vmem>>
        %dma_start3A_341 = arith.constant 0 : i32
        %dma_start3A_342 = arith.constant 0 : i32
        %dma_start3A_343 = tpu.memref_slice %arg11[%dma_start3A_341, %dma_start3A_342] : memref<10000x32xf32, #tpu.memory_space<vmem_shared>> -> memref<10000x32xf32, #tpu.memory_space<vmem_shared>>
        tpu.enqueue_indirect_dma source(%dma_start3A_343 : memref<10000x32xf32, #tpu.memory_space<vmem_shared>>) target(%dma_start3A_337 : memref<128x32xf32, #tpu.memory_space<vmem>>) offsets(%dma_start3A_340 : memref<128xi32, #tpu.memory_space<vmem>>) semaphore(%arg15 : memref<!tpu.dma_semaphore, #tpu.memory_space<semaphore_mem>>)
      } else {
      }
    }
    %scan3A_61 = arith.constant 40 : i32
    %barrier3A_62 = arith.constant 0 : index
    tpu.barrier barrier_id(%barrier3A_62)
    "tpu.region"() ({
      %run_scoped3A = tpu.sem_alloc : memref<!tpu.dma_semaphore, #tpu.memory_space<semaphore_mem>>
      %dma_start3A_129 = tpu.memref_slice %arg6[%mul3A_0, %mul3A_5] : memref<10112x128xf32, #tpu.memory_space<hbm>> -> memref<632x32xf32, #tpu.memory_space<hbm>>
      %dma_start3A_130 = arith.constant 0 : i32
      %dma_start3A_131 = tpu.memref_slice %arg10[%mul3A_0, %dma_start3A_130] : memref<10112x32xf32, #tpu.memory_space<vmem_shared>> -> memref<632x32xf32, #tpu.memory_space<vmem_shared>>
      tpu.enqueue_dma source(%dma_start3A_131 : memref<632x32xf32, #tpu.memory_space<vmem_shared>>) target(%dma_start3A_129 : memref<632x32xf32, #tpu.memory_space<hbm>>) target_semaphore(%run_scoped3A : memref<!tpu.dma_semaphore, #tpu.memory_space<semaphore_mem>>)
      %dma_wait3A = tpu.memref_slice %arg6[%mul3A_0, %mul3A_5] : memref<10112x128xf32, #tpu.memory_space<hbm>> -> memref<632x32xf32, #tpu.memory_space<hbm>>
      %dma_wait3A_132 = arith.constant 0 : i32
      %dma_wait3A_133 = tpu.memref_slice %arg10[%mul3A_0, %dma_wait3A_132] : memref<10112x32xf32, #tpu.memory_space<vmem_shared>> -> memref<632x32xf32, #tpu.memory_space<vmem_shared>>
      tpu.wait_dma2 semaphore(%run_scoped3A : memref<!tpu.dma_semaphore, #tpu.memory_space<semaphore_mem>>) src(%dma_wait3A_133 : memref<632x32xf32, #tpu.memory_space<vmem_shared>>) dst(%dma_wait3A : memref<632x32xf32, #tpu.memory_space<hbm>>)
      tpu.yield
    }) : () -> ()
    %mul3A_63 = arith.constant 2 : i32
    %mul3A_64 = arith.muli %mul3A_63, %arg0 : i32
    %add3A_65 = arith.constant 1 : i32
    %add3A_66 = arith.addi %mul3A_64, %add3A_65 : i32
    %mul3A_67 = arith.constant 32 : i32
    %mul3A_68 = arith.muli %add3A_66, %mul3A_67 : i32
    "tpu.region"() ({
      %run_scoped3A = tpu.sem_alloc : memref<!tpu.dma_semaphore, #tpu.memory_space<semaphore_mem>>
      %dma_start3A_129 = arith.constant 0 : i32
      %dma_start3A_130 = tpu.memref_slice %arg10[%mul3A_0, %dma_start3A_129] : memref<10112x32xf32, #tpu.memory_space<vmem_shared>> -> memref<632x32xf32, #tpu.memory_space<vmem_shared>>
      %dma_start3A_131 = arith.constant 0 : i32
      %dma_start3A_132 = tpu.memref_slice %arg5[%mul3A_0, %dma_start3A_131] : memref<10112x32xf32, #tpu.memory_space<hbm>> -> memref<632x32xf32, #tpu.memory_space<hbm>>
      tpu.enqueue_dma source(%dma_start3A_132 : memref<632x32xf32, #tpu.memory_space<hbm>>) target(%dma_start3A_130 : memref<632x32xf32, #tpu.memory_space<vmem_shared>>) target_semaphore(%run_scoped3A : memref<!tpu.dma_semaphore, #tpu.memory_space<semaphore_mem>>)
      %dma_wait3A = arith.constant 0 : i32
      %dma_wait3A_133 = tpu.memref_slice %arg10[%mul3A_0, %dma_wait3A] : memref<10112x32xf32, #tpu.memory_space<vmem_shared>> -> memref<632x32xf32, #tpu.memory_space<vmem_shared>>
      %dma_wait3A_134 = arith.constant 0 : i32
      %dma_wait3A_135 = tpu.memref_slice %arg5[%mul3A_0, %dma_wait3A_134] : memref<10112x32xf32, #tpu.memory_space<hbm>> -> memref<632x32xf32, #tpu.memory_space<hbm>>
      tpu.wait_dma2 semaphore(%run_scoped3A : memref<!tpu.dma_semaphore, #tpu.memory_space<semaphore_mem>>) src(%dma_wait3A_135 : memref<632x32xf32, #tpu.memory_space<hbm>>) dst(%dma_wait3A_133 : memref<632x32xf32, #tpu.memory_space<vmem_shared>>)
      tpu.yield
    }) : () -> ()
    %mul3A_69 = arith.constant 625 : i32
    %mul3A_70 = arith.muli %arg1, %mul3A_69 : i32
    %mul3A_71 = arith.constant 625 : i32
    %mul3A_72 = arith.muli %arg1, %mul3A_71 : i32
    "tpu.region"() ({
      %run_scoped3A = tpu.sem_alloc : memref<!tpu.dma_semaphore, #tpu.memory_space<semaphore_mem>>
      %dma_start3A_129 = arith.constant 0 : i32
      %dma_start3A_130 = tpu.memref_slice %arg11[%mul3A_72, %dma_start3A_129] : memref<10000x32xf32, #tpu.memory_space<vmem_shared>> -> memref<625x32xf32, #tpu.memory_space<vmem_shared>>
      %dma_start3A_131 = tpu.memref_slice %arg2[%mul3A_70, %mul3A_68] : memref<10000x128xf32, #tpu.memory_space<hbm>> -> memref<625x32xf32, #tpu.memory_space<hbm>>
      tpu.enqueue_dma source(%dma_start3A_131 : memref<625x32xf32, #tpu.memory_space<hbm>>) target(%dma_start3A_130 : memref<625x32xf32, #tpu.memory_space<vmem_shared>>) target_semaphore(%run_scoped3A : memref<!tpu.dma_semaphore, #tpu.memory_space<semaphore_mem>>)
      %dma_wait3A = arith.constant 0 : i32
      %dma_wait3A_132 = tpu.memref_slice %arg11[%mul3A_72, %dma_wait3A] : memref<10000x32xf32, #tpu.memory_space<vmem_shared>> -> memref<625x32xf32, #tpu.memory_space<vmem_shared>>
      %dma_wait3A_133 = tpu.memref_slice %arg2[%mul3A_70, %mul3A_68] : memref<10000x128xf32, #tpu.memory_space<hbm>> -> memref<625x32xf32, #tpu.memory_space<hbm>>
      tpu.wait_dma2 semaphore(%run_scoped3A : memref<!tpu.dma_semaphore, #tpu.memory_space<semaphore_mem>>) src(%dma_wait3A_133 : memref<625x32xf32, #tpu.memory_space<hbm>>) dst(%dma_wait3A_132 : memref<625x32xf32, #tpu.memory_space<vmem_shared>>)
      tpu.yield
    }) : () -> ()
    %barrier3A_73 = arith.constant 0 : index
    tpu.barrier barrier_id(%barrier3A_73)
    %dma_start3A_74 = arith.constant 0 : i32
    %dma_start3A_75 = arith.constant 0 : i32
    %dma_start3A_76 = arith.constant 0 : i32
    %dma_start3A_77 = arith.constant 0 : i32
    %dma_start3A_78 = tpu.memref_slice %arg9[%dma_start3A_75, %dma_start3A_76, %dma_start3A_77] : memref<4x128x32xf32, #tpu.memory_space<vmem>> -> memref<1x128x32xf32, #tpu.memory_space<vmem>>
    %dma_start3A_79 = tpu.memref_squeeze %dma_start3A_78 : memref<1x128x32xf32, #tpu.memory_space<vmem>> -> memref<128x32xf32, #tpu.memory_space<vmem>>
    %dma_start3A_80 = arith.constant 0 : i32
    %dma_start3A_81 = tpu.memref_slice %arg7[%dma_start3A_74, %dma_start3A_80] : memref<160x128xi32, #tpu.memory_space<vmem>> -> memref<1x128xi32, #tpu.memory_space<vmem>>
    %dma_start3A_82 = tpu.memref_squeeze %dma_start3A_81 : memref<1x128xi32, #tpu.memory_space<vmem>> -> memref<128xi32, #tpu.memory_space<vmem>>
    %dma_start3A_83 = arith.constant 0 : i32
    %dma_start3A_84 = arith.constant 0 : i32
    %dma_start3A_85 = tpu.memref_slice %arg11[%dma_start3A_83, %dma_start3A_84] : memref<10000x32xf32, #tpu.memory_space<vmem_shared>> -> memref<10000x32xf32, #tpu.memory_space<vmem_shared>>
    tpu.enqueue_indirect_dma source(%dma_start3A_85 : memref<10000x32xf32, #tpu.memory_space<vmem_shared>>) target(%dma_start3A_79 : memref<128x32xf32, #tpu.memory_space<vmem>>) offsets(%dma_start3A_82 : memref<128xi32, #tpu.memory_space<vmem>>) semaphore(%arg12 : memref<!tpu.dma_semaphore, #tpu.memory_space<semaphore_mem>>)
    %dma_start3A_86 = arith.constant 1 : i32
    %dma_start3A_87 = arith.constant 1 : i32
    %dma_start3A_88 = arith.constant 0 : i32
    %dma_start3A_89 = arith.constant 0 : i32
    %dma_start3A_90 = tpu.memref_slice %arg9[%dma_start3A_87, %dma_start3A_88, %dma_start3A_89] : memref<4x128x32xf32, #tpu.memory_space<vmem>> -> memref<1x128x32xf32, #tpu.memory_space<vmem>>
    %dma_start3A_91 = tpu.memref_squeeze %dma_start3A_90 : memref<1x128x32xf32, #tpu.memory_space<vmem>> -> memref<128x32xf32, #tpu.memory_space<vmem>>
    %dma_start3A_92 = arith.constant 0 : i32
    %dma_start3A_93 = tpu.memref_slice %arg7[%dma_start3A_86, %dma_start3A_92] : memref<160x128xi32, #tpu.memory_space<vmem>> -> memref<1x128xi32, #tpu.memory_space<vmem>>
    %dma_start3A_94 = tpu.memref_squeeze %dma_start3A_93 : memref<1x128xi32, #tpu.memory_space<vmem>> -> memref<128xi32, #tpu.memory_space<vmem>>
    %dma_start3A_95 = arith.constant 0 : i32
    %dma_start3A_96 = arith.constant 0 : i32
    %dma_start3A_97 = tpu.memref_slice %arg11[%dma_start3A_95, %dma_start3A_96] : memref<10000x32xf32, #tpu.memory_space<vmem_shared>> -> memref<10000x32xf32, #tpu.memory_space<vmem_shared>>
    tpu.enqueue_indirect_dma source(%dma_start3A_97 : memref<10000x32xf32, #tpu.memory_space<vmem_shared>>) target(%dma_start3A_91 : memref<128x32xf32, #tpu.memory_space<vmem>>) offsets(%dma_start3A_94 : memref<128xi32, #tpu.memory_space<vmem>>) semaphore(%arg13 : memref<!tpu.dma_semaphore, #tpu.memory_space<semaphore_mem>>)
    %dma_start3A_98 = arith.constant 2 : i32
    %dma_start3A_99 = arith.constant 2 : i32
    %dma_start3A_100 = arith.constant 0 : i32
    %dma_start3A_101 = arith.constant 0 : i32
    %dma_start3A_102 = tpu.memref_slice %arg9[%dma_start3A_99, %dma_start3A_100, %dma_start3A_101] : memref<4x128x32xf32, #tpu.memory_space<vmem>> -> memref<1x128x32xf32, #tpu.memory_space<vmem>>
    %dma_start3A_103 = tpu.memref_squeeze %dma_start3A_102 : memref<1x128x32xf32, #tpu.memory_space<vmem>> -> memref<128x32xf32, #tpu.memory_space<vmem>>
    %dma_start3A_104 = arith.constant 0 : i32
    %dma_start3A_105 = tpu.memref_slice %arg7[%dma_start3A_98, %dma_start3A_104] : memref<160x128xi32, #tpu.memory_space<vmem>> -> memref<1x128xi32, #tpu.memory_space<vmem>>
    %dma_start3A_106 = tpu.memref_squeeze %dma_start3A_105 : memref<1x128xi32, #tpu.memory_space<vmem>> -> memref<128xi32, #tpu.memory_space<vmem>>
    %dma_start3A_107 = arith.constant 0 : i32
    %dma_start3A_108 = arith.constant 0 : i32
    %dma_start3A_109 = tpu.memref_slice %arg11[%dma_start3A_107, %dma_start3A_108] : memref<10000x32xf32, #tpu.memory_space<vmem_shared>> -> memref<10000x32xf32, #tpu.memory_space<vmem_shared>>
    tpu.enqueue_indirect_dma source(%dma_start3A_109 : memref<10000x32xf32, #tpu.memory_space<vmem_shared>>) target(%dma_start3A_103 : memref<128x32xf32, #tpu.memory_space<vmem>>) offsets(%dma_start3A_106 : memref<128xi32, #tpu.memory_space<vmem>>) semaphore(%arg14 : memref<!tpu.dma_semaphore, #tpu.memory_space<semaphore_mem>>)
    %dma_start3A_110 = arith.constant 3 : i32
    %dma_start3A_111 = arith.constant 3 : i32
    %dma_start3A_112 = arith.constant 0 : i32
    %dma_start3A_113 = arith.constant 0 : i32
    %dma_start3A_114 = tpu.memref_slice %arg9[%dma_start3A_111, %dma_start3A_112, %dma_start3A_113] : memref<4x128x32xf32, #tpu.memory_space<vmem>> -> memref<1x128x32xf32, #tpu.memory_space<vmem>>
    %dma_start3A_115 = tpu.memref_squeeze %dma_start3A_114 : memref<1x128x32xf32, #tpu.memory_space<vmem>> -> memref<128x32xf32, #tpu.memory_space<vmem>>
    %dma_start3A_116 = arith.constant 0 : i32
    %dma_start3A_117 = tpu.memref_slice %arg7[%dma_start3A_110, %dma_start3A_116] : memref<160x128xi32, #tpu.memory_space<vmem>> -> memref<1x128xi32, #tpu.memory_space<vmem>>
    %dma_start3A_118 = tpu.memref_squeeze %dma_start3A_117 : memref<1x128xi32, #tpu.memory_space<vmem>> -> memref<128xi32, #tpu.memory_space<vmem>>
    %dma_start3A_119 = arith.constant 0 : i32
    %dma_start3A_120 = arith.constant 0 : i32
    %dma_start3A_121 = tpu.memref_slice %arg11[%dma_start3A_119, %dma_start3A_120] : memref<10000x32xf32, #tpu.memory_space<vmem_shared>> -> memref<10000x32xf32, #tpu.memory_space<vmem_shared>>
    tpu.enqueue_indirect_dma source(%dma_start3A_121 : memref<10000x32xf32, #tpu.memory_space<vmem_shared>>) target(%dma_start3A_115 : memref<128x32xf32, #tpu.memory_space<vmem>>) offsets(%dma_start3A_118 : memref<128xi32, #tpu.memory_space<vmem>>) semaphore(%arg15 : memref<!tpu.dma_semaphore, #tpu.memory_space<semaphore_mem>>)
    %scan3A_122 = arith.constant 0 : i32
    %scan3A_123 = arith.constant 0 : i32
    %scan3A_124 = arith.constant 40 : i32
    %scan3A_125 = arith.addi %scan3A_123, %scan3A_124 : i32
    %scan3A_126 = arith.constant 1 : i32
    scf.for %scan3A_129 = %scan3A_123 to %scan3A_125 step %scan3A_126  : i32 {
      %mul3A_130 = arith.constant 2 : i32
      %mul3A_131 = arith.muli %mul3A_130, %scan3A_129 : i32
      %mul3A_132 = arith.constant 2 : i32
      %mul3A_133 = arith.muli %mul3A_131, %mul3A_132 : i32
      %add3A_134 = arith.constant 0 : i32
      %add3A_135 = arith.addi %mul3A_133, %add3A_134 : i32
      %dma_wait3A = arith.constant 0 : i32
      %dma_wait3A_136 = arith.constant 0 : i32
      %dma_wait3A_137 = arith.constant 0 : i32
      %dma_wait3A_138 = tpu.memref_slice %arg9[%dma_wait3A, %dma_wait3A_136, %dma_wait3A_137] : memref<4x128x32xf32, #tpu.memory_space<vmem>> -> memref<1x128x32xf32, #tpu.memory_space<vmem>>
      %dma_wait3A_139 = tpu.memref_squeeze %dma_wait3A_138 : memref<1x128x32xf32, #tpu.memory_space<vmem>> -> memref<128x32xf32, #tpu.memory_space<vmem>>
      %dma_wait3A_140 = arith.constant 0 : i32
      %dma_wait3A_141 = tpu.memref_slice %arg7[%add3A_135, %dma_wait3A_140] : memref<160x128xi32, #tpu.memory_space<vmem>> -> memref<1x128xi32, #tpu.memory_space<vmem>>
      %dma_wait3A_142 = tpu.memref_squeeze %dma_wait3A_141 : memref<1x128xi32, #tpu.memory_space<vmem>> -> memref<128xi32, #tpu.memory_space<vmem>>
      %dma_wait3A_143 = arith.constant 0 : i32
      %dma_wait3A_144 = arith.constant 0 : i32
      %dma_wait3A_145 = tpu.memref_slice %arg11[%dma_wait3A_143, %dma_wait3A_144] : memref<10000x32xf32, #tpu.memory_space<vmem_shared>> -> memref<10000x32xf32, #tpu.memory_space<vmem_shared>>
      tpu.wait_indirect_dma semaphore(%arg12 : memref<!tpu.dma_semaphore, #tpu.memory_space<semaphore_mem>>) src(%dma_wait3A_145 : memref<10000x32xf32, #tpu.memory_space<vmem_shared>>) dst(%dma_wait3A_139 : memref<128x32xf32, #tpu.memory_space<vmem>>)
      %dma_start3A_146 = arith.constant 0 : i32
      %dma_start3A_147 = arith.constant 0 : i32
      %dma_start3A_148 = arith.constant 0 : i32
      %dma_start3A_149 = tpu.memref_slice %arg9[%dma_start3A_146, %dma_start3A_147, %dma_start3A_148] : memref<4x128x32xf32, #tpu.memory_space<vmem>> -> memref<1x128x32xf32, #tpu.memory_space<vmem>>
      %dma_start3A_150 = tpu.memref_squeeze %dma_start3A_149 : memref<1x128x32xf32, #tpu.memory_space<vmem>> -> memref<128x32xf32, #tpu.memory_space<vmem>>
      %dma_start3A_151 = arith.constant 0 : i32
      %dma_start3A_152 = tpu.memref_slice %arg8[%add3A_135, %dma_start3A_151] : memref<160x128xi32, #tpu.memory_space<vmem>> -> memref<1x128xi32, #tpu.memory_space<vmem>>
      %dma_start3A_153 = tpu.memref_squeeze %dma_start3A_152 : memref<1x128xi32, #tpu.memory_space<vmem>> -> memref<128xi32, #tpu.memory_space<vmem>>
      %dma_start3A_154 = arith.constant 0 : i32
      %dma_start3A_155 = arith.constant 0 : i32
      %dma_start3A_156 = tpu.memref_slice %arg10[%dma_start3A_154, %dma_start3A_155] : memref<10112x32xf32, #tpu.memory_space<vmem_shared>> -> memref<10112x32xf32, #tpu.memory_space<vmem_shared>>
      tpu.enqueue_indirect_dma source(%dma_start3A_150 : memref<128x32xf32, #tpu.memory_space<vmem>>) target(%dma_start3A_156 : memref<10112x32xf32, #tpu.memory_space<vmem_shared>>) offsets(%dma_start3A_153 : memref<128xi32, #tpu.memory_space<vmem>>) semaphore(%arg16 : memref<!tpu.dma_semaphore, #tpu.memory_space<semaphore_mem>>) {add = true}
      %mul3A_157 = arith.constant 2 : i32
      %mul3A_158 = arith.muli %mul3A_131, %mul3A_157 : i32
      %add3A_159 = arith.constant 1 : i32
      %add3A_160 = arith.addi %mul3A_158, %add3A_159 : i32
      %dma_wait3A_161 = arith.constant 1 : i32
      %dma_wait3A_162 = arith.constant 0 : i32
      %dma_wait3A_163 = arith.constant 0 : i32
      %dma_wait3A_164 = tpu.memref_slice %arg9[%dma_wait3A_161, %dma_wait3A_162, %dma_wait3A_163] : memref<4x128x32xf32, #tpu.memory_space<vmem>> -> memref<1x128x32xf32, #tpu.memory_space<vmem>>
      %dma_wait3A_165 = tpu.memref_squeeze %dma_wait3A_164 : memref<1x128x32xf32, #tpu.memory_space<vmem>> -> memref<128x32xf32, #tpu.memory_space<vmem>>
      %dma_wait3A_166 = arith.constant 0 : i32
      %dma_wait3A_167 = tpu.memref_slice %arg7[%add3A_160, %dma_wait3A_166] : memref<160x128xi32, #tpu.memory_space<vmem>> -> memref<1x128xi32, #tpu.memory_space<vmem>>
      %dma_wait3A_168 = tpu.memref_squeeze %dma_wait3A_167 : memref<1x128xi32, #tpu.memory_space<vmem>> -> memref<128xi32, #tpu.memory_space<vmem>>
      %dma_wait3A_169 = arith.constant 0 : i32
      %dma_wait3A_170 = arith.constant 0 : i32
      %dma_wait3A_171 = tpu.memref_slice %arg11[%dma_wait3A_169, %dma_wait3A_170] : memref<10000x32xf32, #tpu.memory_space<vmem_shared>> -> memref<10000x32xf32, #tpu.memory_space<vmem_shared>>
      tpu.wait_indirect_dma semaphore(%arg13 : memref<!tpu.dma_semaphore, #tpu.memory_space<semaphore_mem>>) src(%dma_wait3A_171 : memref<10000x32xf32, #tpu.memory_space<vmem_shared>>) dst(%dma_wait3A_165 : memref<128x32xf32, #tpu.memory_space<vmem>>)
      %dma_start3A_172 = arith.constant 1 : i32
      %dma_start3A_173 = arith.constant 0 : i32
      %dma_start3A_174 = arith.constant 0 : i32
      %dma_start3A_175 = tpu.memref_slice %arg9[%dma_start3A_172, %dma_start3A_173, %dma_start3A_174] : memref<4x128x32xf32, #tpu.memory_space<vmem>> -> memref<1x128x32xf32, #tpu.memory_space<vmem>>
      %dma_start3A_176 = tpu.memref_squeeze %dma_start3A_175 : memref<1x128x32xf32, #tpu.memory_space<vmem>> -> memref<128x32xf32, #tpu.memory_space<vmem>>
      %dma_start3A_177 = arith.constant 0 : i32
      %dma_start3A_178 = tpu.memref_slice %arg8[%add3A_160, %dma_start3A_177] : memref<160x128xi32, #tpu.memory_space<vmem>> -> memref<1x128xi32, #tpu.memory_space<vmem>>
      %dma_start3A_179 = tpu.memref_squeeze %dma_start3A_178 : memref<1x128xi32, #tpu.memory_space<vmem>> -> memref<128xi32, #tpu.memory_space<vmem>>
      %dma_start3A_180 = arith.constant 0 : i32
      %dma_start3A_181 = arith.constant 0 : i32
      %dma_start3A_182 = tpu.memref_slice %arg10[%dma_start3A_180, %dma_start3A_181] : memref<10112x32xf32, #tpu.memory_space<vmem_shared>> -> memref<10112x32xf32, #tpu.memory_space<vmem_shared>>
      tpu.enqueue_indirect_dma source(%dma_start3A_176 : memref<128x32xf32, #tpu.memory_space<vmem>>) target(%dma_start3A_182 : memref<10112x32xf32, #tpu.memory_space<vmem_shared>>) offsets(%dma_start3A_179 : memref<128xi32, #tpu.memory_space<vmem>>) semaphore(%arg17 : memref<!tpu.dma_semaphore, #tpu.memory_space<semaphore_mem>>) {add = true}
      %mul3A_183 = arith.constant 2 : i32
      %mul3A_184 = arith.muli %mul3A_131, %mul3A_183 : i32
      %add3A_185 = arith.constant 0 : i32
      %add3A_186 = arith.addi %mul3A_184, %add3A_185 : i32
      %dma_wait3A_187 = arith.constant 0 : i32
      %dma_wait3A_188 = arith.constant 0 : i32
      %dma_wait3A_189 = arith.constant 0 : i32
      %dma_wait3A_190 = tpu.memref_slice %arg9[%dma_wait3A_187, %dma_wait3A_188, %dma_wait3A_189] : memref<4x128x32xf32, #tpu.memory_space<vmem>> -> memref<1x128x32xf32, #tpu.memory_space<vmem>>
      %dma_wait3A_191 = tpu.memref_squeeze %dma_wait3A_190 : memref<1x128x32xf32, #tpu.memory_space<vmem>> -> memref<128x32xf32, #tpu.memory_space<vmem>>
      %dma_wait3A_192 = arith.constant 0 : i32
      %dma_wait3A_193 = tpu.memref_slice %arg8[%add3A_186, %dma_wait3A_192] : memref<160x128xi32, #tpu.memory_space<vmem>> -> memref<1x128xi32, #tpu.memory_space<vmem>>
      %dma_wait3A_194 = tpu.memref_squeeze %dma_wait3A_193 : memref<1x128xi32, #tpu.memory_space<vmem>> -> memref<128xi32, #tpu.memory_space<vmem>>
      %dma_wait3A_195 = arith.constant 0 : i32
      %dma_wait3A_196 = arith.constant 0 : i32
      %dma_wait3A_197 = tpu.memref_slice %arg10[%dma_wait3A_195, %dma_wait3A_196] : memref<10112x32xf32, #tpu.memory_space<vmem_shared>> -> memref<10112x32xf32, #tpu.memory_space<vmem_shared>>
      tpu.wait_indirect_dma semaphore(%arg16 : memref<!tpu.dma_semaphore, #tpu.memory_space<semaphore_mem>>) src(%dma_wait3A_191 : memref<128x32xf32, #tpu.memory_space<vmem>>) dst(%dma_wait3A_197 : memref<10112x32xf32, #tpu.memory_space<vmem_shared>>)
      %mul3A_198 = arith.constant 2 : i32
      %mul3A_199 = arith.muli %mul3A_131, %mul3A_198 : i32
      %add3A_200 = arith.constant 1 : i32
      %add3A_201 = arith.addi %mul3A_199, %add3A_200 : i32
      %dma_wait3A_202 = arith.constant 1 : i32
      %dma_wait3A_203 = arith.constant 0 : i32
      %dma_wait3A_204 = arith.constant 0 : i32
      %dma_wait3A_205 = tpu.memref_slice %arg9[%dma_wait3A_202, %dma_wait3A_203, %dma_wait3A_204] : memref<4x128x32xf32, #tpu.memory_space<vmem>> -> memref<1x128x32xf32, #tpu.memory_space<vmem>>
      %dma_wait3A_206 = tpu.memref_squeeze %dma_wait3A_205 : memref<1x128x32xf32, #tpu.memory_space<vmem>> -> memref<128x32xf32, #tpu.memory_space<vmem>>
      %dma_wait3A_207 = arith.constant 0 : i32
      %dma_wait3A_208 = tpu.memref_slice %arg8[%add3A_201, %dma_wait3A_207] : memref<160x128xi32, #tpu.memory_space<vmem>> -> memref<1x128xi32, #tpu.memory_space<vmem>>
      %dma_wait3A_209 = tpu.memref_squeeze %dma_wait3A_208 : memref<1x128xi32, #tpu.memory_space<vmem>> -> memref<128xi32, #tpu.memory_space<vmem>>
      %dma_wait3A_210 = arith.constant 0 : i32
      %dma_wait3A_211 = arith.constant 0 : i32
      %dma_wait3A_212 = tpu.memref_slice %arg10[%dma_wait3A_210, %dma_wait3A_211] : memref<10112x32xf32, #tpu.memory_space<vmem_shared>> -> memref<10112x32xf32, #tpu.memory_space<vmem_shared>>
      tpu.wait_indirect_dma semaphore(%arg17 : memref<!tpu.dma_semaphore, #tpu.memory_space<semaphore_mem>>) src(%dma_wait3A_206 : memref<128x32xf32, #tpu.memory_space<vmem>>) dst(%dma_wait3A_212 : memref<10112x32xf32, #tpu.memory_space<vmem_shared>>)
      %add3A_213 = arith.constant 2 : i32
      %add3A_214 = arith.addi %mul3A_131, %add3A_213 : i32
      %lt3A = arith.constant 80 : i32
      %lt3A_215 = arith.cmpi slt, %add3A_214, %lt3A : i32
      %convert_element_type3A = arith.extui %lt3A_215 : i1 to i32
      %cond3A = arith.constant 0 : i32
      %cond3A_216 = arith.cmpi ne, %convert_element_type3A, %cond3A : i32
      scf.if %cond3A_216 {
        %add3A_310 = arith.constant 2 : i32
        %add3A_311 = arith.addi %mul3A_131, %add3A_310 : i32
        %mul3A_312 = arith.constant 2 : i32
        %mul3A_313 = arith.muli %add3A_311, %mul3A_312 : i32
        %add3A_314 = arith.constant 0 : i32
        %add3A_315 = arith.addi %mul3A_313, %add3A_314 : i32
        %dma_start3A_316 = arith.constant 0 : i32
        %dma_start3A_317 = arith.constant 0 : i32
        %dma_start3A_318 = arith.constant 0 : i32
        %dma_start3A_319 = tpu.memref_slice %arg9[%dma_start3A_316, %dma_start3A_317, %dma_start3A_318] : memref<4x128x32xf32, #tpu.memory_space<vmem>> -> memref<1x128x32xf32, #tpu.memory_space<vmem>>
        %dma_start3A_320 = tpu.memref_squeeze %dma_start3A_319 : memref<1x128x32xf32, #tpu.memory_space<vmem>> -> memref<128x32xf32, #tpu.memory_space<vmem>>
        %dma_start3A_321 = arith.constant 0 : i32
        %dma_start3A_322 = tpu.memref_slice %arg7[%add3A_315, %dma_start3A_321] : memref<160x128xi32, #tpu.memory_space<vmem>> -> memref<1x128xi32, #tpu.memory_space<vmem>>
        %dma_start3A_323 = tpu.memref_squeeze %dma_start3A_322 : memref<1x128xi32, #tpu.memory_space<vmem>> -> memref<128xi32, #tpu.memory_space<vmem>>
        %dma_start3A_324 = arith.constant 0 : i32
        %dma_start3A_325 = arith.constant 0 : i32
        %dma_start3A_326 = tpu.memref_slice %arg11[%dma_start3A_324, %dma_start3A_325] : memref<10000x32xf32, #tpu.memory_space<vmem_shared>> -> memref<10000x32xf32, #tpu.memory_space<vmem_shared>>
        tpu.enqueue_indirect_dma source(%dma_start3A_326 : memref<10000x32xf32, #tpu.memory_space<vmem_shared>>) target(%dma_start3A_320 : memref<128x32xf32, #tpu.memory_space<vmem>>) offsets(%dma_start3A_323 : memref<128xi32, #tpu.memory_space<vmem>>) semaphore(%arg12 : memref<!tpu.dma_semaphore, #tpu.memory_space<semaphore_mem>>)
        %add3A_327 = arith.constant 2 : i32
        %add3A_328 = arith.addi %mul3A_131, %add3A_327 : i32
        %mul3A_329 = arith.constant 2 : i32
        %mul3A_330 = arith.muli %add3A_328, %mul3A_329 : i32
        %add3A_331 = arith.constant 1 : i32
        %add3A_332 = arith.addi %mul3A_330, %add3A_331 : i32
        %dma_start3A_333 = arith.constant 1 : i32
        %dma_start3A_334 = arith.constant 0 : i32
        %dma_start3A_335 = arith.constant 0 : i32
        %dma_start3A_336 = tpu.memref_slice %arg9[%dma_start3A_333, %dma_start3A_334, %dma_start3A_335] : memref<4x128x32xf32, #tpu.memory_space<vmem>> -> memref<1x128x32xf32, #tpu.memory_space<vmem>>
        %dma_start3A_337 = tpu.memref_squeeze %dma_start3A_336 : memref<1x128x32xf32, #tpu.memory_space<vmem>> -> memref<128x32xf32, #tpu.memory_space<vmem>>
        %dma_start3A_338 = arith.constant 0 : i32
        %dma_start3A_339 = tpu.memref_slice %arg7[%add3A_332, %dma_start3A_338] : memref<160x128xi32, #tpu.memory_space<vmem>> -> memref<1x128xi32, #tpu.memory_space<vmem>>
        %dma_start3A_340 = tpu.memref_squeeze %dma_start3A_339 : memref<1x128xi32, #tpu.memory_space<vmem>> -> memref<128xi32, #tpu.memory_space<vmem>>
        %dma_start3A_341 = arith.constant 0 : i32
        %dma_start3A_342 = arith.constant 0 : i32
        %dma_start3A_343 = tpu.memref_slice %arg11[%dma_start3A_341, %dma_start3A_342] : memref<10000x32xf32, #tpu.memory_space<vmem_shared>> -> memref<10000x32xf32, #tpu.memory_space<vmem_shared>>
        tpu.enqueue_indirect_dma source(%dma_start3A_343 : memref<10000x32xf32, #tpu.memory_space<vmem_shared>>) target(%dma_start3A_337 : memref<128x32xf32, #tpu.memory_space<vmem>>) offsets(%dma_start3A_340 : memref<128xi32, #tpu.memory_space<vmem>>) semaphore(%arg13 : memref<!tpu.dma_semaphore, #tpu.memory_space<semaphore_mem>>)
      } else {
      }
      %mul3A_217 = arith.constant 2 : i32
      %mul3A_218 = arith.muli %mul3A_217, %scan3A_129 : i32
      %add3A_219 = arith.constant 1 : i32
      %add3A_220 = arith.addi %mul3A_218, %add3A_219 : i32
      %mul3A_221 = arith.constant 2 : i32
      %mul3A_222 = arith.muli %add3A_220, %mul3A_221 : i32
      %add3A_223 = arith.constant 0 : i32
      %add3A_224 = arith.addi %mul3A_222, %add3A_223 : i32
      %dma_wait3A_225 = arith.constant 2 : i32
      %dma_wait3A_226 = arith.constant 0 : i32
      %dma_wait3A_227 = arith.constant 0 : i32
      %dma_wait3A_228 = tpu.memref_slice %arg9[%dma_wait3A_225, %dma_wait3A_226, %dma_wait3A_227] : memref<4x128x32xf32, #tpu.memory_space<vmem>> -> memref<1x128x32xf32, #tpu.memory_space<vmem>>
      %dma_wait3A_229 = tpu.memref_squeeze %dma_wait3A_228 : memref<1x128x32xf32, #tpu.memory_space<vmem>> -> memref<128x32xf32, #tpu.memory_space<vmem>>
      %dma_wait3A_230 = arith.constant 0 : i32
      %dma_wait3A_231 = tpu.memref_slice %arg7[%add3A_224, %dma_wait3A_230] : memref<160x128xi32, #tpu.memory_space<vmem>> -> memref<1x128xi32, #tpu.memory_space<vmem>>
      %dma_wait3A_232 = tpu.memref_squeeze %dma_wait3A_231 : memref<1x128xi32, #tpu.memory_space<vmem>> -> memref<128xi32, #tpu.memory_space<vmem>>
      %dma_wait3A_233 = arith.constant 0 : i32
      %dma_wait3A_234 = arith.constant 0 : i32
      %dma_wait3A_235 = tpu.memref_slice %arg11[%dma_wait3A_233, %dma_wait3A_234] : memref<10000x32xf32, #tpu.memory_space<vmem_shared>> -> memref<10000x32xf32, #tpu.memory_space<vmem_shared>>
      tpu.wait_indirect_dma semaphore(%arg14 : memref<!tpu.dma_semaphore, #tpu.memory_space<semaphore_mem>>) src(%dma_wait3A_235 : memref<10000x32xf32, #tpu.memory_space<vmem_shared>>) dst(%dma_wait3A_229 : memref<128x32xf32, #tpu.memory_space<vmem>>)
      %dma_start3A_236 = arith.constant 2 : i32
      %dma_start3A_237 = arith.constant 0 : i32
      %dma_start3A_238 = arith.constant 0 : i32
      %dma_start3A_239 = tpu.memref_slice %arg9[%dma_start3A_236, %dma_start3A_237, %dma_start3A_238] : memref<4x128x32xf32, #tpu.memory_space<vmem>> -> memref<1x128x32xf32, #tpu.memory_space<vmem>>
      %dma_start3A_240 = tpu.memref_squeeze %dma_start3A_239 : memref<1x128x32xf32, #tpu.memory_space<vmem>> -> memref<128x32xf32, #tpu.memory_space<vmem>>
      %dma_start3A_241 = arith.constant 0 : i32
      %dma_start3A_242 = tpu.memref_slice %arg8[%add3A_224, %dma_start3A_241] : memref<160x128xi32, #tpu.memory_space<vmem>> -> memref<1x128xi32, #tpu.memory_space<vmem>>
      %dma_start3A_243 = tpu.memref_squeeze %dma_start3A_242 : memref<1x128xi32, #tpu.memory_space<vmem>> -> memref<128xi32, #tpu.memory_space<vmem>>
      %dma_start3A_244 = arith.constant 0 : i32
      %dma_start3A_245 = arith.constant 0 : i32
      %dma_start3A_246 = tpu.memref_slice %arg10[%dma_start3A_244, %dma_start3A_245] : memref<10112x32xf32, #tpu.memory_space<vmem_shared>> -> memref<10112x32xf32, #tpu.memory_space<vmem_shared>>
      tpu.enqueue_indirect_dma source(%dma_start3A_240 : memref<128x32xf32, #tpu.memory_space<vmem>>) target(%dma_start3A_246 : memref<10112x32xf32, #tpu.memory_space<vmem_shared>>) offsets(%dma_start3A_243 : memref<128xi32, #tpu.memory_space<vmem>>) semaphore(%arg18 : memref<!tpu.dma_semaphore, #tpu.memory_space<semaphore_mem>>) {add = true}
      %mul3A_247 = arith.constant 2 : i32
      %mul3A_248 = arith.muli %add3A_220, %mul3A_247 : i32
      %add3A_249 = arith.constant 1 : i32
      %add3A_250 = arith.addi %mul3A_248, %add3A_249 : i32
      %dma_wait3A_251 = arith.constant 3 : i32
      %dma_wait3A_252 = arith.constant 0 : i32
      %dma_wait3A_253 = arith.constant 0 : i32
      %dma_wait3A_254 = tpu.memref_slice %arg9[%dma_wait3A_251, %dma_wait3A_252, %dma_wait3A_253] : memref<4x128x32xf32, #tpu.memory_space<vmem>> -> memref<1x128x32xf32, #tpu.memory_space<vmem>>
      %dma_wait3A_255 = tpu.memref_squeeze %dma_wait3A_254 : memref<1x128x32xf32, #tpu.memory_space<vmem>> -> memref<128x32xf32, #tpu.memory_space<vmem>>
      %dma_wait3A_256 = arith.constant 0 : i32
      %dma_wait3A_257 = tpu.memref_slice %arg7[%add3A_250, %dma_wait3A_256] : memref<160x128xi32, #tpu.memory_space<vmem>> -> memref<1x128xi32, #tpu.memory_space<vmem>>
      %dma_wait3A_258 = tpu.memref_squeeze %dma_wait3A_257 : memref<1x128xi32, #tpu.memory_space<vmem>> -> memref<128xi32, #tpu.memory_space<vmem>>
      %dma_wait3A_259 = arith.constant 0 : i32
      %dma_wait3A_260 = arith.constant 0 : i32
      %dma_wait3A_261 = tpu.memref_slice %arg11[%dma_wait3A_259, %dma_wait3A_260] : memref<10000x32xf32, #tpu.memory_space<vmem_shared>> -> memref<10000x32xf32, #tpu.memory_space<vmem_shared>>
      tpu.wait_indirect_dma semaphore(%arg15 : memref<!tpu.dma_semaphore, #tpu.memory_space<semaphore_mem>>) src(%dma_wait3A_261 : memref<10000x32xf32, #tpu.memory_space<vmem_shared>>) dst(%dma_wait3A_255 : memref<128x32xf32, #tpu.memory_space<vmem>>)
      %dma_start3A_262 = arith.constant 3 : i32
      %dma_start3A_263 = arith.constant 0 : i32
      %dma_start3A_264 = arith.constant 0 : i32
      %dma_start3A_265 = tpu.memref_slice %arg9[%dma_start3A_262, %dma_start3A_263, %dma_start3A_264] : memref<4x128x32xf32, #tpu.memory_space<vmem>> -> memref<1x128x32xf32, #tpu.memory_space<vmem>>
      %dma_start3A_266 = tpu.memref_squeeze %dma_start3A_265 : memref<1x128x32xf32, #tpu.memory_space<vmem>> -> memref<128x32xf32, #tpu.memory_space<vmem>>
      %dma_start3A_267 = arith.constant 0 : i32
      %dma_start3A_268 = tpu.memref_slice %arg8[%add3A_250, %dma_start3A_267] : memref<160x128xi32, #tpu.memory_space<vmem>> -> memref<1x128xi32, #tpu.memory_space<vmem>>
      %dma_start3A_269 = tpu.memref_squeeze %dma_start3A_268 : memref<1x128xi32, #tpu.memory_space<vmem>> -> memref<128xi32, #tpu.memory_space<vmem>>
      %dma_start3A_270 = arith.constant 0 : i32
      %dma_start3A_271 = arith.constant 0 : i32
      %dma_start3A_272 = tpu.memref_slice %arg10[%dma_start3A_270, %dma_start3A_271] : memref<10112x32xf32, #tpu.memory_space<vmem_shared>> -> memref<10112x32xf32, #tpu.memory_space<vmem_shared>>
      tpu.enqueue_indirect_dma source(%dma_start3A_266 : memref<128x32xf32, #tpu.memory_space<vmem>>) target(%dma_start3A_272 : memref<10112x32xf32, #tpu.memory_space<vmem_shared>>) offsets(%dma_start3A_269 : memref<128xi32, #tpu.memory_space<vmem>>) semaphore(%arg19 : memref<!tpu.dma_semaphore, #tpu.memory_space<semaphore_mem>>) {add = true}
      %mul3A_273 = arith.constant 2 : i32
      %mul3A_274 = arith.muli %add3A_220, %mul3A_273 : i32
      %add3A_275 = arith.constant 0 : i32
      %add3A_276 = arith.addi %mul3A_274, %add3A_275 : i32
      %dma_wait3A_277 = arith.constant 2 : i32
      %dma_wait3A_278 = arith.constant 0 : i32
      %dma_wait3A_279 = arith.constant 0 : i32
      %dma_wait3A_280 = tpu.memref_slice %arg9[%dma_wait3A_277, %dma_wait3A_278, %dma_wait3A_279] : memref<4x128x32xf32, #tpu.memory_space<vmem>> -> memref<1x128x32xf32, #tpu.memory_space<vmem>>
      %dma_wait3A_281 = tpu.memref_squeeze %dma_wait3A_280 : memref<1x128x32xf32, #tpu.memory_space<vmem>> -> memref<128x32xf32, #tpu.memory_space<vmem>>
      %dma_wait3A_282 = arith.constant 0 : i32
      %dma_wait3A_283 = tpu.memref_slice %arg8[%add3A_276, %dma_wait3A_282] : memref<160x128xi32, #tpu.memory_space<vmem>> -> memref<1x128xi32, #tpu.memory_space<vmem>>
      %dma_wait3A_284 = tpu.memref_squeeze %dma_wait3A_283 : memref<1x128xi32, #tpu.memory_space<vmem>> -> memref<128xi32, #tpu.memory_space<vmem>>
      %dma_wait3A_285 = arith.constant 0 : i32
      %dma_wait3A_286 = arith.constant 0 : i32
      %dma_wait3A_287 = tpu.memref_slice %arg10[%dma_wait3A_285, %dma_wait3A_286] : memref<10112x32xf32, #tpu.memory_space<vmem_shared>> -> memref<10112x32xf32, #tpu.memory_space<vmem_shared>>
      tpu.wait_indirect_dma semaphore(%arg18 : memref<!tpu.dma_semaphore, #tpu.memory_space<semaphore_mem>>) src(%dma_wait3A_281 : memref<128x32xf32, #tpu.memory_space<vmem>>) dst(%dma_wait3A_287 : memref<10112x32xf32, #tpu.memory_space<vmem_shared>>)
      %mul3A_288 = arith.constant 2 : i32
      %mul3A_289 = arith.muli %add3A_220, %mul3A_288 : i32
      %add3A_290 = arith.constant 1 : i32
      %add3A_291 = arith.addi %mul3A_289, %add3A_290 : i32
      %dma_wait3A_292 = arith.constant 3 : i32
      %dma_wait3A_293 = arith.constant 0 : i32
      %dma_wait3A_294 = arith.constant 0 : i32
      %dma_wait3A_295 = tpu.memref_slice %arg9[%dma_wait3A_292, %dma_wait3A_293, %dma_wait3A_294] : memref<4x128x32xf32, #tpu.memory_space<vmem>> -> memref<1x128x32xf32, #tpu.memory_space<vmem>>
      %dma_wait3A_296 = tpu.memref_squeeze %dma_wait3A_295 : memref<1x128x32xf32, #tpu.memory_space<vmem>> -> memref<128x32xf32, #tpu.memory_space<vmem>>
      %dma_wait3A_297 = arith.constant 0 : i32
      %dma_wait3A_298 = tpu.memref_slice %arg8[%add3A_291, %dma_wait3A_297] : memref<160x128xi32, #tpu.memory_space<vmem>> -> memref<1x128xi32, #tpu.memory_space<vmem>>
      %dma_wait3A_299 = tpu.memref_squeeze %dma_wait3A_298 : memref<1x128xi32, #tpu.memory_space<vmem>> -> memref<128xi32, #tpu.memory_space<vmem>>
      %dma_wait3A_300 = arith.constant 0 : i32
      %dma_wait3A_301 = arith.constant 0 : i32
      %dma_wait3A_302 = tpu.memref_slice %arg10[%dma_wait3A_300, %dma_wait3A_301] : memref<10112x32xf32, #tpu.memory_space<vmem_shared>> -> memref<10112x32xf32, #tpu.memory_space<vmem_shared>>
      tpu.wait_indirect_dma semaphore(%arg19 : memref<!tpu.dma_semaphore, #tpu.memory_space<semaphore_mem>>) src(%dma_wait3A_296 : memref<128x32xf32, #tpu.memory_space<vmem>>) dst(%dma_wait3A_302 : memref<10112x32xf32, #tpu.memory_space<vmem_shared>>)
      %add3A_303 = arith.constant 2 : i32
      %add3A_304 = arith.addi %add3A_220, %add3A_303 : i32
      %lt3A_305 = arith.constant 80 : i32
      %lt3A_306 = arith.cmpi slt, %add3A_304, %lt3A_305 : i32
      %convert_element_type3A_307 = arith.extui %lt3A_306 : i1 to i32
      %cond3A_308 = arith.constant 0 : i32
      %cond3A_309 = arith.cmpi ne, %convert_element_type3A_307, %cond3A_308 : i32
      scf.if %cond3A_309 {
        %add3A_310 = arith.constant 2 : i32
        %add3A_311 = arith.addi %add3A_220, %add3A_310 : i32
        %mul3A_312 = arith.constant 2 : i32
        %mul3A_313 = arith.muli %add3A_311, %mul3A_312 : i32
        %add3A_314 = arith.constant 0 : i32
        %add3A_315 = arith.addi %mul3A_313, %add3A_314 : i32
        %dma_start3A_316 = arith.constant 2 : i32
        %dma_start3A_317 = arith.constant 0 : i32
        %dma_start3A_318 = arith.constant 0 : i32
        %dma_start3A_319 = tpu.memref_slice %arg9[%dma_start3A_316, %dma_start3A_317, %dma_start3A_318] : memref<4x128x32xf32, #tpu.memory_space<vmem>> -> memref<1x128x32xf32, #tpu.memory_space<vmem>>
        %dma_start3A_320 = tpu.memref_squeeze %dma_start3A_319 : memref<1x128x32xf32, #tpu.memory_space<vmem>> -> memref<128x32xf32, #tpu.memory_space<vmem>>
        %dma_start3A_321 = arith.constant 0 : i32
        %dma_start3A_322 = tpu.memref_slice %arg7[%add3A_315, %dma_start3A_321] : memref<160x128xi32, #tpu.memory_space<vmem>> -> memref<1x128xi32, #tpu.memory_space<vmem>>
        %dma_start3A_323 = tpu.memref_squeeze %dma_start3A_322 : memref<1x128xi32, #tpu.memory_space<vmem>> -> memref<128xi32, #tpu.memory_space<vmem>>
        %dma_start3A_324 = arith.constant 0 : i32
        %dma_start3A_325 = arith.constant 0 : i32
        %dma_start3A_326 = tpu.memref_slice %arg11[%dma_start3A_324, %dma_start3A_325] : memref<10000x32xf32, #tpu.memory_space<vmem_shared>> -> memref<10000x32xf32, #tpu.memory_space<vmem_shared>>
        tpu.enqueue_indirect_dma source(%dma_start3A_326 : memref<10000x32xf32, #tpu.memory_space<vmem_shared>>) target(%dma_start3A_320 : memref<128x32xf32, #tpu.memory_space<vmem>>) offsets(%dma_start3A_323 : memref<128xi32, #tpu.memory_space<vmem>>) semaphore(%arg14 : memref<!tpu.dma_semaphore, #tpu.memory_space<semaphore_mem>>)
        %add3A_327 = arith.constant 2 : i32
        %add3A_328 = arith.addi %add3A_220, %add3A_327 : i32
        %mul3A_329 = arith.constant 2 : i32
        %mul3A_330 = arith.muli %add3A_328, %mul3A_329 : i32
        %add3A_331 = arith.constant 1 : i32
        %add3A_332 = arith.addi %mul3A_330, %add3A_331 : i32
        %dma_start3A_333 = arith.constant 3 : i32
        %dma_start3A_334 = arith.constant 0 : i32
        %dma_start3A_335 = arith.constant 0 : i32
        %dma_start3A_336 = tpu.memref_slice %arg9[%dma_start3A_333, %dma_start3A_334, %dma_start3A_335] : memref<4x128x32xf32, #tpu.memory_space<vmem>> -> memref<1x128x32xf32, #tpu.memory_space<vmem>>
        %dma_start3A_337 = tpu.memref_squeeze %dma_start3A_336 : memref<1x128x32xf32, #tpu.memory_space<vmem>> -> memref<128x32xf32, #tpu.memory_space<vmem>>
        %dma_start3A_338 = arith.constant 0 : i32
        %dma_start3A_339 = tpu.memref_slice %arg7[%add3A_332, %dma_start3A_338] : memref<160x128xi32, #tpu.memory_space<vmem>> -> memref<1x128xi32, #tpu.memory_space<vmem>>
        %dma_start3A_340 = tpu.memref_squeeze %dma_start3A_339 : memref<1x128xi32, #tpu.memory_space<vmem>> -> memref<128xi32, #tpu.memory_space<vmem>>
        %dma_start3A_341 = arith.constant 0 : i32
        %dma_start3A_342 = arith.constant 0 : i32
        %dma_start3A_343 = tpu.memref_slice %arg11[%dma_start3A_341, %dma_start3A_342] : memref<10000x32xf32, #tpu.memory_space<vmem_shared>> -> memref<10000x32xf32, #tpu.memory_space<vmem_shared>>
        tpu.enqueue_indirect_dma source(%dma_start3A_343 : memref<10000x32xf32, #tpu.memory_space<vmem_shared>>) target(%dma_start3A_337 : memref<128x32xf32, #tpu.memory_space<vmem>>) offsets(%dma_start3A_340 : memref<128xi32, #tpu.memory_space<vmem>>) semaphore(%arg15 : memref<!tpu.dma_semaphore, #tpu.memory_space<semaphore_mem>>)
      } else {
      }
    }
    %scan3A_127 = arith.constant 40 : i32
    %barrier3A_128 = arith.constant 0 : index
    tpu.barrier barrier_id(%barrier3A_128)
    "tpu.region"() ({
      %run_scoped3A = tpu.sem_alloc : memref<!tpu.dma_semaphore, #tpu.memory_space<semaphore_mem>>
      %dma_start3A_129 = tpu.memref_slice %arg6[%mul3A_0, %mul3A_68] : memref<10112x128xf32, #tpu.memory_space<hbm>> -> memref<632x32xf32, #tpu.memory_space<hbm>>
      %dma_start3A_130 = arith.constant 0 : i32
      %dma_start3A_131 = tpu.memref_slice %arg10[%mul3A_0, %dma_start3A_130] : memref<10112x32xf32, #tpu.memory_space<vmem_shared>> -> memref<632x32xf32, #tpu.memory_space<vmem_shared>>
      tpu.enqueue_dma source(%dma_start3A_131 : memref<632x32xf32, #tpu.memory_space<vmem_shared>>) target(%dma_start3A_129 : memref<632x32xf32, #tpu.memory_space<hbm>>) target_semaphore(%run_scoped3A : memref<!tpu.dma_semaphore, #tpu.memory_space<semaphore_mem>>)
      %dma_wait3A = tpu.memref_slice %arg6[%mul3A_0, %mul3A_68] : memref<10112x128xf32, #tpu.memory_space<hbm>> -> memref<632x32xf32, #tpu.memory_space<hbm>>
      %dma_wait3A_132 = arith.constant 0 : i32
      %dma_wait3A_133 = tpu.memref_slice %arg10[%mul3A_0, %dma_wait3A_132] : memref<10112x32xf32, #tpu.memory_space<vmem_shared>> -> memref<632x32xf32, #tpu.memory_space<vmem_shared>>
      tpu.wait_dma2 semaphore(%run_scoped3A : memref<!tpu.dma_semaphore, #tpu.memory_space<semaphore_mem>>) src(%dma_wait3A_133 : memref<632x32xf32, #tpu.memory_space<vmem_shared>>) dst(%dma_wait3A : memref<632x32xf32, #tpu.memory_space<hbm>>)
      tpu.yield
    }) : () -> ()
    return
  }
}

#map = affine_map<(d0, d1) -> (0, 0, 0)>
#map1 = affine_map<(d0, d1) -> (0, 0)>
module attributes {stable_mosaic.version = 14 : i64} {
  func.func @_sc_degree(%arg0: i32, %arg1: i32, %arg2: memref<16x160x128xi32, #tpu.memory_space<hbm>>, %arg3: memref<128x8xf32, #tpu.memory_space<hbm>>, %arg4: memref<10112x8xf32, #tpu.memory_space<hbm>>, %arg5: memref<10112x128xf32, #tpu.memory_space<hbm>>, %arg6: memref<80x128xi32, #tpu.memory_space<vmem>>, %arg7: memref<128x8xf32, #tpu.memory_space<vmem>>, %arg8: memref<10112x8xf32, #tpu.memory_space<vmem_shared>>) attributes {dimension_semantics = [#tpu.dimension_semantics<core_parallel>, #tpu.dimension_semantics<subcore_parallel>], iteration_bounds = array<i64: 2, 16>, scalar_prefetch = 0 : i64, scratch_operands = 3 : i64, tpu.core_type = #tpu.core_type<sc_vector_subcore>, window_params = [{transform_indices = #map}, {transform_indices = #map1}, {transform_indices = #map1}, {transform_indices = #map1}]} {
    %mul3A = arith.constant 632 : i32
    %mul3A_0 = arith.muli %arg1, %mul3A : i32
    "tpu.region"() ({
      %run_scoped3A = tpu.sem_alloc : memref<!tpu.dma_semaphore, #tpu.memory_space<semaphore_mem>>
      %dma_start3A = arith.constant 0 : i32
      %dma_start3A_11 = tpu.memref_slice %arg8[%mul3A_0, %dma_start3A] : memref<10112x8xf32, #tpu.memory_space<vmem_shared>> -> memref<632x8xf32, #tpu.memory_space<vmem_shared>>
      %dma_start3A_12 = arith.constant 0 : i32
      %dma_start3A_13 = tpu.memref_slice %arg4[%mul3A_0, %dma_start3A_12] : memref<10112x8xf32, #tpu.memory_space<hbm>> -> memref<632x8xf32, #tpu.memory_space<hbm>>
      tpu.enqueue_dma source(%dma_start3A_13 : memref<632x8xf32, #tpu.memory_space<hbm>>) target(%dma_start3A_11 : memref<632x8xf32, #tpu.memory_space<vmem_shared>>) target_semaphore(%run_scoped3A : memref<!tpu.dma_semaphore, #tpu.memory_space<semaphore_mem>>)
      %dma_wait3A = arith.constant 0 : i32
      %dma_wait3A_14 = tpu.memref_slice %arg8[%mul3A_0, %dma_wait3A] : memref<10112x8xf32, #tpu.memory_space<vmem_shared>> -> memref<632x8xf32, #tpu.memory_space<vmem_shared>>
      %dma_wait3A_15 = arith.constant 0 : i32
      %dma_wait3A_16 = tpu.memref_slice %arg4[%mul3A_0, %dma_wait3A_15] : memref<10112x8xf32, #tpu.memory_space<hbm>> -> memref<632x8xf32, #tpu.memory_space<hbm>>
      tpu.wait_dma2 semaphore(%run_scoped3A : memref<!tpu.dma_semaphore, #tpu.memory_space<semaphore_mem>>) src(%dma_wait3A_16 : memref<632x8xf32, #tpu.memory_space<hbm>>) dst(%dma_wait3A_14 : memref<632x8xf32, #tpu.memory_space<vmem_shared>>)
      tpu.yield
    }) : () -> ()
    %mul3A_1 = arith.constant 80 : i32
    %mul3A_2 = arith.muli %arg0, %mul3A_1 : i32
    "tpu.region"() ({
      %run_scoped3A = tpu.sem_alloc : memref<!tpu.dma_semaphore, #tpu.memory_space<semaphore_mem>>
      %dma_start3A = arith.constant 0 : i32
      %dma_start3A_11 = arith.constant 0 : i32
      %dma_start3A_12 = tpu.memref_slice %arg2[%arg1, %dma_start3A, %dma_start3A_11] : memref<16x160x128xi32, #tpu.memory_space<hbm>> -> memref<1x160x128xi32, #tpu.memory_space<hbm>>
      %dma_start3A_13 = tpu.memref_squeeze %dma_start3A_12 : memref<1x160x128xi32, #tpu.memory_space<hbm>> -> memref<160x128xi32, #tpu.memory_space<hbm>>
      %dma_start3A_14 = arith.constant 0 : i32
      %dma_start3A_15 = tpu.memref_slice %dma_start3A_13[%mul3A_2, %dma_start3A_14] : memref<160x128xi32, #tpu.memory_space<hbm>> -> memref<80x128xi32, #tpu.memory_space<hbm>>
      %dma_start3A_16 = arith.constant 0 : i32
      %dma_start3A_17 = arith.constant 0 : i32
      %dma_start3A_18 = tpu.memref_slice %arg2[%arg1, %dma_start3A_16, %dma_start3A_17] : memref<16x160x128xi32, #tpu.memory_space<hbm>> -> memref<1x160x128xi32, #tpu.memory_space<hbm>>
      %dma_start3A_19 = tpu.memref_squeeze %dma_start3A_18 : memref<1x160x128xi32, #tpu.memory_space<hbm>> -> memref<160x128xi32, #tpu.memory_space<hbm>>
      %dma_start3A_20 = arith.constant 0 : i32
      %dma_start3A_21 = tpu.memref_slice %dma_start3A_19[%mul3A_2, %dma_start3A_20] : memref<160x128xi32, #tpu.memory_space<hbm>> -> memref<80x128xi32, #tpu.memory_space<hbm>>
      tpu.enqueue_dma source(%dma_start3A_21 : memref<80x128xi32, #tpu.memory_space<hbm>>) target(%arg6 : memref<80x128xi32, #tpu.memory_space<vmem>>) target_semaphore(%run_scoped3A : memref<!tpu.dma_semaphore, #tpu.memory_space<semaphore_mem>>)
      %dma_wait3A = arith.constant 0 : i32
      %dma_wait3A_22 = arith.constant 0 : i32
      %dma_wait3A_23 = tpu.memref_slice %arg2[%arg1, %dma_wait3A, %dma_wait3A_22] : memref<16x160x128xi32, #tpu.memory_space<hbm>> -> memref<1x160x128xi32, #tpu.memory_space<hbm>>
      %dma_wait3A_24 = tpu.memref_squeeze %dma_wait3A_23 : memref<1x160x128xi32, #tpu.memory_space<hbm>> -> memref<160x128xi32, #tpu.memory_space<hbm>>
      %dma_wait3A_25 = arith.constant 0 : i32
      %dma_wait3A_26 = tpu.memref_slice %dma_wait3A_24[%mul3A_2, %dma_wait3A_25] : memref<160x128xi32, #tpu.memory_space<hbm>> -> memref<80x128xi32, #tpu.memory_space<hbm>>
      %dma_wait3A_27 = arith.constant 0 : i32
      %dma_wait3A_28 = arith.constant 0 : i32
      %dma_wait3A_29 = tpu.memref_slice %arg2[%arg1, %dma_wait3A_27, %dma_wait3A_28] : memref<16x160x128xi32, #tpu.memory_space<hbm>> -> memref<1x160x128xi32, #tpu.memory_space<hbm>>
      %dma_wait3A_30 = tpu.memref_squeeze %dma_wait3A_29 : memref<1x160x128xi32, #tpu.memory_space<hbm>> -> memref<160x128xi32, #tpu.memory_space<hbm>>
      %dma_wait3A_31 = arith.constant 0 : i32
      %dma_wait3A_32 = tpu.memref_slice %dma_wait3A_30[%mul3A_2, %dma_wait3A_31] : memref<160x128xi32, #tpu.memory_space<hbm>> -> memref<80x128xi32, #tpu.memory_space<hbm>>
      tpu.wait_dma2 semaphore(%run_scoped3A : memref<!tpu.dma_semaphore, #tpu.memory_space<semaphore_mem>>) src(%dma_wait3A_32 : memref<80x128xi32, #tpu.memory_space<hbm>>) dst(%arg6 : memref<80x128xi32, #tpu.memory_space<vmem>>)
      tpu.yield
    }) : () -> ()
    "tpu.region"() ({
      %run_scoped3A = tpu.sem_alloc : memref<!tpu.dma_semaphore, #tpu.memory_space<semaphore_mem>>
      tpu.enqueue_dma source(%arg3 : memref<128x8xf32, #tpu.memory_space<hbm>>) target(%arg7 : memref<128x8xf32, #tpu.memory_space<vmem>>) target_semaphore(%run_scoped3A : memref<!tpu.dma_semaphore, #tpu.memory_space<semaphore_mem>>)
      tpu.wait_dma2 semaphore(%run_scoped3A : memref<!tpu.dma_semaphore, #tpu.memory_space<semaphore_mem>>) src(%arg3 : memref<128x8xf32, #tpu.memory_space<hbm>>) dst(%arg7 : memref<128x8xf32, #tpu.memory_space<vmem>>)
      tpu.yield
    }) : () -> ()
    %barrier3A = arith.constant 0 : index
    tpu.barrier barrier_id(%barrier3A)
    %scan3A = arith.constant 0 : i32
    %scan3A_3 = arith.constant 0 : i32
    %scan3A_4 = arith.constant 80 : i32
    %scan3A_5 = arith.addi %scan3A_3, %scan3A_4 : i32
    %scan3A_6 = arith.constant 1 : i32
    scf.for %scan3A_11 = %scan3A_3 to %scan3A_5 step %scan3A_6  : i32 {
      "tpu.region"() ({
        %run_scoped3A = tpu.sem_alloc : memref<!tpu.dma_semaphore, #tpu.memory_space<semaphore_mem>>
        %dma_start3A = arith.constant 0 : i32
        %dma_start3A_12 = tpu.memref_slice %arg6[%scan3A_11, %dma_start3A] : memref<80x128xi32, #tpu.memory_space<vmem>> -> memref<1x128xi32, #tpu.memory_space<vmem>>
        %dma_start3A_13 = tpu.memref_squeeze %dma_start3A_12 : memref<1x128xi32, #tpu.memory_space<vmem>> -> memref<128xi32, #tpu.memory_space<vmem>>
        %dma_start3A_14 = arith.constant 0 : i32
        %dma_start3A_15 = arith.constant 0 : i32
        %dma_start3A_16 = tpu.memref_slice %arg8[%dma_start3A_14, %dma_start3A_15] : memref<10112x8xf32, #tpu.memory_space<vmem_shared>> -> memref<10112x8xf32, #tpu.memory_space<vmem_shared>>
        tpu.enqueue_indirect_dma source(%arg7 : memref<128x8xf32, #tpu.memory_space<vmem>>) target(%dma_start3A_16 : memref<10112x8xf32, #tpu.memory_space<vmem_shared>>) offsets(%dma_start3A_13 : memref<128xi32, #tpu.memory_space<vmem>>) semaphore(%run_scoped3A : memref<!tpu.dma_semaphore, #tpu.memory_space<semaphore_mem>>) {add = true}
        %dma_wait3A = arith.constant 0 : i32
        %dma_wait3A_17 = tpu.memref_slice %arg6[%scan3A_11, %dma_wait3A] : memref<80x128xi32, #tpu.memory_space<vmem>> -> memref<1x128xi32, #tpu.memory_space<vmem>>
        %dma_wait3A_18 = tpu.memref_squeeze %dma_wait3A_17 : memref<1x128xi32, #tpu.memory_space<vmem>> -> memref<128xi32, #tpu.memory_space<vmem>>
        %dma_wait3A_19 = arith.constant 0 : i32
        %dma_wait3A_20 = arith.constant 0 : i32
        %dma_wait3A_21 = tpu.memref_slice %arg8[%dma_wait3A_19, %dma_wait3A_20] : memref<10112x8xf32, #tpu.memory_space<vmem_shared>> -> memref<10112x8xf32, #tpu.memory_space<vmem_shared>>
        tpu.wait_indirect_dma semaphore(%run_scoped3A : memref<!tpu.dma_semaphore, #tpu.memory_space<semaphore_mem>>) src(%arg7 : memref<128x8xf32, #tpu.memory_space<vmem>>) dst(%dma_wait3A_21 : memref<10112x8xf32, #tpu.memory_space<vmem_shared>>)
        tpu.yield
      }) : () -> ()
    }
    %scan3A_7 = arith.constant 80 : i32
    %barrier3A_8 = arith.constant 0 : index
    tpu.barrier barrier_id(%barrier3A_8)
    %mul3A_9 = arith.constant 8 : i32
    %mul3A_10 = arith.muli %arg0, %mul3A_9 : i32
    "tpu.region"() ({
      %run_scoped3A = tpu.sem_alloc : memref<!tpu.dma_semaphore, #tpu.memory_space<semaphore_mem>>
      %dma_start3A = tpu.memref_slice %arg5[%mul3A_0, %mul3A_10] : memref<10112x128xf32, #tpu.memory_space<hbm>> -> memref<632x8xf32, #tpu.memory_space<hbm>>
      %dma_start3A_11 = arith.constant 0 : i32
      %dma_start3A_12 = tpu.memref_slice %arg8[%mul3A_0, %dma_start3A_11] : memref<10112x8xf32, #tpu.memory_space<vmem_shared>> -> memref<632x8xf32, #tpu.memory_space<vmem_shared>>
      tpu.enqueue_dma source(%dma_start3A_12 : memref<632x8xf32, #tpu.memory_space<vmem_shared>>) target(%dma_start3A : memref<632x8xf32, #tpu.memory_space<hbm>>) target_semaphore(%run_scoped3A : memref<!tpu.dma_semaphore, #tpu.memory_space<semaphore_mem>>)
      %dma_wait3A = tpu.memref_slice %arg5[%mul3A_0, %mul3A_10] : memref<10112x128xf32, #tpu.memory_space<hbm>> -> memref<632x8xf32, #tpu.memory_space<hbm>>
      %dma_wait3A_13 = arith.constant 0 : i32
      %dma_wait3A_14 = tpu.memref_slice %arg8[%mul3A_0, %dma_wait3A_13] : memref<10112x8xf32, #tpu.memory_space<vmem_shared>> -> memref<632x8xf32, #tpu.memory_space<vmem_shared>>
      tpu.wait_dma2 semaphore(%run_scoped3A : memref<!tpu.dma_semaphore, #tpu.memory_space<semaphore_mem>>) src(%dma_wait3A_14 : memref<632x8xf32, #tpu.memory_space<vmem_shared>>) dst(%dma_wait3A : memref<632x8xf32, #tpu.memory_space<hbm>>)
      tpu.yield
    }) : () -> ()
    return
  }
}

#map = affine_map<(d0, d1) -> (0, 0)>
#map1 = affine_map<(d0, d1) -> (0, 0, 0)>
module attributes {stable_mosaic.version = 14 : i64} {
  func.func @_sc_agg(%arg0: i32, %arg1: i32, %arg2: memref<10000x128xf32, #tpu.memory_space<hbm>>, %arg3: memref<16x160x128xi32, #tpu.memory_space<hbm>>, %arg4: memref<16x160x128xi32, #tpu.memory_space<hbm>>, %arg5: memref<10112x32xf32, #tpu.memory_space<hbm>>, %arg6: memref<10112x128xf32, #tpu.memory_space<hbm>>, %arg7: memref<160x128xi32, #tpu.memory_space<vmem>>, %arg8: memref<160x128xi32, #tpu.memory_space<vmem>>, %arg9: memref<4x128x32xf32, #tpu.memory_space<vmem>>, %arg10: memref<10112x32xf32, #tpu.memory_space<vmem_shared>>, %arg11: memref<10000x32xf32, #tpu.memory_space<vmem_shared>>, %arg12: memref<!tpu.dma_semaphore, #tpu.memory_space<semaphore_mem>>, %arg13: memref<!tpu.dma_semaphore, #tpu.memory_space<semaphore_mem>>, %arg14: memref<!tpu.dma_semaphore, #tpu.memory_space<semaphore_mem>>, %arg15: memref<!tpu.dma_semaphore, #tpu.memory_space<semaphore_mem>>, %arg16: memref<!tpu.dma_semaphore, #tpu.memory_space<semaphore_mem>>, %arg17: memref<!tpu.dma_semaphore, #tpu.memory_space<semaphore_mem>>, %arg18: memref<!tpu.dma_semaphore, #tpu.memory_space<semaphore_mem>>, %arg19: memref<!tpu.dma_semaphore, #tpu.memory_space<semaphore_mem>>) attributes {dimension_semantics = [#tpu.dimension_semantics<core_parallel>, #tpu.dimension_semantics<subcore_parallel>], iteration_bounds = array<i64: 2, 16>, scalar_prefetch = 0 : i64, scratch_operands = 13 : i64, tpu.core_type = #tpu.core_type<sc_vector_subcore>, window_params = [{transform_indices = #map}, {transform_indices = #map1}, {transform_indices = #map1}, {transform_indices = #map}, {transform_indices = #map}]} {
    %mul3A = arith.constant 632 : i32
    %mul3A_0 = arith.muli %arg1, %mul3A : i32
    "tpu.region"() ({
      %run_scoped3A = tpu.sem_alloc : memref<!tpu.dma_semaphore, #tpu.memory_space<semaphore_mem>>
      %dma_start3A_129 = arith.constant 0 : i32
      %dma_start3A_130 = arith.constant 0 : i32
      %dma_start3A_131 = tpu.memref_slice %arg3[%arg1, %dma_start3A_129, %dma_start3A_130] : memref<16x160x128xi32, #tpu.memory_space<hbm>> -> memref<1x160x128xi32, #tpu.memory_space<hbm>>
      %dma_start3A_132 = tpu.memref_squeeze %dma_start3A_131 : memref<1x160x128xi32, #tpu.memory_space<hbm>> -> memref<160x128xi32, #tpu.memory_space<hbm>>
      %dma_start3A_133 = arith.constant 0 : i32
      %dma_start3A_134 = arith.constant 0 : i32
      %dma_start3A_135 = tpu.memref_slice %arg3[%arg1, %dma_start3A_133, %dma_start3A_134] : memref<16x160x128xi32, #tpu.memory_space<hbm>> -> memref<1x160x128xi32, #tpu.memory_space<hbm>>
      %dma_start3A_136 = tpu.memref_squeeze %dma_start3A_135 : memref<1x160x128xi32, #tpu.memory_space<hbm>> -> memref<160x128xi32, #tpu.memory_space<hbm>>
      tpu.enqueue_dma source(%dma_start3A_136 : memref<160x128xi32, #tpu.memory_space<hbm>>) target(%arg7 : memref<160x128xi32, #tpu.memory_space<vmem>>) target_semaphore(%run_scoped3A : memref<!tpu.dma_semaphore, #tpu.memory_space<semaphore_mem>>)
      %dma_wait3A = arith.constant 0 : i32
      %dma_wait3A_137 = arith.constant 0 : i32
      %dma_wait3A_138 = tpu.memref_slice %arg3[%arg1, %dma_wait3A, %dma_wait3A_137] : memref<16x160x128xi32, #tpu.memory_space<hbm>> -> memref<1x160x128xi32, #tpu.memory_space<hbm>>
      %dma_wait3A_139 = tpu.memref_squeeze %dma_wait3A_138 : memref<1x160x128xi32, #tpu.memory_space<hbm>> -> memref<160x128xi32, #tpu.memory_space<hbm>>
      %dma_wait3A_140 = arith.constant 0 : i32
      %dma_wait3A_141 = arith.constant 0 : i32
      %dma_wait3A_142 = tpu.memref_slice %arg3[%arg1, %dma_wait3A_140, %dma_wait3A_141] : memref<16x160x128xi32, #tpu.memory_space<hbm>> -> memref<1x160x128xi32, #tpu.memory_space<hbm>>
      %dma_wait3A_143 = tpu.memref_squeeze %dma_wait3A_142 : memref<1x160x128xi32, #tpu.memory_space<hbm>> -> memref<160x128xi32, #tpu.memory_space<hbm>>
      tpu.wait_dma2 semaphore(%run_scoped3A : memref<!tpu.dma_semaphore, #tpu.memory_space<semaphore_mem>>) src(%dma_wait3A_143 : memref<160x128xi32, #tpu.memory_space<hbm>>) dst(%arg7 : memref<160x128xi32, #tpu.memory_space<vmem>>)
      tpu.yield
    }) : () -> ()
    "tpu.region"() ({
      %run_scoped3A = tpu.sem_alloc : memref<!tpu.dma_semaphore, #tpu.memory_space<semaphore_mem>>
      %dma_start3A_129 = arith.constant 0 : i32
      %dma_start3A_130 = arith.constant 0 : i32
      %dma_start3A_131 = tpu.memref_slice %arg4[%arg1, %dma_start3A_129, %dma_start3A_130] : memref<16x160x128xi32, #tpu.memory_space<hbm>> -> memref<1x160x128xi32, #tpu.memory_space<hbm>>
      %dma_start3A_132 = tpu.memref_squeeze %dma_start3A_131 : memref<1x160x128xi32, #tpu.memory_space<hbm>> -> memref<160x128xi32, #tpu.memory_space<hbm>>
      %dma_start3A_133 = arith.constant 0 : i32
      %dma_start3A_134 = arith.constant 0 : i32
      %dma_start3A_135 = tpu.memref_slice %arg4[%arg1, %dma_start3A_133, %dma_start3A_134] : memref<16x160x128xi32, #tpu.memory_space<hbm>> -> memref<1x160x128xi32, #tpu.memory_space<hbm>>
      %dma_start3A_136 = tpu.memref_squeeze %dma_start3A_135 : memref<1x160x128xi32, #tpu.memory_space<hbm>> -> memref<160x128xi32, #tpu.memory_space<hbm>>
      tpu.enqueue_dma source(%dma_start3A_136 : memref<160x128xi32, #tpu.memory_space<hbm>>) target(%arg8 : memref<160x128xi32, #tpu.memory_space<vmem>>) target_semaphore(%run_scoped3A : memref<!tpu.dma_semaphore, #tpu.memory_space<semaphore_mem>>)
      %dma_wait3A = arith.constant 0 : i32
      %dma_wait3A_137 = arith.constant 0 : i32
      %dma_wait3A_138 = tpu.memref_slice %arg4[%arg1, %dma_wait3A, %dma_wait3A_137] : memref<16x160x128xi32, #tpu.memory_space<hbm>> -> memref<1x160x128xi32, #tpu.memory_space<hbm>>
      %dma_wait3A_139 = tpu.memref_squeeze %dma_wait3A_138 : memref<1x160x128xi32, #tpu.memory_space<hbm>> -> memref<160x128xi32, #tpu.memory_space<hbm>>
      %dma_wait3A_140 = arith.constant 0 : i32
      %dma_wait3A_141 = arith.constant 0 : i32
      %dma_wait3A_142 = tpu.memref_slice %arg4[%arg1, %dma_wait3A_140, %dma_wait3A_141] : memref<16x160x128xi32, #tpu.memory_space<hbm>> -> memref<1x160x128xi32, #tpu.memory_space<hbm>>
      %dma_wait3A_143 = tpu.memref_squeeze %dma_wait3A_142 : memref<1x160x128xi32, #tpu.memory_space<hbm>> -> memref<160x128xi32, #tpu.memory_space<hbm>>
      tpu.wait_dma2 semaphore(%run_scoped3A : memref<!tpu.dma_semaphore, #tpu.memory_space<semaphore_mem>>) src(%dma_wait3A_143 : memref<160x128xi32, #tpu.memory_space<hbm>>) dst(%arg8 : memref<160x128xi32, #tpu.memory_space<vmem>>)
      tpu.yield
    }) : () -> ()
    %mul3A_1 = arith.constant 2 : i32
    %mul3A_2 = arith.muli %mul3A_1, %arg0 : i32
    %add3A = arith.constant 0 : i32
    %add3A_3 = arith.addi %mul3A_2, %add3A : i32
    %mul3A_4 = arith.constant 32 : i32
    %mul3A_5 = arith.muli %add3A_3, %mul3A_4 : i32
    "tpu.region"() ({
      %run_scoped3A = tpu.sem_alloc : memref<!tpu.dma_semaphore, #tpu.memory_space<semaphore_mem>>
      %dma_start3A_129 = arith.constant 0 : i32
      %dma_start3A_130 = tpu.memref_slice %arg10[%mul3A_0, %dma_start3A_129] : memref<10112x32xf32, #tpu.memory_space<vmem_shared>> -> memref<632x32xf32, #tpu.memory_space<vmem_shared>>
      %dma_start3A_131 = arith.constant 0 : i32
      %dma_start3A_132 = tpu.memref_slice %arg5[%mul3A_0, %dma_start3A_131] : memref<10112x32xf32, #tpu.memory_space<hbm>> -> memref<632x32xf32, #tpu.memory_space<hbm>>
      tpu.enqueue_dma source(%dma_start3A_132 : memref<632x32xf32, #tpu.memory_space<hbm>>) target(%dma_start3A_130 : memref<632x32xf32, #tpu.memory_space<vmem_shared>>) target_semaphore(%run_scoped3A : memref<!tpu.dma_semaphore, #tpu.memory_space<semaphore_mem>>)
      %dma_wait3A = arith.constant 0 : i32
      %dma_wait3A_133 = tpu.memref_slice %arg10[%mul3A_0, %dma_wait3A] : memref<10112x32xf32, #tpu.memory_space<vmem_shared>> -> memref<632x32xf32, #tpu.memory_space<vmem_shared>>
      %dma_wait3A_134 = arith.constant 0 : i32
      %dma_wait3A_135 = tpu.memref_slice %arg5[%mul3A_0, %dma_wait3A_134] : memref<10112x32xf32, #tpu.memory_space<hbm>> -> memref<632x32xf32, #tpu.memory_space<hbm>>
      tpu.wait_dma2 semaphore(%run_scoped3A : memref<!tpu.dma_semaphore, #tpu.memory_space<semaphore_mem>>) src(%dma_wait3A_135 : memref<632x32xf32, #tpu.memory_space<hbm>>) dst(%dma_wait3A_133 : memref<632x32xf32, #tpu.memory_space<vmem_shared>>)
      tpu.yield
    }) : () -> ()
    %mul3A_6 = arith.constant 625 : i32
    %mul3A_7 = arith.muli %arg1, %mul3A_6 : i32
    %mul3A_8 = arith.constant 625 : i32
    %mul3A_9 = arith.muli %arg1, %mul3A_8 : i32
    "tpu.region"() ({
      %run_scoped3A = tpu.sem_alloc : memref<!tpu.dma_semaphore, #tpu.memory_space<semaphore_mem>>
      %dma_start3A_129 = arith.constant 0 : i32
      %dma_start3A_130 = tpu.memref_slice %arg11[%mul3A_9, %dma_start3A_129] : memref<10000x32xf32, #tpu.memory_space<vmem_shared>> -> memref<625x32xf32, #tpu.memory_space<vmem_shared>>
      %dma_start3A_131 = tpu.memref_slice %arg2[%mul3A_7, %mul3A_5] : memref<10000x128xf32, #tpu.memory_space<hbm>> -> memref<625x32xf32, #tpu.memory_space<hbm>>
      tpu.enqueue_dma source(%dma_start3A_131 : memref<625x32xf32, #tpu.memory_space<hbm>>) target(%dma_start3A_130 : memref<625x32xf32, #tpu.memory_space<vmem_shared>>) target_semaphore(%run_scoped3A : memref<!tpu.dma_semaphore, #tpu.memory_space<semaphore_mem>>)
      %dma_wait3A = arith.constant 0 : i32
      %dma_wait3A_132 = tpu.memref_slice %arg11[%mul3A_9, %dma_wait3A] : memref<10000x32xf32, #tpu.memory_space<vmem_shared>> -> memref<625x32xf32, #tpu.memory_space<vmem_shared>>
      %dma_wait3A_133 = tpu.memref_slice %arg2[%mul3A_7, %mul3A_5] : memref<10000x128xf32, #tpu.memory_space<hbm>> -> memref<625x32xf32, #tpu.memory_space<hbm>>
      tpu.wait_dma2 semaphore(%run_scoped3A : memref<!tpu.dma_semaphore, #tpu.memory_space<semaphore_mem>>) src(%dma_wait3A_133 : memref<625x32xf32, #tpu.memory_space<hbm>>) dst(%dma_wait3A_132 : memref<625x32xf32, #tpu.memory_space<vmem_shared>>)
      tpu.yield
    }) : () -> ()
    %barrier3A = arith.constant 0 : index
    tpu.barrier barrier_id(%barrier3A)
    %dma_start3A = arith.constant 0 : i32
    %dma_start3A_10 = arith.constant 0 : i32
    %dma_start3A_11 = arith.constant 0 : i32
    %dma_start3A_12 = arith.constant 0 : i32
    %dma_start3A_13 = tpu.memref_slice %arg9[%dma_start3A_10, %dma_start3A_11, %dma_start3A_12] : memref<4x128x32xf32, #tpu.memory_space<vmem>> -> memref<1x128x32xf32, #tpu.memory_space<vmem>>
    %dma_start3A_14 = tpu.memref_squeeze %dma_start3A_13 : memref<1x128x32xf32, #tpu.memory_space<vmem>> -> memref<128x32xf32, #tpu.memory_space<vmem>>
    %dma_start3A_15 = arith.constant 0 : i32
    %dma_start3A_16 = tpu.memref_slice %arg7[%dma_start3A, %dma_start3A_15] : memref<160x128xi32, #tpu.memory_space<vmem>> -> memref<1x128xi32, #tpu.memory_space<vmem>>
    %dma_start3A_17 = tpu.memref_squeeze %dma_start3A_16 : memref<1x128xi32, #tpu.memory_space<vmem>> -> memref<128xi32, #tpu.memory_space<vmem>>
    %dma_start3A_18 = arith.constant 0 : i32
    %dma_start3A_19 = arith.constant 0 : i32
    %dma_start3A_20 = tpu.memref_slice %arg11[%dma_start3A_18, %dma_start3A_19] : memref<10000x32xf32, #tpu.memory_space<vmem_shared>> -> memref<10000x32xf32, #tpu.memory_space<vmem_shared>>
    tpu.enqueue_indirect_dma source(%dma_start3A_20 : memref<10000x32xf32, #tpu.memory_space<vmem_shared>>) target(%dma_start3A_14 : memref<128x32xf32, #tpu.memory_space<vmem>>) offsets(%dma_start3A_17 : memref<128xi32, #tpu.memory_space<vmem>>) semaphore(%arg12 : memref<!tpu.dma_semaphore, #tpu.memory_space<semaphore_mem>>)
    %dma_start3A_21 = arith.constant 1 : i32
    %dma_start3A_22 = arith.constant 1 : i32
    %dma_start3A_23 = arith.constant 0 : i32
    %dma_start3A_24 = arith.constant 0 : i32
    %dma_start3A_25 = tpu.memref_slice %arg9[%dma_start3A_22, %dma_start3A_23, %dma_start3A_24] : memref<4x128x32xf32, #tpu.memory_space<vmem>> -> memref<1x128x32xf32, #tpu.memory_space<vmem>>
    %dma_start3A_26 = tpu.memref_squeeze %dma_start3A_25 : memref<1x128x32xf32, #tpu.memory_space<vmem>> -> memref<128x32xf32, #tpu.memory_space<vmem>>
    %dma_start3A_27 = arith.constant 0 : i32
    %dma_start3A_28 = tpu.memref_slice %arg7[%dma_start3A_21, %dma_start3A_27] : memref<160x128xi32, #tpu.memory_space<vmem>> -> memref<1x128xi32, #tpu.memory_space<vmem>>
    %dma_start3A_29 = tpu.memref_squeeze %dma_start3A_28 : memref<1x128xi32, #tpu.memory_space<vmem>> -> memref<128xi32, #tpu.memory_space<vmem>>
    %dma_start3A_30 = arith.constant 0 : i32
    %dma_start3A_31 = arith.constant 0 : i32
    %dma_start3A_32 = tpu.memref_slice %arg11[%dma_start3A_30, %dma_start3A_31] : memref<10000x32xf32, #tpu.memory_space<vmem_shared>> -> memref<10000x32xf32, #tpu.memory_space<vmem_shared>>
    tpu.enqueue_indirect_dma source(%dma_start3A_32 : memref<10000x32xf32, #tpu.memory_space<vmem_shared>>) target(%dma_start3A_26 : memref<128x32xf32, #tpu.memory_space<vmem>>) offsets(%dma_start3A_29 : memref<128xi32, #tpu.memory_space<vmem>>) semaphore(%arg13 : memref<!tpu.dma_semaphore, #tpu.memory_space<semaphore_mem>>)
    %dma_start3A_33 = arith.constant 2 : i32
    %dma_start3A_34 = arith.constant 2 : i32
    %dma_start3A_35 = arith.constant 0 : i32
    %dma_start3A_36 = arith.constant 0 : i32
    %dma_start3A_37 = tpu.memref_slice %arg9[%dma_start3A_34, %dma_start3A_35, %dma_start3A_36] : memref<4x128x32xf32, #tpu.memory_space<vmem>> -> memref<1x128x32xf32, #tpu.memory_space<vmem>>
    %dma_start3A_38 = tpu.memref_squeeze %dma_start3A_37 : memref<1x128x32xf32, #tpu.memory_space<vmem>> -> memref<128x32xf32, #tpu.memory_space<vmem>>
    %dma_start3A_39 = arith.constant 0 : i32
    %dma_start3A_40 = tpu.memref_slice %arg7[%dma_start3A_33, %dma_start3A_39] : memref<160x128xi32, #tpu.memory_space<vmem>> -> memref<1x128xi32, #tpu.memory_space<vmem>>
    %dma_start3A_41 = tpu.memref_squeeze %dma_start3A_40 : memref<1x128xi32, #tpu.memory_space<vmem>> -> memref<128xi32, #tpu.memory_space<vmem>>
    %dma_start3A_42 = arith.constant 0 : i32
    %dma_start3A_43 = arith.constant 0 : i32
    %dma_start3A_44 = tpu.memref_slice %arg11[%dma_start3A_42, %dma_start3A_43] : memref<10000x32xf32, #tpu.memory_space<vmem_shared>> -> memref<10000x32xf32, #tpu.memory_space<vmem_shared>>
    tpu.enqueue_indirect_dma source(%dma_start3A_44 : memref<10000x32xf32, #tpu.memory_space<vmem_shared>>) target(%dma_start3A_38 : memref<128x32xf32, #tpu.memory_space<vmem>>) offsets(%dma_start3A_41 : memref<128xi32, #tpu.memory_space<vmem>>) semaphore(%arg14 : memref<!tpu.dma_semaphore, #tpu.memory_space<semaphore_mem>>)
    %dma_start3A_45 = arith.constant 3 : i32
    %dma_start3A_46 = arith.constant 3 : i32
    %dma_start3A_47 = arith.constant 0 : i32
    %dma_start3A_48 = arith.constant 0 : i32
    %dma_start3A_49 = tpu.memref_slice %arg9[%dma_start3A_46, %dma_start3A_47, %dma_start3A_48] : memref<4x128x32xf32, #tpu.memory_space<vmem>> -> memref<1x128x32xf32, #tpu.memory_space<vmem>>
    %dma_start3A_50 = tpu.memref_squeeze %dma_start3A_49 : memref<1x128x32xf32, #tpu.memory_space<vmem>> -> memref<128x32xf32, #tpu.memory_space<vmem>>
    %dma_start3A_51 = arith.constant 0 : i32
    %dma_start3A_52 = tpu.memref_slice %arg7[%dma_start3A_45, %dma_start3A_51] : memref<160x128xi32, #tpu.memory_space<vmem>> -> memref<1x128xi32, #tpu.memory_space<vmem>>
    %dma_start3A_53 = tpu.memref_squeeze %dma_start3A_52 : memref<1x128xi32, #tpu.memory_space<vmem>> -> memref<128xi32, #tpu.memory_space<vmem>>
    %dma_start3A_54 = arith.constant 0 : i32
    %dma_start3A_55 = arith.constant 0 : i32
    %dma_start3A_56 = tpu.memref_slice %arg11[%dma_start3A_54, %dma_start3A_55] : memref<10000x32xf32, #tpu.memory_space<vmem_shared>> -> memref<10000x32xf32, #tpu.memory_space<vmem_shared>>
    tpu.enqueue_indirect_dma source(%dma_start3A_56 : memref<10000x32xf32, #tpu.memory_space<vmem_shared>>) target(%dma_start3A_50 : memref<128x32xf32, #tpu.memory_space<vmem>>) offsets(%dma_start3A_53 : memref<128xi32, #tpu.memory_space<vmem>>) semaphore(%arg15 : memref<!tpu.dma_semaphore, #tpu.memory_space<semaphore_mem>>)
    %scan3A = arith.constant 0 : i32
    %scan3A_57 = arith.constant 0 : i32
    %scan3A_58 = arith.constant 40 : i32
    %scan3A_59 = arith.addi %scan3A_57, %scan3A_58 : i32
    %scan3A_60 = arith.constant 1 : i32
    scf.for %scan3A_129 = %scan3A_57 to %scan3A_59 step %scan3A_60  : i32 {
      %mul3A_130 = arith.constant 2 : i32
      %mul3A_131 = arith.muli %mul3A_130, %scan3A_129 : i32
      %mul3A_132 = arith.constant 2 : i32
      %mul3A_133 = arith.muli %mul3A_131, %mul3A_132 : i32
      %add3A_134 = arith.constant 0 : i32
      %add3A_135 = arith.addi %mul3A_133, %add3A_134 : i32
      %dma_wait3A = arith.constant 0 : i32
      %dma_wait3A_136 = arith.constant 0 : i32
      %dma_wait3A_137 = arith.constant 0 : i32
      %dma_wait3A_138 = tpu.memref_slice %arg9[%dma_wait3A, %dma_wait3A_136, %dma_wait3A_137] : memref<4x128x32xf32, #tpu.memory_space<vmem>> -> memref<1x128x32xf32, #tpu.memory_space<vmem>>
      %dma_wait3A_139 = tpu.memref_squeeze %dma_wait3A_138 : memref<1x128x32xf32, #tpu.memory_space<vmem>> -> memref<128x32xf32, #tpu.memory_space<vmem>>
      %dma_wait3A_140 = arith.constant 0 : i32
      %dma_wait3A_141 = tpu.memref_slice %arg7[%add3A_135, %dma_wait3A_140] : memref<160x128xi32, #tpu.memory_space<vmem>> -> memref<1x128xi32, #tpu.memory_space<vmem>>
      %dma_wait3A_142 = tpu.memref_squeeze %dma_wait3A_141 : memref<1x128xi32, #tpu.memory_space<vmem>> -> memref<128xi32, #tpu.memory_space<vmem>>
      %dma_wait3A_143 = arith.constant 0 : i32
      %dma_wait3A_144 = arith.constant 0 : i32
      %dma_wait3A_145 = tpu.memref_slice %arg11[%dma_wait3A_143, %dma_wait3A_144] : memref<10000x32xf32, #tpu.memory_space<vmem_shared>> -> memref<10000x32xf32, #tpu.memory_space<vmem_shared>>
      tpu.wait_indirect_dma semaphore(%arg12 : memref<!tpu.dma_semaphore, #tpu.memory_space<semaphore_mem>>) src(%dma_wait3A_145 : memref<10000x32xf32, #tpu.memory_space<vmem_shared>>) dst(%dma_wait3A_139 : memref<128x32xf32, #tpu.memory_space<vmem>>)
      %dma_start3A_146 = arith.constant 0 : i32
      %dma_start3A_147 = arith.constant 0 : i32
      %dma_start3A_148 = arith.constant 0 : i32
      %dma_start3A_149 = tpu.memref_slice %arg9[%dma_start3A_146, %dma_start3A_147, %dma_start3A_148] : memref<4x128x32xf32, #tpu.memory_space<vmem>> -> memref<1x128x32xf32, #tpu.memory_space<vmem>>
      %dma_start3A_150 = tpu.memref_squeeze %dma_start3A_149 : memref<1x128x32xf32, #tpu.memory_space<vmem>> -> memref<128x32xf32, #tpu.memory_space<vmem>>
      %dma_start3A_151 = arith.constant 0 : i32
      %dma_start3A_152 = tpu.memref_slice %arg8[%add3A_135, %dma_start3A_151] : memref<160x128xi32, #tpu.memory_space<vmem>> -> memref<1x128xi32, #tpu.memory_space<vmem>>
      %dma_start3A_153 = tpu.memref_squeeze %dma_start3A_152 : memref<1x128xi32, #tpu.memory_space<vmem>> -> memref<128xi32, #tpu.memory_space<vmem>>
      %dma_start3A_154 = arith.constant 0 : i32
      %dma_start3A_155 = arith.constant 0 : i32
      %dma_start3A_156 = tpu.memref_slice %arg10[%dma_start3A_154, %dma_start3A_155] : memref<10112x32xf32, #tpu.memory_space<vmem_shared>> -> memref<10112x32xf32, #tpu.memory_space<vmem_shared>>
      tpu.enqueue_indirect_dma source(%dma_start3A_150 : memref<128x32xf32, #tpu.memory_space<vmem>>) target(%dma_start3A_156 : memref<10112x32xf32, #tpu.memory_space<vmem_shared>>) offsets(%dma_start3A_153 : memref<128xi32, #tpu.memory_space<vmem>>) semaphore(%arg16 : memref<!tpu.dma_semaphore, #tpu.memory_space<semaphore_mem>>) {add = true}
      %mul3A_157 = arith.constant 2 : i32
      %mul3A_158 = arith.muli %mul3A_131, %mul3A_157 : i32
      %add3A_159 = arith.constant 1 : i32
      %add3A_160 = arith.addi %mul3A_158, %add3A_159 : i32
      %dma_wait3A_161 = arith.constant 1 : i32
      %dma_wait3A_162 = arith.constant 0 : i32
      %dma_wait3A_163 = arith.constant 0 : i32
      %dma_wait3A_164 = tpu.memref_slice %arg9[%dma_wait3A_161, %dma_wait3A_162, %dma_wait3A_163] : memref<4x128x32xf32, #tpu.memory_space<vmem>> -> memref<1x128x32xf32, #tpu.memory_space<vmem>>
      %dma_wait3A_165 = tpu.memref_squeeze %dma_wait3A_164 : memref<1x128x32xf32, #tpu.memory_space<vmem>> -> memref<128x32xf32, #tpu.memory_space<vmem>>
      %dma_wait3A_166 = arith.constant 0 : i32
      %dma_wait3A_167 = tpu.memref_slice %arg7[%add3A_160, %dma_wait3A_166] : memref<160x128xi32, #tpu.memory_space<vmem>> -> memref<1x128xi32, #tpu.memory_space<vmem>>
      %dma_wait3A_168 = tpu.memref_squeeze %dma_wait3A_167 : memref<1x128xi32, #tpu.memory_space<vmem>> -> memref<128xi32, #tpu.memory_space<vmem>>
      %dma_wait3A_169 = arith.constant 0 : i32
      %dma_wait3A_170 = arith.constant 0 : i32
      %dma_wait3A_171 = tpu.memref_slice %arg11[%dma_wait3A_169, %dma_wait3A_170] : memref<10000x32xf32, #tpu.memory_space<vmem_shared>> -> memref<10000x32xf32, #tpu.memory_space<vmem_shared>>
      tpu.wait_indirect_dma semaphore(%arg13 : memref<!tpu.dma_semaphore, #tpu.memory_space<semaphore_mem>>) src(%dma_wait3A_171 : memref<10000x32xf32, #tpu.memory_space<vmem_shared>>) dst(%dma_wait3A_165 : memref<128x32xf32, #tpu.memory_space<vmem>>)
      %dma_start3A_172 = arith.constant 1 : i32
      %dma_start3A_173 = arith.constant 0 : i32
      %dma_start3A_174 = arith.constant 0 : i32
      %dma_start3A_175 = tpu.memref_slice %arg9[%dma_start3A_172, %dma_start3A_173, %dma_start3A_174] : memref<4x128x32xf32, #tpu.memory_space<vmem>> -> memref<1x128x32xf32, #tpu.memory_space<vmem>>
      %dma_start3A_176 = tpu.memref_squeeze %dma_start3A_175 : memref<1x128x32xf32, #tpu.memory_space<vmem>> -> memref<128x32xf32, #tpu.memory_space<vmem>>
      %dma_start3A_177 = arith.constant 0 : i32
      %dma_start3A_178 = tpu.memref_slice %arg8[%add3A_160, %dma_start3A_177] : memref<160x128xi32, #tpu.memory_space<vmem>> -> memref<1x128xi32, #tpu.memory_space<vmem>>
      %dma_start3A_179 = tpu.memref_squeeze %dma_start3A_178 : memref<1x128xi32, #tpu.memory_space<vmem>> -> memref<128xi32, #tpu.memory_space<vmem>>
      %dma_start3A_180 = arith.constant 0 : i32
      %dma_start3A_181 = arith.constant 0 : i32
      %dma_start3A_182 = tpu.memref_slice %arg10[%dma_start3A_180, %dma_start3A_181] : memref<10112x32xf32, #tpu.memory_space<vmem_shared>> -> memref<10112x32xf32, #tpu.memory_space<vmem_shared>>
      tpu.enqueue_indirect_dma source(%dma_start3A_176 : memref<128x32xf32, #tpu.memory_space<vmem>>) target(%dma_start3A_182 : memref<10112x32xf32, #tpu.memory_space<vmem_shared>>) offsets(%dma_start3A_179 : memref<128xi32, #tpu.memory_space<vmem>>) semaphore(%arg17 : memref<!tpu.dma_semaphore, #tpu.memory_space<semaphore_mem>>) {add = true}
      %mul3A_183 = arith.constant 2 : i32
      %mul3A_184 = arith.muli %mul3A_131, %mul3A_183 : i32
      %add3A_185 = arith.constant 0 : i32
      %add3A_186 = arith.addi %mul3A_184, %add3A_185 : i32
      %dma_wait3A_187 = arith.constant 0 : i32
      %dma_wait3A_188 = arith.constant 0 : i32
      %dma_wait3A_189 = arith.constant 0 : i32
      %dma_wait3A_190 = tpu.memref_slice %arg9[%dma_wait3A_187, %dma_wait3A_188, %dma_wait3A_189] : memref<4x128x32xf32, #tpu.memory_space<vmem>> -> memref<1x128x32xf32, #tpu.memory_space<vmem>>
      %dma_wait3A_191 = tpu.memref_squeeze %dma_wait3A_190 : memref<1x128x32xf32, #tpu.memory_space<vmem>> -> memref<128x32xf32, #tpu.memory_space<vmem>>
      %dma_wait3A_192 = arith.constant 0 : i32
      %dma_wait3A_193 = tpu.memref_slice %arg8[%add3A_186, %dma_wait3A_192] : memref<160x128xi32, #tpu.memory_space<vmem>> -> memref<1x128xi32, #tpu.memory_space<vmem>>
      %dma_wait3A_194 = tpu.memref_squeeze %dma_wait3A_193 : memref<1x128xi32, #tpu.memory_space<vmem>> -> memref<128xi32, #tpu.memory_space<vmem>>
      %dma_wait3A_195 = arith.constant 0 : i32
      %dma_wait3A_196 = arith.constant 0 : i32
      %dma_wait3A_197 = tpu.memref_slice %arg10[%dma_wait3A_195, %dma_wait3A_196] : memref<10112x32xf32, #tpu.memory_space<vmem_shared>> -> memref<10112x32xf32, #tpu.memory_space<vmem_shared>>
      tpu.wait_indirect_dma semaphore(%arg16 : memref<!tpu.dma_semaphore, #tpu.memory_space<semaphore_mem>>) src(%dma_wait3A_191 : memref<128x32xf32, #tpu.memory_space<vmem>>) dst(%dma_wait3A_197 : memref<10112x32xf32, #tpu.memory_space<vmem_shared>>)
      %mul3A_198 = arith.constant 2 : i32
      %mul3A_199 = arith.muli %mul3A_131, %mul3A_198 : i32
      %add3A_200 = arith.constant 1 : i32
      %add3A_201 = arith.addi %mul3A_199, %add3A_200 : i32
      %dma_wait3A_202 = arith.constant 1 : i32
      %dma_wait3A_203 = arith.constant 0 : i32
      %dma_wait3A_204 = arith.constant 0 : i32
      %dma_wait3A_205 = tpu.memref_slice %arg9[%dma_wait3A_202, %dma_wait3A_203, %dma_wait3A_204] : memref<4x128x32xf32, #tpu.memory_space<vmem>> -> memref<1x128x32xf32, #tpu.memory_space<vmem>>
      %dma_wait3A_206 = tpu.memref_squeeze %dma_wait3A_205 : memref<1x128x32xf32, #tpu.memory_space<vmem>> -> memref<128x32xf32, #tpu.memory_space<vmem>>
      %dma_wait3A_207 = arith.constant 0 : i32
      %dma_wait3A_208 = tpu.memref_slice %arg8[%add3A_201, %dma_wait3A_207] : memref<160x128xi32, #tpu.memory_space<vmem>> -> memref<1x128xi32, #tpu.memory_space<vmem>>
      %dma_wait3A_209 = tpu.memref_squeeze %dma_wait3A_208 : memref<1x128xi32, #tpu.memory_space<vmem>> -> memref<128xi32, #tpu.memory_space<vmem>>
      %dma_wait3A_210 = arith.constant 0 : i32
      %dma_wait3A_211 = arith.constant 0 : i32
      %dma_wait3A_212 = tpu.memref_slice %arg10[%dma_wait3A_210, %dma_wait3A_211] : memref<10112x32xf32, #tpu.memory_space<vmem_shared>> -> memref<10112x32xf32, #tpu.memory_space<vmem_shared>>
      tpu.wait_indirect_dma semaphore(%arg17 : memref<!tpu.dma_semaphore, #tpu.memory_space<semaphore_mem>>) src(%dma_wait3A_206 : memref<128x32xf32, #tpu.memory_space<vmem>>) dst(%dma_wait3A_212 : memref<10112x32xf32, #tpu.memory_space<vmem_shared>>)
      %add3A_213 = arith.constant 2 : i32
      %add3A_214 = arith.addi %mul3A_131, %add3A_213 : i32
      %lt3A = arith.constant 80 : i32
      %lt3A_215 = arith.cmpi slt, %add3A_214, %lt3A : i32
      %convert_element_type3A = arith.extui %lt3A_215 : i1 to i32
      %cond3A = arith.constant 0 : i32
      %cond3A_216 = arith.cmpi ne, %convert_element_type3A, %cond3A : i32
      scf.if %cond3A_216 {
        %add3A_310 = arith.constant 2 : i32
        %add3A_311 = arith.addi %mul3A_131, %add3A_310 : i32
        %mul3A_312 = arith.constant 2 : i32
        %mul3A_313 = arith.muli %add3A_311, %mul3A_312 : i32
        %add3A_314 = arith.constant 0 : i32
        %add3A_315 = arith.addi %mul3A_313, %add3A_314 : i32
        %dma_start3A_316 = arith.constant 0 : i32
        %dma_start3A_317 = arith.constant 0 : i32
        %dma_start3A_318 = arith.constant 0 : i32
        %dma_start3A_319 = tpu.memref_slice %arg9[%dma_start3A_316, %dma_start3A_317, %dma_start3A_318] : memref<4x128x32xf32, #tpu.memory_space<vmem>> -> memref<1x128x32xf32, #tpu.memory_space<vmem>>
        %dma_start3A_320 = tpu.memref_squeeze %dma_start3A_319 : memref<1x128x32xf32, #tpu.memory_space<vmem>> -> memref<128x32xf32, #tpu.memory_space<vmem>>
        %dma_start3A_321 = arith.constant 0 : i32
        %dma_start3A_322 = tpu.memref_slice %arg7[%add3A_315, %dma_start3A_321] : memref<160x128xi32, #tpu.memory_space<vmem>> -> memref<1x128xi32, #tpu.memory_space<vmem>>
        %dma_start3A_323 = tpu.memref_squeeze %dma_start3A_322 : memref<1x128xi32, #tpu.memory_space<vmem>> -> memref<128xi32, #tpu.memory_space<vmem>>
        %dma_start3A_324 = arith.constant 0 : i32
        %dma_start3A_325 = arith.constant 0 : i32
        %dma_start3A_326 = tpu.memref_slice %arg11[%dma_start3A_324, %dma_start3A_325] : memref<10000x32xf32, #tpu.memory_space<vmem_shared>> -> memref<10000x32xf32, #tpu.memory_space<vmem_shared>>
        tpu.enqueue_indirect_dma source(%dma_start3A_326 : memref<10000x32xf32, #tpu.memory_space<vmem_shared>>) target(%dma_start3A_320 : memref<128x32xf32, #tpu.memory_space<vmem>>) offsets(%dma_start3A_323 : memref<128xi32, #tpu.memory_space<vmem>>) semaphore(%arg12 : memref<!tpu.dma_semaphore, #tpu.memory_space<semaphore_mem>>)
        %add3A_327 = arith.constant 2 : i32
        %add3A_328 = arith.addi %mul3A_131, %add3A_327 : i32
        %mul3A_329 = arith.constant 2 : i32
        %mul3A_330 = arith.muli %add3A_328, %mul3A_329 : i32
        %add3A_331 = arith.constant 1 : i32
        %add3A_332 = arith.addi %mul3A_330, %add3A_331 : i32
        %dma_start3A_333 = arith.constant 1 : i32
        %dma_start3A_334 = arith.constant 0 : i32
        %dma_start3A_335 = arith.constant 0 : i32
        %dma_start3A_336 = tpu.memref_slice %arg9[%dma_start3A_333, %dma_start3A_334, %dma_start3A_335] : memref<4x128x32xf32, #tpu.memory_space<vmem>> -> memref<1x128x32xf32, #tpu.memory_space<vmem>>
        %dma_start3A_337 = tpu.memref_squeeze %dma_start3A_336 : memref<1x128x32xf32, #tpu.memory_space<vmem>> -> memref<128x32xf32, #tpu.memory_space<vmem>>
        %dma_start3A_338 = arith.constant 0 : i32
        %dma_start3A_339 = tpu.memref_slice %arg7[%add3A_332, %dma_start3A_338] : memref<160x128xi32, #tpu.memory_space<vmem>> -> memref<1x128xi32, #tpu.memory_space<vmem>>
        %dma_start3A_340 = tpu.memref_squeeze %dma_start3A_339 : memref<1x128xi32, #tpu.memory_space<vmem>> -> memref<128xi32, #tpu.memory_space<vmem>>
        %dma_start3A_341 = arith.constant 0 : i32
        %dma_start3A_342 = arith.constant 0 : i32
        %dma_start3A_343 = tpu.memref_slice %arg11[%dma_start3A_341, %dma_start3A_342] : memref<10000x32xf32, #tpu.memory_space<vmem_shared>> -> memref<10000x32xf32, #tpu.memory_space<vmem_shared>>
        tpu.enqueue_indirect_dma source(%dma_start3A_343 : memref<10000x32xf32, #tpu.memory_space<vmem_shared>>) target(%dma_start3A_337 : memref<128x32xf32, #tpu.memory_space<vmem>>) offsets(%dma_start3A_340 : memref<128xi32, #tpu.memory_space<vmem>>) semaphore(%arg13 : memref<!tpu.dma_semaphore, #tpu.memory_space<semaphore_mem>>)
      } else {
      }
      %mul3A_217 = arith.constant 2 : i32
      %mul3A_218 = arith.muli %mul3A_217, %scan3A_129 : i32
      %add3A_219 = arith.constant 1 : i32
      %add3A_220 = arith.addi %mul3A_218, %add3A_219 : i32
      %mul3A_221 = arith.constant 2 : i32
      %mul3A_222 = arith.muli %add3A_220, %mul3A_221 : i32
      %add3A_223 = arith.constant 0 : i32
      %add3A_224 = arith.addi %mul3A_222, %add3A_223 : i32
      %dma_wait3A_225 = arith.constant 2 : i32
      %dma_wait3A_226 = arith.constant 0 : i32
      %dma_wait3A_227 = arith.constant 0 : i32
      %dma_wait3A_228 = tpu.memref_slice %arg9[%dma_wait3A_225, %dma_wait3A_226, %dma_wait3A_227] : memref<4x128x32xf32, #tpu.memory_space<vmem>> -> memref<1x128x32xf32, #tpu.memory_space<vmem>>
      %dma_wait3A_229 = tpu.memref_squeeze %dma_wait3A_228 : memref<1x128x32xf32, #tpu.memory_space<vmem>> -> memref<128x32xf32, #tpu.memory_space<vmem>>
      %dma_wait3A_230 = arith.constant 0 : i32
      %dma_wait3A_231 = tpu.memref_slice %arg7[%add3A_224, %dma_wait3A_230] : memref<160x128xi32, #tpu.memory_space<vmem>> -> memref<1x128xi32, #tpu.memory_space<vmem>>
      %dma_wait3A_232 = tpu.memref_squeeze %dma_wait3A_231 : memref<1x128xi32, #tpu.memory_space<vmem>> -> memref<128xi32, #tpu.memory_space<vmem>>
      %dma_wait3A_233 = arith.constant 0 : i32
      %dma_wait3A_234 = arith.constant 0 : i32
      %dma_wait3A_235 = tpu.memref_slice %arg11[%dma_wait3A_233, %dma_wait3A_234] : memref<10000x32xf32, #tpu.memory_space<vmem_shared>> -> memref<10000x32xf32, #tpu.memory_space<vmem_shared>>
      tpu.wait_indirect_dma semaphore(%arg14 : memref<!tpu.dma_semaphore, #tpu.memory_space<semaphore_mem>>) src(%dma_wait3A_235 : memref<10000x32xf32, #tpu.memory_space<vmem_shared>>) dst(%dma_wait3A_229 : memref<128x32xf32, #tpu.memory_space<vmem>>)
      %dma_start3A_236 = arith.constant 2 : i32
      %dma_start3A_237 = arith.constant 0 : i32
      %dma_start3A_238 = arith.constant 0 : i32
      %dma_start3A_239 = tpu.memref_slice %arg9[%dma_start3A_236, %dma_start3A_237, %dma_start3A_238] : memref<4x128x32xf32, #tpu.memory_space<vmem>> -> memref<1x128x32xf32, #tpu.memory_space<vmem>>
      %dma_start3A_240 = tpu.memref_squeeze %dma_start3A_239 : memref<1x128x32xf32, #tpu.memory_space<vmem>> -> memref<128x32xf32, #tpu.memory_space<vmem>>
      %dma_start3A_241 = arith.constant 0 : i32
      %dma_start3A_242 = tpu.memref_slice %arg8[%add3A_224, %dma_start3A_241] : memref<160x128xi32, #tpu.memory_space<vmem>> -> memref<1x128xi32, #tpu.memory_space<vmem>>
      %dma_start3A_243 = tpu.memref_squeeze %dma_start3A_242 : memref<1x128xi32, #tpu.memory_space<vmem>> -> memref<128xi32, #tpu.memory_space<vmem>>
      %dma_start3A_244 = arith.constant 0 : i32
      %dma_start3A_245 = arith.constant 0 : i32
      %dma_start3A_246 = tpu.memref_slice %arg10[%dma_start3A_244, %dma_start3A_245] : memref<10112x32xf32, #tpu.memory_space<vmem_shared>> -> memref<10112x32xf32, #tpu.memory_space<vmem_shared>>
      tpu.enqueue_indirect_dma source(%dma_start3A_240 : memref<128x32xf32, #tpu.memory_space<vmem>>) target(%dma_start3A_246 : memref<10112x32xf32, #tpu.memory_space<vmem_shared>>) offsets(%dma_start3A_243 : memref<128xi32, #tpu.memory_space<vmem>>) semaphore(%arg18 : memref<!tpu.dma_semaphore, #tpu.memory_space<semaphore_mem>>) {add = true}
      %mul3A_247 = arith.constant 2 : i32
      %mul3A_248 = arith.muli %add3A_220, %mul3A_247 : i32
      %add3A_249 = arith.constant 1 : i32
      %add3A_250 = arith.addi %mul3A_248, %add3A_249 : i32
      %dma_wait3A_251 = arith.constant 3 : i32
      %dma_wait3A_252 = arith.constant 0 : i32
      %dma_wait3A_253 = arith.constant 0 : i32
      %dma_wait3A_254 = tpu.memref_slice %arg9[%dma_wait3A_251, %dma_wait3A_252, %dma_wait3A_253] : memref<4x128x32xf32, #tpu.memory_space<vmem>> -> memref<1x128x32xf32, #tpu.memory_space<vmem>>
      %dma_wait3A_255 = tpu.memref_squeeze %dma_wait3A_254 : memref<1x128x32xf32, #tpu.memory_space<vmem>> -> memref<128x32xf32, #tpu.memory_space<vmem>>
      %dma_wait3A_256 = arith.constant 0 : i32
      %dma_wait3A_257 = tpu.memref_slice %arg7[%add3A_250, %dma_wait3A_256] : memref<160x128xi32, #tpu.memory_space<vmem>> -> memref<1x128xi32, #tpu.memory_space<vmem>>
      %dma_wait3A_258 = tpu.memref_squeeze %dma_wait3A_257 : memref<1x128xi32, #tpu.memory_space<vmem>> -> memref<128xi32, #tpu.memory_space<vmem>>
      %dma_wait3A_259 = arith.constant 0 : i32
      %dma_wait3A_260 = arith.constant 0 : i32
      %dma_wait3A_261 = tpu.memref_slice %arg11[%dma_wait3A_259, %dma_wait3A_260] : memref<10000x32xf32, #tpu.memory_space<vmem_shared>> -> memref<10000x32xf32, #tpu.memory_space<vmem_shared>>
      tpu.wait_indirect_dma semaphore(%arg15 : memref<!tpu.dma_semaphore, #tpu.memory_space<semaphore_mem>>) src(%dma_wait3A_261 : memref<10000x32xf32, #tpu.memory_space<vmem_shared>>) dst(%dma_wait3A_255 : memref<128x32xf32, #tpu.memory_space<vmem>>)
      %dma_start3A_262 = arith.constant 3 : i32
      %dma_start3A_263 = arith.constant 0 : i32
      %dma_start3A_264 = arith.constant 0 : i32
      %dma_start3A_265 = tpu.memref_slice %arg9[%dma_start3A_262, %dma_start3A_263, %dma_start3A_264] : memref<4x128x32xf32, #tpu.memory_space<vmem>> -> memref<1x128x32xf32, #tpu.memory_space<vmem>>
      %dma_start3A_266 = tpu.memref_squeeze %dma_start3A_265 : memref<1x128x32xf32, #tpu.memory_space<vmem>> -> memref<128x32xf32, #tpu.memory_space<vmem>>
      %dma_start3A_267 = arith.constant 0 : i32
      %dma_start3A_268 = tpu.memref_slice %arg8[%add3A_250, %dma_start3A_267] : memref<160x128xi32, #tpu.memory_space<vmem>> -> memref<1x128xi32, #tpu.memory_space<vmem>>
      %dma_start3A_269 = tpu.memref_squeeze %dma_start3A_268 : memref<1x128xi32, #tpu.memory_space<vmem>> -> memref<128xi32, #tpu.memory_space<vmem>>
      %dma_start3A_270 = arith.constant 0 : i32
      %dma_start3A_271 = arith.constant 0 : i32
      %dma_start3A_272 = tpu.memref_slice %arg10[%dma_start3A_270, %dma_start3A_271] : memref<10112x32xf32, #tpu.memory_space<vmem_shared>> -> memref<10112x32xf32, #tpu.memory_space<vmem_shared>>
      tpu.enqueue_indirect_dma source(%dma_start3A_266 : memref<128x32xf32, #tpu.memory_space<vmem>>) target(%dma_start3A_272 : memref<10112x32xf32, #tpu.memory_space<vmem_shared>>) offsets(%dma_start3A_269 : memref<128xi32, #tpu.memory_space<vmem>>) semaphore(%arg19 : memref<!tpu.dma_semaphore, #tpu.memory_space<semaphore_mem>>) {add = true}
      %mul3A_273 = arith.constant 2 : i32
      %mul3A_274 = arith.muli %add3A_220, %mul3A_273 : i32
      %add3A_275 = arith.constant 0 : i32
      %add3A_276 = arith.addi %mul3A_274, %add3A_275 : i32
      %dma_wait3A_277 = arith.constant 2 : i32
      %dma_wait3A_278 = arith.constant 0 : i32
      %dma_wait3A_279 = arith.constant 0 : i32
      %dma_wait3A_280 = tpu.memref_slice %arg9[%dma_wait3A_277, %dma_wait3A_278, %dma_wait3A_279] : memref<4x128x32xf32, #tpu.memory_space<vmem>> -> memref<1x128x32xf32, #tpu.memory_space<vmem>>
      %dma_wait3A_281 = tpu.memref_squeeze %dma_wait3A_280 : memref<1x128x32xf32, #tpu.memory_space<vmem>> -> memref<128x32xf32, #tpu.memory_space<vmem>>
      %dma_wait3A_282 = arith.constant 0 : i32
      %dma_wait3A_283 = tpu.memref_slice %arg8[%add3A_276, %dma_wait3A_282] : memref<160x128xi32, #tpu.memory_space<vmem>> -> memref<1x128xi32, #tpu.memory_space<vmem>>
      %dma_wait3A_284 = tpu.memref_squeeze %dma_wait3A_283 : memref<1x128xi32, #tpu.memory_space<vmem>> -> memref<128xi32, #tpu.memory_space<vmem>>
      %dma_wait3A_285 = arith.constant 0 : i32
      %dma_wait3A_286 = arith.constant 0 : i32
      %dma_wait3A_287 = tpu.memref_slice %arg10[%dma_wait3A_285, %dma_wait3A_286] : memref<10112x32xf32, #tpu.memory_space<vmem_shared>> -> memref<10112x32xf32, #tpu.memory_space<vmem_shared>>
      tpu.wait_indirect_dma semaphore(%arg18 : memref<!tpu.dma_semaphore, #tpu.memory_space<semaphore_mem>>) src(%dma_wait3A_281 : memref<128x32xf32, #tpu.memory_space<vmem>>) dst(%dma_wait3A_287 : memref<10112x32xf32, #tpu.memory_space<vmem_shared>>)
      %mul3A_288 = arith.constant 2 : i32
      %mul3A_289 = arith.muli %add3A_220, %mul3A_288 : i32
      %add3A_290 = arith.constant 1 : i32
      %add3A_291 = arith.addi %mul3A_289, %add3A_290 : i32
      %dma_wait3A_292 = arith.constant 3 : i32
      %dma_wait3A_293 = arith.constant 0 : i32
      %dma_wait3A_294 = arith.constant 0 : i32
      %dma_wait3A_295 = tpu.memref_slice %arg9[%dma_wait3A_292, %dma_wait3A_293, %dma_wait3A_294] : memref<4x128x32xf32, #tpu.memory_space<vmem>> -> memref<1x128x32xf32, #tpu.memory_space<vmem>>
      %dma_wait3A_296 = tpu.memref_squeeze %dma_wait3A_295 : memref<1x128x32xf32, #tpu.memory_space<vmem>> -> memref<128x32xf32, #tpu.memory_space<vmem>>
      %dma_wait3A_297 = arith.constant 0 : i32
      %dma_wait3A_298 = tpu.memref_slice %arg8[%add3A_291, %dma_wait3A_297] : memref<160x128xi32, #tpu.memory_space<vmem>> -> memref<1x128xi32, #tpu.memory_space<vmem>>
      %dma_wait3A_299 = tpu.memref_squeeze %dma_wait3A_298 : memref<1x128xi32, #tpu.memory_space<vmem>> -> memref<128xi32, #tpu.memory_space<vmem>>
      %dma_wait3A_300 = arith.constant 0 : i32
      %dma_wait3A_301 = arith.constant 0 : i32
      %dma_wait3A_302 = tpu.memref_slice %arg10[%dma_wait3A_300, %dma_wait3A_301] : memref<10112x32xf32, #tpu.memory_space<vmem_shared>> -> memref<10112x32xf32, #tpu.memory_space<vmem_shared>>
      tpu.wait_indirect_dma semaphore(%arg19 : memref<!tpu.dma_semaphore, #tpu.memory_space<semaphore_mem>>) src(%dma_wait3A_296 : memref<128x32xf32, #tpu.memory_space<vmem>>) dst(%dma_wait3A_302 : memref<10112x32xf32, #tpu.memory_space<vmem_shared>>)
      %add3A_303 = arith.constant 2 : i32
      %add3A_304 = arith.addi %add3A_220, %add3A_303 : i32
      %lt3A_305 = arith.constant 80 : i32
      %lt3A_306 = arith.cmpi slt, %add3A_304, %lt3A_305 : i32
      %convert_element_type3A_307 = arith.extui %lt3A_306 : i1 to i32
      %cond3A_308 = arith.constant 0 : i32
      %cond3A_309 = arith.cmpi ne, %convert_element_type3A_307, %cond3A_308 : i32
      scf.if %cond3A_309 {
        %add3A_310 = arith.constant 2 : i32
        %add3A_311 = arith.addi %add3A_220, %add3A_310 : i32
        %mul3A_312 = arith.constant 2 : i32
        %mul3A_313 = arith.muli %add3A_311, %mul3A_312 : i32
        %add3A_314 = arith.constant 0 : i32
        %add3A_315 = arith.addi %mul3A_313, %add3A_314 : i32
        %dma_start3A_316 = arith.constant 2 : i32
        %dma_start3A_317 = arith.constant 0 : i32
        %dma_start3A_318 = arith.constant 0 : i32
        %dma_start3A_319 = tpu.memref_slice %arg9[%dma_start3A_316, %dma_start3A_317, %dma_start3A_318] : memref<4x128x32xf32, #tpu.memory_space<vmem>> -> memref<1x128x32xf32, #tpu.memory_space<vmem>>
        %dma_start3A_320 = tpu.memref_squeeze %dma_start3A_319 : memref<1x128x32xf32, #tpu.memory_space<vmem>> -> memref<128x32xf32, #tpu.memory_space<vmem>>
        %dma_start3A_321 = arith.constant 0 : i32
        %dma_start3A_322 = tpu.memref_slice %arg7[%add3A_315, %dma_start3A_321] : memref<160x128xi32, #tpu.memory_space<vmem>> -> memref<1x128xi32, #tpu.memory_space<vmem>>
        %dma_start3A_323 = tpu.memref_squeeze %dma_start3A_322 : memref<1x128xi32, #tpu.memory_space<vmem>> -> memref<128xi32, #tpu.memory_space<vmem>>
        %dma_start3A_324 = arith.constant 0 : i32
        %dma_start3A_325 = arith.constant 0 : i32
        %dma_start3A_326 = tpu.memref_slice %arg11[%dma_start3A_324, %dma_start3A_325] : memref<10000x32xf32, #tpu.memory_space<vmem_shared>> -> memref<10000x32xf32, #tpu.memory_space<vmem_shared>>
        tpu.enqueue_indirect_dma source(%dma_start3A_326 : memref<10000x32xf32, #tpu.memory_space<vmem_shared>>) target(%dma_start3A_320 : memref<128x32xf32, #tpu.memory_space<vmem>>) offsets(%dma_start3A_323 : memref<128xi32, #tpu.memory_space<vmem>>) semaphore(%arg14 : memref<!tpu.dma_semaphore, #tpu.memory_space<semaphore_mem>>)
        %add3A_327 = arith.constant 2 : i32
        %add3A_328 = arith.addi %add3A_220, %add3A_327 : i32
        %mul3A_329 = arith.constant 2 : i32
        %mul3A_330 = arith.muli %add3A_328, %mul3A_329 : i32
        %add3A_331 = arith.constant 1 : i32
        %add3A_332 = arith.addi %mul3A_330, %add3A_331 : i32
        %dma_start3A_333 = arith.constant 3 : i32
        %dma_start3A_334 = arith.constant 0 : i32
        %dma_start3A_335 = arith.constant 0 : i32
        %dma_start3A_336 = tpu.memref_slice %arg9[%dma_start3A_333, %dma_start3A_334, %dma_start3A_335] : memref<4x128x32xf32, #tpu.memory_space<vmem>> -> memref<1x128x32xf32, #tpu.memory_space<vmem>>
        %dma_start3A_337 = tpu.memref_squeeze %dma_start3A_336 : memref<1x128x32xf32, #tpu.memory_space<vmem>> -> memref<128x32xf32, #tpu.memory_space<vmem>>
        %dma_start3A_338 = arith.constant 0 : i32
        %dma_start3A_339 = tpu.memref_slice %arg7[%add3A_332, %dma_start3A_338] : memref<160x128xi32, #tpu.memory_space<vmem>> -> memref<1x128xi32, #tpu.memory_space<vmem>>
        %dma_start3A_340 = tpu.memref_squeeze %dma_start3A_339 : memref<1x128xi32, #tpu.memory_space<vmem>> -> memref<128xi32, #tpu.memory_space<vmem>>
        %dma_start3A_341 = arith.constant 0 : i32
        %dma_start3A_342 = arith.constant 0 : i32
        %dma_start3A_343 = tpu.memref_slice %arg11[%dma_start3A_341, %dma_start3A_342] : memref<10000x32xf32, #tpu.memory_space<vmem_shared>> -> memref<10000x32xf32, #tpu.memory_space<vmem_shared>>
        tpu.enqueue_indirect_dma source(%dma_start3A_343 : memref<10000x32xf32, #tpu.memory_space<vmem_shared>>) target(%dma_start3A_337 : memref<128x32xf32, #tpu.memory_space<vmem>>) offsets(%dma_start3A_340 : memref<128xi32, #tpu.memory_space<vmem>>) semaphore(%arg15 : memref<!tpu.dma_semaphore, #tpu.memory_space<semaphore_mem>>)
      } else {
      }
    }
    %scan3A_61 = arith.constant 40 : i32
    %barrier3A_62 = arith.constant 0 : index
    tpu.barrier barrier_id(%barrier3A_62)
    "tpu.region"() ({
      %run_scoped3A = tpu.sem_alloc : memref<!tpu.dma_semaphore, #tpu.memory_space<semaphore_mem>>
      %dma_start3A_129 = tpu.memref_slice %arg6[%mul3A_0, %mul3A_5] : memref<10112x128xf32, #tpu.memory_space<hbm>> -> memref<632x32xf32, #tpu.memory_space<hbm>>
      %dma_start3A_130 = arith.constant 0 : i32
      %dma_start3A_131 = tpu.memref_slice %arg10[%mul3A_0, %dma_start3A_130] : memref<10112x32xf32, #tpu.memory_space<vmem_shared>> -> memref<632x32xf32, #tpu.memory_space<vmem_shared>>
      tpu.enqueue_dma source(%dma_start3A_131 : memref<632x32xf32, #tpu.memory_space<vmem_shared>>) target(%dma_start3A_129 : memref<632x32xf32, #tpu.memory_space<hbm>>) target_semaphore(%run_scoped3A : memref<!tpu.dma_semaphore, #tpu.memory_space<semaphore_mem>>)
      %dma_wait3A = tpu.memref_slice %arg6[%mul3A_0, %mul3A_5] : memref<10112x128xf32, #tpu.memory_space<hbm>> -> memref<632x32xf32, #tpu.memory_space<hbm>>
      %dma_wait3A_132 = arith.constant 0 : i32
      %dma_wait3A_133 = tpu.memref_slice %arg10[%mul3A_0, %dma_wait3A_132] : memref<10112x32xf32, #tpu.memory_space<vmem_shared>> -> memref<632x32xf32, #tpu.memory_space<vmem_shared>>
      tpu.wait_dma2 semaphore(%run_scoped3A : memref<!tpu.dma_semaphore, #tpu.memory_space<semaphore_mem>>) src(%dma_wait3A_133 : memref<632x32xf32, #tpu.memory_space<vmem_shared>>) dst(%dma_wait3A : memref<632x32xf32, #tpu.memory_space<hbm>>)
      tpu.yield
    }) : () -> ()
    %mul3A_63 = arith.constant 2 : i32
    %mul3A_64 = arith.muli %mul3A_63, %arg0 : i32
    %add3A_65 = arith.constant 1 : i32
    %add3A_66 = arith.addi %mul3A_64, %add3A_65 : i32
    %mul3A_67 = arith.constant 32 : i32
    %mul3A_68 = arith.muli %add3A_66, %mul3A_67 : i32
    "tpu.region"() ({
      %run_scoped3A = tpu.sem_alloc : memref<!tpu.dma_semaphore, #tpu.memory_space<semaphore_mem>>
      %dma_start3A_129 = arith.constant 0 : i32
      %dma_start3A_130 = tpu.memref_slice %arg10[%mul3A_0, %dma_start3A_129] : memref<10112x32xf32, #tpu.memory_space<vmem_shared>> -> memref<632x32xf32, #tpu.memory_space<vmem_shared>>
      %dma_start3A_131 = arith.constant 0 : i32
      %dma_start3A_132 = tpu.memref_slice %arg5[%mul3A_0, %dma_start3A_131] : memref<10112x32xf32, #tpu.memory_space<hbm>> -> memref<632x32xf32, #tpu.memory_space<hbm>>
      tpu.enqueue_dma source(%dma_start3A_132 : memref<632x32xf32, #tpu.memory_space<hbm>>) target(%dma_start3A_130 : memref<632x32xf32, #tpu.memory_space<vmem_shared>>) target_semaphore(%run_scoped3A : memref<!tpu.dma_semaphore, #tpu.memory_space<semaphore_mem>>)
      %dma_wait3A = arith.constant 0 : i32
      %dma_wait3A_133 = tpu.memref_slice %arg10[%mul3A_0, %dma_wait3A] : memref<10112x32xf32, #tpu.memory_space<vmem_shared>> -> memref<632x32xf32, #tpu.memory_space<vmem_shared>>
      %dma_wait3A_134 = arith.constant 0 : i32
      %dma_wait3A_135 = tpu.memref_slice %arg5[%mul3A_0, %dma_wait3A_134] : memref<10112x32xf32, #tpu.memory_space<hbm>> -> memref<632x32xf32, #tpu.memory_space<hbm>>
      tpu.wait_dma2 semaphore(%run_scoped3A : memref<!tpu.dma_semaphore, #tpu.memory_space<semaphore_mem>>) src(%dma_wait3A_135 : memref<632x32xf32, #tpu.memory_space<hbm>>) dst(%dma_wait3A_133 : memref<632x32xf32, #tpu.memory_space<vmem_shared>>)
      tpu.yield
    }) : () -> ()
    %mul3A_69 = arith.constant 625 : i32
    %mul3A_70 = arith.muli %arg1, %mul3A_69 : i32
    %mul3A_71 = arith.constant 625 : i32
    %mul3A_72 = arith.muli %arg1, %mul3A_71 : i32
    "tpu.region"() ({
      %run_scoped3A = tpu.sem_alloc : memref<!tpu.dma_semaphore, #tpu.memory_space<semaphore_mem>>
      %dma_start3A_129 = arith.constant 0 : i32
      %dma_start3A_130 = tpu.memref_slice %arg11[%mul3A_72, %dma_start3A_129] : memref<10000x32xf32, #tpu.memory_space<vmem_shared>> -> memref<625x32xf32, #tpu.memory_space<vmem_shared>>
      %dma_start3A_131 = tpu.memref_slice %arg2[%mul3A_70, %mul3A_68] : memref<10000x128xf32, #tpu.memory_space<hbm>> -> memref<625x32xf32, #tpu.memory_space<hbm>>
      tpu.enqueue_dma source(%dma_start3A_131 : memref<625x32xf32, #tpu.memory_space<hbm>>) target(%dma_start3A_130 : memref<625x32xf32, #tpu.memory_space<vmem_shared>>) target_semaphore(%run_scoped3A : memref<!tpu.dma_semaphore, #tpu.memory_space<semaphore_mem>>)
      %dma_wait3A = arith.constant 0 : i32
      %dma_wait3A_132 = tpu.memref_slice %arg11[%mul3A_72, %dma_wait3A] : memref<10000x32xf32, #tpu.memory_space<vmem_shared>> -> memref<625x32xf32, #tpu.memory_space<vmem_shared>>
      %dma_wait3A_133 = tpu.memref_slice %arg2[%mul3A_70, %mul3A_68] : memref<10000x128xf32, #tpu.memory_space<hbm>> -> memref<625x32xf32, #tpu.memory_space<hbm>>
      tpu.wait_dma2 semaphore(%run_scoped3A : memref<!tpu.dma_semaphore, #tpu.memory_space<semaphore_mem>>) src(%dma_wait3A_133 : memref<625x32xf32, #tpu.memory_space<hbm>>) dst(%dma_wait3A_132 : memref<625x32xf32, #tpu.memory_space<vmem_shared>>)
      tpu.yield
    }) : () -> ()
    %barrier3A_73 = arith.constant 0 : index
    tpu.barrier barrier_id(%barrier3A_73)
    %dma_start3A_74 = arith.constant 0 : i32
    %dma_start3A_75 = arith.constant 0 : i32
    %dma_start3A_76 = arith.constant 0 : i32
    %dma_start3A_77 = arith.constant 0 : i32
    %dma_start3A_78 = tpu.memref_slice %arg9[%dma_start3A_75, %dma_start3A_76, %dma_start3A_77] : memref<4x128x32xf32, #tpu.memory_space<vmem>> -> memref<1x128x32xf32, #tpu.memory_space<vmem>>
    %dma_start3A_79 = tpu.memref_squeeze %dma_start3A_78 : memref<1x128x32xf32, #tpu.memory_space<vmem>> -> memref<128x32xf32, #tpu.memory_space<vmem>>
    %dma_start3A_80 = arith.constant 0 : i32
    %dma_start3A_81 = tpu.memref_slice %arg7[%dma_start3A_74, %dma_start3A_80] : memref<160x128xi32, #tpu.memory_space<vmem>> -> memref<1x128xi32, #tpu.memory_space<vmem>>
    %dma_start3A_82 = tpu.memref_squeeze %dma_start3A_81 : memref<1x128xi32, #tpu.memory_space<vmem>> -> memref<128xi32, #tpu.memory_space<vmem>>
    %dma_start3A_83 = arith.constant 0 : i32
    %dma_start3A_84 = arith.constant 0 : i32
    %dma_start3A_85 = tpu.memref_slice %arg11[%dma_start3A_83, %dma_start3A_84] : memref<10000x32xf32, #tpu.memory_space<vmem_shared>> -> memref<10000x32xf32, #tpu.memory_space<vmem_shared>>
    tpu.enqueue_indirect_dma source(%dma_start3A_85 : memref<10000x32xf32, #tpu.memory_space<vmem_shared>>) target(%dma_start3A_79 : memref<128x32xf32, #tpu.memory_space<vmem>>) offsets(%dma_start3A_82 : memref<128xi32, #tpu.memory_space<vmem>>) semaphore(%arg12 : memref<!tpu.dma_semaphore, #tpu.memory_space<semaphore_mem>>)
    %dma_start3A_86 = arith.constant 1 : i32
    %dma_start3A_87 = arith.constant 1 : i32
    %dma_start3A_88 = arith.constant 0 : i32
    %dma_start3A_89 = arith.constant 0 : i32
    %dma_start3A_90 = tpu.memref_slice %arg9[%dma_start3A_87, %dma_start3A_88, %dma_start3A_89] : memref<4x128x32xf32, #tpu.memory_space<vmem>> -> memref<1x128x32xf32, #tpu.memory_space<vmem>>
    %dma_start3A_91 = tpu.memref_squeeze %dma_start3A_90 : memref<1x128x32xf32, #tpu.memory_space<vmem>> -> memref<128x32xf32, #tpu.memory_space<vmem>>
    %dma_start3A_92 = arith.constant 0 : i32
    %dma_start3A_93 = tpu.memref_slice %arg7[%dma_start3A_86, %dma_start3A_92] : memref<160x128xi32, #tpu.memory_space<vmem>> -> memref<1x128xi32, #tpu.memory_space<vmem>>
    %dma_start3A_94 = tpu.memref_squeeze %dma_start3A_93 : memref<1x128xi32, #tpu.memory_space<vmem>> -> memref<128xi32, #tpu.memory_space<vmem>>
    %dma_start3A_95 = arith.constant 0 : i32
    %dma_start3A_96 = arith.constant 0 : i32
    %dma_start3A_97 = tpu.memref_slice %arg11[%dma_start3A_95, %dma_start3A_96] : memref<10000x32xf32, #tpu.memory_space<vmem_shared>> -> memref<10000x32xf32, #tpu.memory_space<vmem_shared>>
    tpu.enqueue_indirect_dma source(%dma_start3A_97 : memref<10000x32xf32, #tpu.memory_space<vmem_shared>>) target(%dma_start3A_91 : memref<128x32xf32, #tpu.memory_space<vmem>>) offsets(%dma_start3A_94 : memref<128xi32, #tpu.memory_space<vmem>>) semaphore(%arg13 : memref<!tpu.dma_semaphore, #tpu.memory_space<semaphore_mem>>)
    %dma_start3A_98 = arith.constant 2 : i32
    %dma_start3A_99 = arith.constant 2 : i32
    %dma_start3A_100 = arith.constant 0 : i32
    %dma_start3A_101 = arith.constant 0 : i32
    %dma_start3A_102 = tpu.memref_slice %arg9[%dma_start3A_99, %dma_start3A_100, %dma_start3A_101] : memref<4x128x32xf32, #tpu.memory_space<vmem>> -> memref<1x128x32xf32, #tpu.memory_space<vmem>>
    %dma_start3A_103 = tpu.memref_squeeze %dma_start3A_102 : memref<1x128x32xf32, #tpu.memory_space<vmem>> -> memref<128x32xf32, #tpu.memory_space<vmem>>
    %dma_start3A_104 = arith.constant 0 : i32
    %dma_start3A_105 = tpu.memref_slice %arg7[%dma_start3A_98, %dma_start3A_104] : memref<160x128xi32, #tpu.memory_space<vmem>> -> memref<1x128xi32, #tpu.memory_space<vmem>>
    %dma_start3A_106 = tpu.memref_squeeze %dma_start3A_105 : memref<1x128xi32, #tpu.memory_space<vmem>> -> memref<128xi32, #tpu.memory_space<vmem>>
    %dma_start3A_107 = arith.constant 0 : i32
    %dma_start3A_108 = arith.constant 0 : i32
    %dma_start3A_109 = tpu.memref_slice %arg11[%dma_start3A_107, %dma_start3A_108] : memref<10000x32xf32, #tpu.memory_space<vmem_shared>> -> memref<10000x32xf32, #tpu.memory_space<vmem_shared>>
    tpu.enqueue_indirect_dma source(%dma_start3A_109 : memref<10000x32xf32, #tpu.memory_space<vmem_shared>>) target(%dma_start3A_103 : memref<128x32xf32, #tpu.memory_space<vmem>>) offsets(%dma_start3A_106 : memref<128xi32, #tpu.memory_space<vmem>>) semaphore(%arg14 : memref<!tpu.dma_semaphore, #tpu.memory_space<semaphore_mem>>)
    %dma_start3A_110 = arith.constant 3 : i32
    %dma_start3A_111 = arith.constant 3 : i32
    %dma_start3A_112 = arith.constant 0 : i32
    %dma_start3A_113 = arith.constant 0 : i32
    %dma_start3A_114 = tpu.memref_slice %arg9[%dma_start3A_111, %dma_start3A_112, %dma_start3A_113] : memref<4x128x32xf32, #tpu.memory_space<vmem>> -> memref<1x128x32xf32, #tpu.memory_space<vmem>>
    %dma_start3A_115 = tpu.memref_squeeze %dma_start3A_114 : memref<1x128x32xf32, #tpu.memory_space<vmem>> -> memref<128x32xf32, #tpu.memory_space<vmem>>
    %dma_start3A_116 = arith.constant 0 : i32
    %dma_start3A_117 = tpu.memref_slice %arg7[%dma_start3A_110, %dma_start3A_116] : memref<160x128xi32, #tpu.memory_space<vmem>> -> memref<1x128xi32, #tpu.memory_space<vmem>>
    %dma_start3A_118 = tpu.memref_squeeze %dma_start3A_117 : memref<1x128xi32, #tpu.memory_space<vmem>> -> memref<128xi32, #tpu.memory_space<vmem>>
    %dma_start3A_119 = arith.constant 0 : i32
    %dma_start3A_120 = arith.constant 0 : i32
    %dma_start3A_121 = tpu.memref_slice %arg11[%dma_start3A_119, %dma_start3A_120] : memref<10000x32xf32, #tpu.memory_space<vmem_shared>> -> memref<10000x32xf32, #tpu.memory_space<vmem_shared>>
    tpu.enqueue_indirect_dma source(%dma_start3A_121 : memref<10000x32xf32, #tpu.memory_space<vmem_shared>>) target(%dma_start3A_115 : memref<128x32xf32, #tpu.memory_space<vmem>>) offsets(%dma_start3A_118 : memref<128xi32, #tpu.memory_space<vmem>>) semaphore(%arg15 : memref<!tpu.dma_semaphore, #tpu.memory_space<semaphore_mem>>)
    %scan3A_122 = arith.constant 0 : i32
    %scan3A_123 = arith.constant 0 : i32
    %scan3A_124 = arith.constant 40 : i32
    %scan3A_125 = arith.addi %scan3A_123, %scan3A_124 : i32
    %scan3A_126 = arith.constant 1 : i32
    scf.for %scan3A_129 = %scan3A_123 to %scan3A_125 step %scan3A_126  : i32 {
      %mul3A_130 = arith.constant 2 : i32
      %mul3A_131 = arith.muli %mul3A_130, %scan3A_129 : i32
      %mul3A_132 = arith.constant 2 : i32
      %mul3A_133 = arith.muli %mul3A_131, %mul3A_132 : i32
      %add3A_134 = arith.constant 0 : i32
      %add3A_135 = arith.addi %mul3A_133, %add3A_134 : i32
      %dma_wait3A = arith.constant 0 : i32
      %dma_wait3A_136 = arith.constant 0 : i32
      %dma_wait3A_137 = arith.constant 0 : i32
      %dma_wait3A_138 = tpu.memref_slice %arg9[%dma_wait3A, %dma_wait3A_136, %dma_wait3A_137] : memref<4x128x32xf32, #tpu.memory_space<vmem>> -> memref<1x128x32xf32, #tpu.memory_space<vmem>>
      %dma_wait3A_139 = tpu.memref_squeeze %dma_wait3A_138 : memref<1x128x32xf32, #tpu.memory_space<vmem>> -> memref<128x32xf32, #tpu.memory_space<vmem>>
      %dma_wait3A_140 = arith.constant 0 : i32
      %dma_wait3A_141 = tpu.memref_slice %arg7[%add3A_135, %dma_wait3A_140] : memref<160x128xi32, #tpu.memory_space<vmem>> -> memref<1x128xi32, #tpu.memory_space<vmem>>
      %dma_wait3A_142 = tpu.memref_squeeze %dma_wait3A_141 : memref<1x128xi32, #tpu.memory_space<vmem>> -> memref<128xi32, #tpu.memory_space<vmem>>
      %dma_wait3A_143 = arith.constant 0 : i32
      %dma_wait3A_144 = arith.constant 0 : i32
      %dma_wait3A_145 = tpu.memref_slice %arg11[%dma_wait3A_143, %dma_wait3A_144] : memref<10000x32xf32, #tpu.memory_space<vmem_shared>> -> memref<10000x32xf32, #tpu.memory_space<vmem_shared>>
      tpu.wait_indirect_dma semaphore(%arg12 : memref<!tpu.dma_semaphore, #tpu.memory_space<semaphore_mem>>) src(%dma_wait3A_145 : memref<10000x32xf32, #tpu.memory_space<vmem_shared>>) dst(%dma_wait3A_139 : memref<128x32xf32, #tpu.memory_space<vmem>>)
      %dma_start3A_146 = arith.constant 0 : i32
      %dma_start3A_147 = arith.constant 0 : i32
      %dma_start3A_148 = arith.constant 0 : i32
      %dma_start3A_149 = tpu.memref_slice %arg9[%dma_start3A_146, %dma_start3A_147, %dma_start3A_148] : memref<4x128x32xf32, #tpu.memory_space<vmem>> -> memref<1x128x32xf32, #tpu.memory_space<vmem>>
      %dma_start3A_150 = tpu.memref_squeeze %dma_start3A_149 : memref<1x128x32xf32, #tpu.memory_space<vmem>> -> memref<128x32xf32, #tpu.memory_space<vmem>>
      %dma_start3A_151 = arith.constant 0 : i32
      %dma_start3A_152 = tpu.memref_slice %arg8[%add3A_135, %dma_start3A_151] : memref<160x128xi32, #tpu.memory_space<vmem>> -> memref<1x128xi32, #tpu.memory_space<vmem>>
      %dma_start3A_153 = tpu.memref_squeeze %dma_start3A_152 : memref<1x128xi32, #tpu.memory_space<vmem>> -> memref<128xi32, #tpu.memory_space<vmem>>
      %dma_start3A_154 = arith.constant 0 : i32
      %dma_start3A_155 = arith.constant 0 : i32
      %dma_start3A_156 = tpu.memref_slice %arg10[%dma_start3A_154, %dma_start3A_155] : memref<10112x32xf32, #tpu.memory_space<vmem_shared>> -> memref<10112x32xf32, #tpu.memory_space<vmem_shared>>
      tpu.enqueue_indirect_dma source(%dma_start3A_150 : memref<128x32xf32, #tpu.memory_space<vmem>>) target(%dma_start3A_156 : memref<10112x32xf32, #tpu.memory_space<vmem_shared>>) offsets(%dma_start3A_153 : memref<128xi32, #tpu.memory_space<vmem>>) semaphore(%arg16 : memref<!tpu.dma_semaphore, #tpu.memory_space<semaphore_mem>>) {add = true}
      %mul3A_157 = arith.constant 2 : i32
      %mul3A_158 = arith.muli %mul3A_131, %mul3A_157 : i32
      %add3A_159 = arith.constant 1 : i32
      %add3A_160 = arith.addi %mul3A_158, %add3A_159 : i32
      %dma_wait3A_161 = arith.constant 1 : i32
      %dma_wait3A_162 = arith.constant 0 : i32
      %dma_wait3A_163 = arith.constant 0 : i32
      %dma_wait3A_164 = tpu.memref_slice %arg9[%dma_wait3A_161, %dma_wait3A_162, %dma_wait3A_163] : memref<4x128x32xf32, #tpu.memory_space<vmem>> -> memref<1x128x32xf32, #tpu.memory_space<vmem>>
      %dma_wait3A_165 = tpu.memref_squeeze %dma_wait3A_164 : memref<1x128x32xf32, #tpu.memory_space<vmem>> -> memref<128x32xf32, #tpu.memory_space<vmem>>
      %dma_wait3A_166 = arith.constant 0 : i32
      %dma_wait3A_167 = tpu.memref_slice %arg7[%add3A_160, %dma_wait3A_166] : memref<160x128xi32, #tpu.memory_space<vmem>> -> memref<1x128xi32, #tpu.memory_space<vmem>>
      %dma_wait3A_168 = tpu.memref_squeeze %dma_wait3A_167 : memref<1x128xi32, #tpu.memory_space<vmem>> -> memref<128xi32, #tpu.memory_space<vmem>>
      %dma_wait3A_169 = arith.constant 0 : i32
      %dma_wait3A_170 = arith.constant 0 : i32
      %dma_wait3A_171 = tpu.memref_slice %arg11[%dma_wait3A_169, %dma_wait3A_170] : memref<10000x32xf32, #tpu.memory_space<vmem_shared>> -> memref<10000x32xf32, #tpu.memory_space<vmem_shared>>
      tpu.wait_indirect_dma semaphore(%arg13 : memref<!tpu.dma_semaphore, #tpu.memory_space<semaphore_mem>>) src(%dma_wait3A_171 : memref<10000x32xf32, #tpu.memory_space<vmem_shared>>) dst(%dma_wait3A_165 : memref<128x32xf32, #tpu.memory_space<vmem>>)
      %dma_start3A_172 = arith.constant 1 : i32
      %dma_start3A_173 = arith.constant 0 : i32
      %dma_start3A_174 = arith.constant 0 : i32
      %dma_start3A_175 = tpu.memref_slice %arg9[%dma_start3A_172, %dma_start3A_173, %dma_start3A_174] : memref<4x128x32xf32, #tpu.memory_space<vmem>> -> memref<1x128x32xf32, #tpu.memory_space<vmem>>
      %dma_start3A_176 = tpu.memref_squeeze %dma_start3A_175 : memref<1x128x32xf32, #tpu.memory_space<vmem>> -> memref<128x32xf32, #tpu.memory_space<vmem>>
      %dma_start3A_177 = arith.constant 0 : i32
      %dma_start3A_178 = tpu.memref_slice %arg8[%add3A_160, %dma_start3A_177] : memref<160x128xi32, #tpu.memory_space<vmem>> -> memref<1x128xi32, #tpu.memory_space<vmem>>
      %dma_start3A_179 = tpu.memref_squeeze %dma_start3A_178 : memref<1x128xi32, #tpu.memory_space<vmem>> -> memref<128xi32, #tpu.memory_space<vmem>>
      %dma_start3A_180 = arith.constant 0 : i32
      %dma_start3A_181 = arith.constant 0 : i32
      %dma_start3A_182 = tpu.memref_slice %arg10[%dma_start3A_180, %dma_start3A_181] : memref<10112x32xf32, #tpu.memory_space<vmem_shared>> -> memref<10112x32xf32, #tpu.memory_space<vmem_shared>>
      tpu.enqueue_indirect_dma source(%dma_start3A_176 : memref<128x32xf32, #tpu.memory_space<vmem>>) target(%dma_start3A_182 : memref<10112x32xf32, #tpu.memory_space<vmem_shared>>) offsets(%dma_start3A_179 : memref<128xi32, #tpu.memory_space<vmem>>) semaphore(%arg17 : memref<!tpu.dma_semaphore, #tpu.memory_space<semaphore_mem>>) {add = true}
      %mul3A_183 = arith.constant 2 : i32
      %mul3A_184 = arith.muli %mul3A_131, %mul3A_183 : i32
      %add3A_185 = arith.constant 0 : i32
      %add3A_186 = arith.addi %mul3A_184, %add3A_185 : i32
      %dma_wait3A_187 = arith.constant 0 : i32
      %dma_wait3A_188 = arith.constant 0 : i32
      %dma_wait3A_189 = arith.constant 0 : i32
      %dma_wait3A_190 = tpu.memref_slice %arg9[%dma_wait3A_187, %dma_wait3A_188, %dma_wait3A_189] : memref<4x128x32xf32, #tpu.memory_space<vmem>> -> memref<1x128x32xf32, #tpu.memory_space<vmem>>
      %dma_wait3A_191 = tpu.memref_squeeze %dma_wait3A_190 : memref<1x128x32xf32, #tpu.memory_space<vmem>> -> memref<128x32xf32, #tpu.memory_space<vmem>>
      %dma_wait3A_192 = arith.constant 0 : i32
      %dma_wait3A_193 = tpu.memref_slice %arg8[%add3A_186, %dma_wait3A_192] : memref<160x128xi32, #tpu.memory_space<vmem>> -> memref<1x128xi32, #tpu.memory_space<vmem>>
      %dma_wait3A_194 = tpu.memref_squeeze %dma_wait3A_193 : memref<1x128xi32, #tpu.memory_space<vmem>> -> memref<128xi32, #tpu.memory_space<vmem>>
      %dma_wait3A_195 = arith.constant 0 : i32
      %dma_wait3A_196 = arith.constant 0 : i32
      %dma_wait3A_197 = tpu.memref_slice %arg10[%dma_wait3A_195, %dma_wait3A_196] : memref<10112x32xf32, #tpu.memory_space<vmem_shared>> -> memref<10112x32xf32, #tpu.memory_space<vmem_shared>>
      tpu.wait_indirect_dma semaphore(%arg16 : memref<!tpu.dma_semaphore, #tpu.memory_space<semaphore_mem>>) src(%dma_wait3A_191 : memref<128x32xf32, #tpu.memory_space<vmem>>) dst(%dma_wait3A_197 : memref<10112x32xf32, #tpu.memory_space<vmem_shared>>)
      %mul3A_198 = arith.constant 2 : i32
      %mul3A_199 = arith.muli %mul3A_131, %mul3A_198 : i32
      %add3A_200 = arith.constant 1 : i32
      %add3A_201 = arith.addi %mul3A_199, %add3A_200 : i32
      %dma_wait3A_202 = arith.constant 1 : i32
      %dma_wait3A_203 = arith.constant 0 : i32
      %dma_wait3A_204 = arith.constant 0 : i32
      %dma_wait3A_205 = tpu.memref_slice %arg9[%dma_wait3A_202, %dma_wait3A_203, %dma_wait3A_204] : memref<4x128x32xf32, #tpu.memory_space<vmem>> -> memref<1x128x32xf32, #tpu.memory_space<vmem>>
      %dma_wait3A_206 = tpu.memref_squeeze %dma_wait3A_205 : memref<1x128x32xf32, #tpu.memory_space<vmem>> -> memref<128x32xf32, #tpu.memory_space<vmem>>
      %dma_wait3A_207 = arith.constant 0 : i32
      %dma_wait3A_208 = tpu.memref_slice %arg8[%add3A_201, %dma_wait3A_207] : memref<160x128xi32, #tpu.memory_space<vmem>> -> memref<1x128xi32, #tpu.memory_space<vmem>>
      %dma_wait3A_209 = tpu.memref_squeeze %dma_wait3A_208 : memref<1x128xi32, #tpu.memory_space<vmem>> -> memref<128xi32, #tpu.memory_space<vmem>>
      %dma_wait3A_210 = arith.constant 0 : i32
      %dma_wait3A_211 = arith.constant 0 : i32
      %dma_wait3A_212 = tpu.memref_slice %arg10[%dma_wait3A_210, %dma_wait3A_211] : memref<10112x32xf32, #tpu.memory_space<vmem_shared>> -> memref<10112x32xf32, #tpu.memory_space<vmem_shared>>
      tpu.wait_indirect_dma semaphore(%arg17 : memref<!tpu.dma_semaphore, #tpu.memory_space<semaphore_mem>>) src(%dma_wait3A_206 : memref<128x32xf32, #tpu.memory_space<vmem>>) dst(%dma_wait3A_212 : memref<10112x32xf32, #tpu.memory_space<vmem_shared>>)
      %add3A_213 = arith.constant 2 : i32
      %add3A_214 = arith.addi %mul3A_131, %add3A_213 : i32
      %lt3A = arith.constant 80 : i32
      %lt3A_215 = arith.cmpi slt, %add3A_214, %lt3A : i32
      %convert_element_type3A = arith.extui %lt3A_215 : i1 to i32
      %cond3A = arith.constant 0 : i32
      %cond3A_216 = arith.cmpi ne, %convert_element_type3A, %cond3A : i32
      scf.if %cond3A_216 {
        %add3A_310 = arith.constant 2 : i32
        %add3A_311 = arith.addi %mul3A_131, %add3A_310 : i32
        %mul3A_312 = arith.constant 2 : i32
        %mul3A_313 = arith.muli %add3A_311, %mul3A_312 : i32
        %add3A_314 = arith.constant 0 : i32
        %add3A_315 = arith.addi %mul3A_313, %add3A_314 : i32
        %dma_start3A_316 = arith.constant 0 : i32
        %dma_start3A_317 = arith.constant 0 : i32
        %dma_start3A_318 = arith.constant 0 : i32
        %dma_start3A_319 = tpu.memref_slice %arg9[%dma_start3A_316, %dma_start3A_317, %dma_start3A_318] : memref<4x128x32xf32, #tpu.memory_space<vmem>> -> memref<1x128x32xf32, #tpu.memory_space<vmem>>
        %dma_start3A_320 = tpu.memref_squeeze %dma_start3A_319 : memref<1x128x32xf32, #tpu.memory_space<vmem>> -> memref<128x32xf32, #tpu.memory_space<vmem>>
        %dma_start3A_321 = arith.constant 0 : i32
        %dma_start3A_322 = tpu.memref_slice %arg7[%add3A_315, %dma_start3A_321] : memref<160x128xi32, #tpu.memory_space<vmem>> -> memref<1x128xi32, #tpu.memory_space<vmem>>
        %dma_start3A_323 = tpu.memref_squeeze %dma_start3A_322 : memref<1x128xi32, #tpu.memory_space<vmem>> -> memref<128xi32, #tpu.memory_space<vmem>>
        %dma_start3A_324 = arith.constant 0 : i32
        %dma_start3A_325 = arith.constant 0 : i32
        %dma_start3A_326 = tpu.memref_slice %arg11[%dma_start3A_324, %dma_start3A_325] : memref<10000x32xf32, #tpu.memory_space<vmem_shared>> -> memref<10000x32xf32, #tpu.memory_space<vmem_shared>>
        tpu.enqueue_indirect_dma source(%dma_start3A_326 : memref<10000x32xf32, #tpu.memory_space<vmem_shared>>) target(%dma_start3A_320 : memref<128x32xf32, #tpu.memory_space<vmem>>) offsets(%dma_start3A_323 : memref<128xi32, #tpu.memory_space<vmem>>) semaphore(%arg12 : memref<!tpu.dma_semaphore, #tpu.memory_space<semaphore_mem>>)
        %add3A_327 = arith.constant 2 : i32
        %add3A_328 = arith.addi %mul3A_131, %add3A_327 : i32
        %mul3A_329 = arith.constant 2 : i32
        %mul3A_330 = arith.muli %add3A_328, %mul3A_329 : i32
        %add3A_331 = arith.constant 1 : i32
        %add3A_332 = arith.addi %mul3A_330, %add3A_331 : i32
        %dma_start3A_333 = arith.constant 1 : i32
        %dma_start3A_334 = arith.constant 0 : i32
        %dma_start3A_335 = arith.constant 0 : i32
        %dma_start3A_336 = tpu.memref_slice %arg9[%dma_start3A_333, %dma_start3A_334, %dma_start3A_335] : memref<4x128x32xf32, #tpu.memory_space<vmem>> -> memref<1x128x32xf32, #tpu.memory_space<vmem>>
        %dma_start3A_337 = tpu.memref_squeeze %dma_start3A_336 : memref<1x128x32xf32, #tpu.memory_space<vmem>> -> memref<128x32xf32, #tpu.memory_space<vmem>>
        %dma_start3A_338 = arith.constant 0 : i32
        %dma_start3A_339 = tpu.memref_slice %arg7[%add3A_332, %dma_start3A_338] : memref<160x128xi32, #tpu.memory_space<vmem>> -> memref<1x128xi32, #tpu.memory_space<vmem>>
        %dma_start3A_340 = tpu.memref_squeeze %dma_start3A_339 : memref<1x128xi32, #tpu.memory_space<vmem>> -> memref<128xi32, #tpu.memory_space<vmem>>
        %dma_start3A_341 = arith.constant 0 : i32
        %dma_start3A_342 = arith.constant 0 : i32
        %dma_start3A_343 = tpu.memref_slice %arg11[%dma_start3A_341, %dma_start3A_342] : memref<10000x32xf32, #tpu.memory_space<vmem_shared>> -> memref<10000x32xf32, #tpu.memory_space<vmem_shared>>
        tpu.enqueue_indirect_dma source(%dma_start3A_343 : memref<10000x32xf32, #tpu.memory_space<vmem_shared>>) target(%dma_start3A_337 : memref<128x32xf32, #tpu.memory_space<vmem>>) offsets(%dma_start3A_340 : memref<128xi32, #tpu.memory_space<vmem>>) semaphore(%arg13 : memref<!tpu.dma_semaphore, #tpu.memory_space<semaphore_mem>>)
      } else {
      }
      %mul3A_217 = arith.constant 2 : i32
      %mul3A_218 = arith.muli %mul3A_217, %scan3A_129 : i32
      %add3A_219 = arith.constant 1 : i32
      %add3A_220 = arith.addi %mul3A_218, %add3A_219 : i32
      %mul3A_221 = arith.constant 2 : i32
      %mul3A_222 = arith.muli %add3A_220, %mul3A_221 : i32
      %add3A_223 = arith.constant 0 : i32
      %add3A_224 = arith.addi %mul3A_222, %add3A_223 : i32
      %dma_wait3A_225 = arith.constant 2 : i32
      %dma_wait3A_226 = arith.constant 0 : i32
      %dma_wait3A_227 = arith.constant 0 : i32
      %dma_wait3A_228 = tpu.memref_slice %arg9[%dma_wait3A_225, %dma_wait3A_226, %dma_wait3A_227] : memref<4x128x32xf32, #tpu.memory_space<vmem>> -> memref<1x128x32xf32, #tpu.memory_space<vmem>>
      %dma_wait3A_229 = tpu.memref_squeeze %dma_wait3A_228 : memref<1x128x32xf32, #tpu.memory_space<vmem>> -> memref<128x32xf32, #tpu.memory_space<vmem>>
      %dma_wait3A_230 = arith.constant 0 : i32
      %dma_wait3A_231 = tpu.memref_slice %arg7[%add3A_224, %dma_wait3A_230] : memref<160x128xi32, #tpu.memory_space<vmem>> -> memref<1x128xi32, #tpu.memory_space<vmem>>
      %dma_wait3A_232 = tpu.memref_squeeze %dma_wait3A_231 : memref<1x128xi32, #tpu.memory_space<vmem>> -> memref<128xi32, #tpu.memory_space<vmem>>
      %dma_wait3A_233 = arith.constant 0 : i32
      %dma_wait3A_234 = arith.constant 0 : i32
      %dma_wait3A_235 = tpu.memref_slice %arg11[%dma_wait3A_233, %dma_wait3A_234] : memref<10000x32xf32, #tpu.memory_space<vmem_shared>> -> memref<10000x32xf32, #tpu.memory_space<vmem_shared>>
      tpu.wait_indirect_dma semaphore(%arg14 : memref<!tpu.dma_semaphore, #tpu.memory_space<semaphore_mem>>) src(%dma_wait3A_235 : memref<10000x32xf32, #tpu.memory_space<vmem_shared>>) dst(%dma_wait3A_229 : memref<128x32xf32, #tpu.memory_space<vmem>>)
      %dma_start3A_236 = arith.constant 2 : i32
      %dma_start3A_237 = arith.constant 0 : i32
      %dma_start3A_238 = arith.constant 0 : i32
      %dma_start3A_239 = tpu.memref_slice %arg9[%dma_start3A_236, %dma_start3A_237, %dma_start3A_238] : memref<4x128x32xf32, #tpu.memory_space<vmem>> -> memref<1x128x32xf32, #tpu.memory_space<vmem>>
      %dma_start3A_240 = tpu.memref_squeeze %dma_start3A_239 : memref<1x128x32xf32, #tpu.memory_space<vmem>> -> memref<128x32xf32, #tpu.memory_space<vmem>>
      %dma_start3A_241 = arith.constant 0 : i32
      %dma_start3A_242 = tpu.memref_slice %arg8[%add3A_224, %dma_start3A_241] : memref<160x128xi32, #tpu.memory_space<vmem>> -> memref<1x128xi32, #tpu.memory_space<vmem>>
      %dma_start3A_243 = tpu.memref_squeeze %dma_start3A_242 : memref<1x128xi32, #tpu.memory_space<vmem>> -> memref<128xi32, #tpu.memory_space<vmem>>
      %dma_start3A_244 = arith.constant 0 : i32
      %dma_start3A_245 = arith.constant 0 : i32
      %dma_start3A_246 = tpu.memref_slice %arg10[%dma_start3A_244, %dma_start3A_245] : memref<10112x32xf32, #tpu.memory_space<vmem_shared>> -> memref<10112x32xf32, #tpu.memory_space<vmem_shared>>
      tpu.enqueue_indirect_dma source(%dma_start3A_240 : memref<128x32xf32, #tpu.memory_space<vmem>>) target(%dma_start3A_246 : memref<10112x32xf32, #tpu.memory_space<vmem_shared>>) offsets(%dma_start3A_243 : memref<128xi32, #tpu.memory_space<vmem>>) semaphore(%arg18 : memref<!tpu.dma_semaphore, #tpu.memory_space<semaphore_mem>>) {add = true}
      %mul3A_247 = arith.constant 2 : i32
      %mul3A_248 = arith.muli %add3A_220, %mul3A_247 : i32
      %add3A_249 = arith.constant 1 : i32
      %add3A_250 = arith.addi %mul3A_248, %add3A_249 : i32
      %dma_wait3A_251 = arith.constant 3 : i32
      %dma_wait3A_252 = arith.constant 0 : i32
      %dma_wait3A_253 = arith.constant 0 : i32
      %dma_wait3A_254 = tpu.memref_slice %arg9[%dma_wait3A_251, %dma_wait3A_252, %dma_wait3A_253] : memref<4x128x32xf32, #tpu.memory_space<vmem>> -> memref<1x128x32xf32, #tpu.memory_space<vmem>>
      %dma_wait3A_255 = tpu.memref_squeeze %dma_wait3A_254 : memref<1x128x32xf32, #tpu.memory_space<vmem>> -> memref<128x32xf32, #tpu.memory_space<vmem>>
      %dma_wait3A_256 = arith.constant 0 : i32
      %dma_wait3A_257 = tpu.memref_slice %arg7[%add3A_250, %dma_wait3A_256] : memref<160x128xi32, #tpu.memory_space<vmem>> -> memref<1x128xi32, #tpu.memory_space<vmem>>
      %dma_wait3A_258 = tpu.memref_squeeze %dma_wait3A_257 : memref<1x128xi32, #tpu.memory_space<vmem>> -> memref<128xi32, #tpu.memory_space<vmem>>
      %dma_wait3A_259 = arith.constant 0 : i32
      %dma_wait3A_260 = arith.constant 0 : i32
      %dma_wait3A_261 = tpu.memref_slice %arg11[%dma_wait3A_259, %dma_wait3A_260] : memref<10000x32xf32, #tpu.memory_space<vmem_shared>> -> memref<10000x32xf32, #tpu.memory_space<vmem_shared>>
      tpu.wait_indirect_dma semaphore(%arg15 : memref<!tpu.dma_semaphore, #tpu.memory_space<semaphore_mem>>) src(%dma_wait3A_261 : memref<10000x32xf32, #tpu.memory_space<vmem_shared>>) dst(%dma_wait3A_255 : memref<128x32xf32, #tpu.memory_space<vmem>>)
      %dma_start3A_262 = arith.constant 3 : i32
      %dma_start3A_263 = arith.constant 0 : i32
      %dma_start3A_264 = arith.constant 0 : i32
      %dma_start3A_265 = tpu.memref_slice %arg9[%dma_start3A_262, %dma_start3A_263, %dma_start3A_264] : memref<4x128x32xf32, #tpu.memory_space<vmem>> -> memref<1x128x32xf32, #tpu.memory_space<vmem>>
      %dma_start3A_266 = tpu.memref_squeeze %dma_start3A_265 : memref<1x128x32xf32, #tpu.memory_space<vmem>> -> memref<128x32xf32, #tpu.memory_space<vmem>>
      %dma_start3A_267 = arith.constant 0 : i32
      %dma_start3A_268 = tpu.memref_slice %arg8[%add3A_250, %dma_start3A_267] : memref<160x128xi32, #tpu.memory_space<vmem>> -> memref<1x128xi32, #tpu.memory_space<vmem>>
      %dma_start3A_269 = tpu.memref_squeeze %dma_start3A_268 : memref<1x128xi32, #tpu.memory_space<vmem>> -> memref<128xi32, #tpu.memory_space<vmem>>
      %dma_start3A_270 = arith.constant 0 : i32
      %dma_start3A_271 = arith.constant 0 : i32
      %dma_start3A_272 = tpu.memref_slice %arg10[%dma_start3A_270, %dma_start3A_271] : memref<10112x32xf32, #tpu.memory_space<vmem_shared>> -> memref<10112x32xf32, #tpu.memory_space<vmem_shared>>
      tpu.enqueue_indirect_dma source(%dma_start3A_266 : memref<128x32xf32, #tpu.memory_space<vmem>>) target(%dma_start3A_272 : memref<10112x32xf32, #tpu.memory_space<vmem_shared>>) offsets(%dma_start3A_269 : memref<128xi32, #tpu.memory_space<vmem>>) semaphore(%arg19 : memref<!tpu.dma_semaphore, #tpu.memory_space<semaphore_mem>>) {add = true}
      %mul3A_273 = arith.constant 2 : i32
      %mul3A_274 = arith.muli %add3A_220, %mul3A_273 : i32
      %add3A_275 = arith.constant 0 : i32
      %add3A_276 = arith.addi %mul3A_274, %add3A_275 : i32
      %dma_wait3A_277 = arith.constant 2 : i32
      %dma_wait3A_278 = arith.constant 0 : i32
      %dma_wait3A_279 = arith.constant 0 : i32
      %dma_wait3A_280 = tpu.memref_slice %arg9[%dma_wait3A_277, %dma_wait3A_278, %dma_wait3A_279] : memref<4x128x32xf32, #tpu.memory_space<vmem>> -> memref<1x128x32xf32, #tpu.memory_space<vmem>>
      %dma_wait3A_281 = tpu.memref_squeeze %dma_wait3A_280 : memref<1x128x32xf32, #tpu.memory_space<vmem>> -> memref<128x32xf32, #tpu.memory_space<vmem>>
      %dma_wait3A_282 = arith.constant 0 : i32
      %dma_wait3A_283 = tpu.memref_slice %arg8[%add3A_276, %dma_wait3A_282] : memref<160x128xi32, #tpu.memory_space<vmem>> -> memref<1x128xi32, #tpu.memory_space<vmem>>
      %dma_wait3A_284 = tpu.memref_squeeze %dma_wait3A_283 : memref<1x128xi32, #tpu.memory_space<vmem>> -> memref<128xi32, #tpu.memory_space<vmem>>
      %dma_wait3A_285 = arith.constant 0 : i32
      %dma_wait3A_286 = arith.constant 0 : i32
      %dma_wait3A_287 = tpu.memref_slice %arg10[%dma_wait3A_285, %dma_wait3A_286] : memref<10112x32xf32, #tpu.memory_space<vmem_shared>> -> memref<10112x32xf32, #tpu.memory_space<vmem_shared>>
      tpu.wait_indirect_dma semaphore(%arg18 : memref<!tpu.dma_semaphore, #tpu.memory_space<semaphore_mem>>) src(%dma_wait3A_281 : memref<128x32xf32, #tpu.memory_space<vmem>>) dst(%dma_wait3A_287 : memref<10112x32xf32, #tpu.memory_space<vmem_shared>>)
      %mul3A_288 = arith.constant 2 : i32
      %mul3A_289 = arith.muli %add3A_220, %mul3A_288 : i32
      %add3A_290 = arith.constant 1 : i32
      %add3A_291 = arith.addi %mul3A_289, %add3A_290 : i32
      %dma_wait3A_292 = arith.constant 3 : i32
      %dma_wait3A_293 = arith.constant 0 : i32
      %dma_wait3A_294 = arith.constant 0 : i32
      %dma_wait3A_295 = tpu.memref_slice %arg9[%dma_wait3A_292, %dma_wait3A_293, %dma_wait3A_294] : memref<4x128x32xf32, #tpu.memory_space<vmem>> -> memref<1x128x32xf32, #tpu.memory_space<vmem>>
      %dma_wait3A_296 = tpu.memref_squeeze %dma_wait3A_295 : memref<1x128x32xf32, #tpu.memory_space<vmem>> -> memref<128x32xf32, #tpu.memory_space<vmem>>
      %dma_wait3A_297 = arith.constant 0 : i32
      %dma_wait3A_298 = tpu.memref_slice %arg8[%add3A_291, %dma_wait3A_297] : memref<160x128xi32, #tpu.memory_space<vmem>> -> memref<1x128xi32, #tpu.memory_space<vmem>>
      %dma_wait3A_299 = tpu.memref_squeeze %dma_wait3A_298 : memref<1x128xi32, #tpu.memory_space<vmem>> -> memref<128xi32, #tpu.memory_space<vmem>>
      %dma_wait3A_300 = arith.constant 0 : i32
      %dma_wait3A_301 = arith.constant 0 : i32
      %dma_wait3A_302 = tpu.memref_slice %arg10[%dma_wait3A_300, %dma_wait3A_301] : memref<10112x32xf32, #tpu.memory_space<vmem_shared>> -> memref<10112x32xf32, #tpu.memory_space<vmem_shared>>
      tpu.wait_indirect_dma semaphore(%arg19 : memref<!tpu.dma_semaphore, #tpu.memory_space<semaphore_mem>>) src(%dma_wait3A_296 : memref<128x32xf32, #tpu.memory_space<vmem>>) dst(%dma_wait3A_302 : memref<10112x32xf32, #tpu.memory_space<vmem_shared>>)
      %add3A_303 = arith.constant 2 : i32
      %add3A_304 = arith.addi %add3A_220, %add3A_303 : i32
      %lt3A_305 = arith.constant 80 : i32
      %lt3A_306 = arith.cmpi slt, %add3A_304, %lt3A_305 : i32
      %convert_element_type3A_307 = arith.extui %lt3A_306 : i1 to i32
      %cond3A_308 = arith.constant 0 : i32
      %cond3A_309 = arith.cmpi ne, %convert_element_type3A_307, %cond3A_308 : i32
      scf.if %cond3A_309 {
        %add3A_310 = arith.constant 2 : i32
        %add3A_311 = arith.addi %add3A_220, %add3A_310 : i32
        %mul3A_312 = arith.constant 2 : i32
        %mul3A_313 = arith.muli %add3A_311, %mul3A_312 : i32
        %add3A_314 = arith.constant 0 : i32
        %add3A_315 = arith.addi %mul3A_313, %add3A_314 : i32
        %dma_start3A_316 = arith.constant 2 : i32
        %dma_start3A_317 = arith.constant 0 : i32
        %dma_start3A_318 = arith.constant 0 : i32
        %dma_start3A_319 = tpu.memref_slice %arg9[%dma_start3A_316, %dma_start3A_317, %dma_start3A_318] : memref<4x128x32xf32, #tpu.memory_space<vmem>> -> memref<1x128x32xf32, #tpu.memory_space<vmem>>
        %dma_start3A_320 = tpu.memref_squeeze %dma_start3A_319 : memref<1x128x32xf32, #tpu.memory_space<vmem>> -> memref<128x32xf32, #tpu.memory_space<vmem>>
        %dma_start3A_321 = arith.constant 0 : i32
        %dma_start3A_322 = tpu.memref_slice %arg7[%add3A_315, %dma_start3A_321] : memref<160x128xi32, #tpu.memory_space<vmem>> -> memref<1x128xi32, #tpu.memory_space<vmem>>
        %dma_start3A_323 = tpu.memref_squeeze %dma_start3A_322 : memref<1x128xi32, #tpu.memory_space<vmem>> -> memref<128xi32, #tpu.memory_space<vmem>>
        %dma_start3A_324 = arith.constant 0 : i32
        %dma_start3A_325 = arith.constant 0 : i32
        %dma_start3A_326 = tpu.memref_slice %arg11[%dma_start3A_324, %dma_start3A_325] : memref<10000x32xf32, #tpu.memory_space<vmem_shared>> -> memref<10000x32xf32, #tpu.memory_space<vmem_shared>>
        tpu.enqueue_indirect_dma source(%dma_start3A_326 : memref<10000x32xf32, #tpu.memory_space<vmem_shared>>) target(%dma_start3A_320 : memref<128x32xf32, #tpu.memory_space<vmem>>) offsets(%dma_start3A_323 : memref<128xi32, #tpu.memory_space<vmem>>) semaphore(%arg14 : memref<!tpu.dma_semaphore, #tpu.memory_space<semaphore_mem>>)
        %add3A_327 = arith.constant 2 : i32
        %add3A_328 = arith.addi %add3A_220, %add3A_327 : i32
        %mul3A_329 = arith.constant 2 : i32
        %mul3A_330 = arith.muli %add3A_328, %mul3A_329 : i32
        %add3A_331 = arith.constant 1 : i32
        %add3A_332 = arith.addi %mul3A_330, %add3A_331 : i32
        %dma_start3A_333 = arith.constant 3 : i32
        %dma_start3A_334 = arith.constant 0 : i32
        %dma_start3A_335 = arith.constant 0 : i32
        %dma_start3A_336 = tpu.memref_slice %arg9[%dma_start3A_333, %dma_start3A_334, %dma_start3A_335] : memref<4x128x32xf32, #tpu.memory_space<vmem>> -> memref<1x128x32xf32, #tpu.memory_space<vmem>>
        %dma_start3A_337 = tpu.memref_squeeze %dma_start3A_336 : memref<1x128x32xf32, #tpu.memory_space<vmem>> -> memref<128x32xf32, #tpu.memory_space<vmem>>
        %dma_start3A_338 = arith.constant 0 : i32
        %dma_start3A_339 = tpu.memref_slice %arg7[%add3A_332, %dma_start3A_338] : memref<160x128xi32, #tpu.memory_space<vmem>> -> memref<1x128xi32, #tpu.memory_space<vmem>>
        %dma_start3A_340 = tpu.memref_squeeze %dma_start3A_339 : memref<1x128xi32, #tpu.memory_space<vmem>> -> memref<128xi32, #tpu.memory_space<vmem>>
        %dma_start3A_341 = arith.constant 0 : i32
        %dma_start3A_342 = arith.constant 0 : i32
        %dma_start3A_343 = tpu.memref_slice %arg11[%dma_start3A_341, %dma_start3A_342] : memref<10000x32xf32, #tpu.memory_space<vmem_shared>> -> memref<10000x32xf32, #tpu.memory_space<vmem_shared>>
        tpu.enqueue_indirect_dma source(%dma_start3A_343 : memref<10000x32xf32, #tpu.memory_space<vmem_shared>>) target(%dma_start3A_337 : memref<128x32xf32, #tpu.memory_space<vmem>>) offsets(%dma_start3A_340 : memref<128xi32, #tpu.memory_space<vmem>>) semaphore(%arg15 : memref<!tpu.dma_semaphore, #tpu.memory_space<semaphore_mem>>)
      } else {
      }
    }
    %scan3A_127 = arith.constant 40 : i32
    %barrier3A_128 = arith.constant 0 : index
    tpu.barrier barrier_id(%barrier3A_128)
    "tpu.region"() ({
      %run_scoped3A = tpu.sem_alloc : memref<!tpu.dma_semaphore, #tpu.memory_space<semaphore_mem>>
      %dma_start3A_129 = tpu.memref_slice %arg6[%mul3A_0, %mul3A_68] : memref<10112x128xf32, #tpu.memory_space<hbm>> -> memref<632x32xf32, #tpu.memory_space<hbm>>
      %dma_start3A_130 = arith.constant 0 : i32
      %dma_start3A_131 = tpu.memref_slice %arg10[%mul3A_0, %dma_start3A_130] : memref<10112x32xf32, #tpu.memory_space<vmem_shared>> -> memref<632x32xf32, #tpu.memory_space<vmem_shared>>
      tpu.enqueue_dma source(%dma_start3A_131 : memref<632x32xf32, #tpu.memory_space<vmem_shared>>) target(%dma_start3A_129 : memref<632x32xf32, #tpu.memory_space<hbm>>) target_semaphore(%run_scoped3A : memref<!tpu.dma_semaphore, #tpu.memory_space<semaphore_mem>>)
      %dma_wait3A = tpu.memref_slice %arg6[%mul3A_0, %mul3A_68] : memref<10112x128xf32, #tpu.memory_space<hbm>> -> memref<632x32xf32, #tpu.memory_space<hbm>>
      %dma_wait3A_132 = arith.constant 0 : i32
      %dma_wait3A_133 = tpu.memref_slice %arg10[%mul3A_0, %dma_wait3A_132] : memref<10112x32xf32, #tpu.memory_space<vmem_shared>> -> memref<632x32xf32, #tpu.memory_space<vmem_shared>>
      tpu.wait_dma2 semaphore(%run_scoped3A : memref<!tpu.dma_semaphore, #tpu.memory_space<semaphore_mem>>) src(%dma_wait3A_133 : memref<632x32xf32, #tpu.memory_space<vmem_shared>>) dst(%dma_wait3A : memref<632x32xf32, #tpu.memory_space<hbm>>)
      tpu.yield
    }) : () -> ()
    return
  }
}

module attributes {stable_mosaic.version = 14 : i64} {
  func.func @_tc_pre_body(%arg0: i32, %arg1: memref<1000x128xf32, #tpu.memory_space<vmem>>, %arg2: memref<128x128xf32, #tpu.memory_space<vmem>>, %arg3: memref<1000x128xf32, #tpu.memory_space<vmem>>, %arg4: memref<1000x128xf32, #tpu.memory_space<vmem>>, %arg5: memref<1000x1xf32, #tpu.memory_space<vmem>>) attributes {dimension_semantics = [#tpu.dimension_semantics<arbitrary>], iteration_bounds = array<i64: 10>, scalar_prefetch = 0 : i64, scratch_operands = 0 : i64, tpu.core_type = #tpu.core_type<tc>, window_params = [{transform_indices = @transform_0, window_bounds = array<i64: 1000, 128>}, {pipeline_mode = #tpu.pipeline_mode<synchronous>, transform_indices = @transform_1, window_bounds = array<i64: 128, 128>}, {transform_indices = @transform_2, window_bounds = array<i64: 1000, 128>}, {transform_indices = @transform_3, window_bounds = array<i64: 1000, 128>}, {transform_indices = @transform_4, window_bounds = array<i64: 1000, 1>}]} {
    %get3A = arith.constant 0 : index
    %get3A_0 = arith.constant 0 : index
    %get3A_1 = vector.load %arg3[%get3A, %get3A_0] : memref<1000x128xf32, #tpu.memory_space<vmem>>, vector<1000x1xf32>
    %get3A_2 = arith.constant 0 : index
    %get3A_3 = arith.constant 8 : index
    %get3A_4 = vector.load %arg3[%get3A_2, %get3A_3] : memref<1000x128xf32, #tpu.memory_space<vmem>>, vector<1000x1xf32>
    %add3A = arith.addf %get3A_1, %get3A_4 : vector<1000x1xf32>
    %add3A_5 = arith.constant 1.000000e+00 : f32
    %add3A_6 = vector.broadcast %add3A_5 : f32 to vector<1000x1xf32>
    %add3A_7 = arith.addf %add3A, %add3A_6 : vector<1000x1xf32>
    %rsqrt3A = math.rsqrt %add3A_7 : vector<1000x1xf32>
    %get3A_8 = arith.constant 0 : index
    %get3A_9 = arith.constant 0 : index
    %get3A_10 = vector.load %arg1[%get3A_8, %get3A_9] : memref<1000x128xf32, #tpu.memory_space<vmem>>, vector<1000x128xf32>
    %get3A_11 = arith.constant 0 : index
    %get3A_12 = arith.constant 0 : index
    %get3A_13 = vector.load %arg2[%get3A_11, %get3A_12] : memref<128x128xf32, #tpu.memory_space<vmem>>, vector<128x128xf32>
    %dot_general3A = arith.constant dense<0.000000e+00> : vector<1000x128xf32>
    %dot_general3A_14 = tpu.matmul %get3A_10, %get3A_13, %dot_general3A {dimension_numbers = #tpu.dot_dimension_numbers<[1], [0], [0], [1], [0, 0, 1, 1], [], []>, transpose_lhs_hint = false} : vector<1000x128xf32>, vector<128x128xf32>, vector<1000x128xf32> -> vector<1000x128xf32>
    %mul3A = vector.broadcast %rsqrt3A : vector<1000x1xf32> to vector<1000x128xf32>
    %mul3A_15 = arith.mulf %dot_general3A_14, %mul3A : vector<1000x128xf32>
    %swap3A = arith.constant 0 : index
    %swap3A_16 = arith.constant 0 : index
    %swap3A_17 = vector.load %arg4[%swap3A, %swap3A_16] : memref<1000x128xf32, #tpu.memory_space<vmem>>, vector<1000x128xf32>
    tpu.vector_store %arg4[%swap3A, %swap3A_16], %mul3A_15 {strides = array<i32>} : memref<1000x128xf32, #tpu.memory_space<vmem>>, vector<1000x128xf32>,
    %swap3A_18 = arith.constant 0 : index
    %swap3A_19 = arith.constant 0 : index
    %swap3A_20 = vector.load %arg5[%swap3A_18, %swap3A_19] : memref<1000x1xf32, #tpu.memory_space<vmem>>, vector<1000x1xf32>
    tpu.vector_store %arg5[%swap3A_18, %swap3A_19], %rsqrt3A {strides = array<i32>} : memref<1000x1xf32, #tpu.memory_space<vmem>>, vector<1000x1xf32>,
    return
  }
  func.func @transform_0(%arg0: i32) -> (i32, i32) {
    %c0_i32 = arith.constant 0 : i32
    %c0_i32_0 = arith.constant 0 : i32
    return %arg0, %c0_i32 : i32, i32
  }
  func.func @transform_1(%arg0: i32) -> (i32, i32) {
    %c0_i32 = arith.constant 0 : i32
    %c0_i32_0 = arith.constant 0 : i32
    %c0_i32_1 = arith.constant 0 : i32
    return %c0_i32, %c0_i32_0 : i32, i32
  }
  func.func @transform_2(%arg0: i32) -> (i32, i32) {
    %c0_i32 = arith.constant 0 : i32
    %c0_i32_0 = arith.constant 0 : i32
    return %arg0, %c0_i32 : i32, i32
  }
  func.func @transform_3(%arg0: i32) -> (i32, i32) {
    %c0_i32 = arith.constant 0 : i32
    %c0_i32_0 = arith.constant 0 : i32
    return %arg0, %c0_i32 : i32, i32
  }
  func.func @transform_4(%arg0: i32) -> (i32, i32) {
    %c0_i32 = arith.constant 0 : i32
    %c0_i32_0 = arith.constant 0 : i32
    return %arg0, %c0_i32 : i32, i32
  }
}

module attributes {stable_mosaic.version = 14 : i64} {
  func.func @_tc_mid1_body(%arg0: i32, %arg1: i32, %arg2: memref<1000x128xf32, #tpu.memory_space<vmem>>, %arg3: memref<1000x128xf32, #tpu.memory_space<vmem>>, %arg4: memref<1000x1xf32, #tpu.memory_space<vmem>>, %arg5: memref<1x128xf32, #tpu.memory_space<vmem>>, %arg6: memref<1x128xf32, #tpu.memory_space<vmem>>, %arg7: memref<1x128xf32, #tpu.memory_space<vmem>>, %arg8: memref<128x128xf32, #tpu.memory_space<vmem>>, %arg9: memref<1000x128xf32, #tpu.memory_space<vmem>>, %arg10: memref<1x128xf32, #tpu.memory_space<vmem>>, %arg11: memref<1x128xf32, #tpu.memory_space<vmem>>) attributes {dimension_semantics = [#tpu.dimension_semantics<arbitrary>, #tpu.dimension_semantics<arbitrary>], iteration_bounds = array<i64: 2, 10>, scalar_prefetch = 0 : i64, scratch_operands = 2 : i64, tpu.core_type = #tpu.core_type<tc>, window_params = [{transform_indices = @transform_0, window_bounds = array<i64: 1000, 128>}, {transform_indices = @transform_1, window_bounds = array<i64: 1000, 128>}, {transform_indices = @transform_2, window_bounds = array<i64: 1000, 1>}, {pipeline_mode = #tpu.pipeline_mode<synchronous>, transform_indices = @transform_3, window_bounds = array<i64: 1, 128>}, {pipeline_mode = #tpu.pipeline_mode<synchronous>, transform_indices = @transform_4, window_bounds = array<i64: 1, 128>}, {pipeline_mode = #tpu.pipeline_mode<synchronous>, transform_indices = @transform_5, window_bounds = array<i64: 1, 128>}, {pipeline_mode = #tpu.pipeline_mode<synchronous>, transform_indices = @transform_6, window_bounds = array<i64: 128, 128>}, {transform_indices = @transform_7, window_bounds = array<i64: 1000, 128>}]} {
    %get3A = arith.constant 0 : index
    %get3A_0 = arith.constant 0 : index
    %get3A_1 = vector.load %arg2[%get3A, %get3A_0] : memref<1000x128xf32, #tpu.memory_space<vmem>>, vector<1000x128xf32>
    %get3A_2 = arith.constant 0 : index
    %get3A_3 = arith.constant 0 : index
    %get3A_4 = vector.load %arg3[%get3A_2, %get3A_3] : memref<1000x128xf32, #tpu.memory_space<vmem>>, vector<1000x128xf32>
    %add3A = arith.addf %get3A_1, %get3A_4 : vector<1000x128xf32>
    %get3A_5 = arith.constant 0 : index
    %get3A_6 = arith.constant 0 : index
    %get3A_7 = vector.load %arg4[%get3A_5, %get3A_6] : memref<1000x1xf32, #tpu.memory_space<vmem>>, vector<1000x1xf32>
    %mul3A = vector.broadcast %get3A_7 : vector<1000x1xf32> to vector<1000x128xf32>
    %mul3A_8 = arith.mulf %add3A, %mul3A : vector<1000x128xf32>
    %get3A_9 = arith.constant 0 : index
    %get3A_10 = arith.constant 0 : index
    %get3A_11 = vector.load %arg5[%get3A_9, %get3A_10] : memref<1x128xf32, #tpu.memory_space<vmem>>, vector<1x128xf32>
    %add3A_12 = vector.broadcast %get3A_11 : vector<1x128xf32> to vector<1000x128xf32>
    %add3A_13 = arith.addf %mul3A_8, %add3A_12 : vector<1000x128xf32>
    %eq3A = arith.constant 0 : i32
    %eq3A_14 = arith.cmpi eq, %arg0, %eq3A : i32
    %eq3A_15 = arith.constant 0 : i32
    %eq3A_16 = arith.cmpi eq, %arg1, %eq3A_15 : i32
    %and3A = arith.andi %eq3A_14, %eq3A_16 : i1
    %convert_element_type3A = arith.extui %and3A : i1 to i32
    %cond3A = arith.constant 0 : i32
    %cond3A_17 = arith.cmpi ne, %convert_element_type3A, %cond3A : i32
    scf.if %cond3A_17 {
      %broadcast_in_dim3A = arith.constant 0.000000e+00 : f32
      %broadcast_in_dim3A_28 = vector.broadcast %broadcast_in_dim3A : f32 to vector<1x128xf32>
      %swap3A = arith.constant 0 : index
      %swap3A_29 = arith.constant 0 : index
      %swap3A_30 = vector.load %arg10[%swap3A, %swap3A_29] : memref<1x128xf32, #tpu.memory_space<vmem>>, vector<1x128xf32>
      tpu.vector_store %arg10[%swap3A, %swap3A_29], %broadcast_in_dim3A_28 {strides = array<i32>} : memref<1x128xf32, #tpu.memory_space<vmem>>, vector<1x128xf32>,
      %broadcast_in_dim3A_31 = arith.constant 0.000000e+00 : f32
      %broadcast_in_dim3A_32 = vector.broadcast %broadcast_in_dim3A_31 : f32 to vector<1x128xf32>
      %swap3A_33 = arith.constant 0 : index
      %swap3A_34 = arith.constant 0 : index
      %swap3A_35 = vector.load %arg11[%swap3A_33, %swap3A_34] : memref<1x128xf32, #tpu.memory_space<vmem>>, vector<1x128xf32>
      tpu.vector_store %arg11[%swap3A_33, %swap3A_34], %broadcast_in_dim3A_32 {strides = array<i32>} : memref<1x128xf32, #tpu.memory_space<vmem>>, vector<1x128xf32>,
    } else {
    }
    %eq3A_18 = arith.constant 0 : i32
    %eq3A_19 = arith.cmpi eq, %arg0, %eq3A_18 : i32
    %convert_element_type3A_20 = arith.extui %eq3A_19 : i1 to i32
    %cond3A_21 = arith.constant 0 : i32
    %cond3A_22 = arith.cmpi ne, %convert_element_type3A_20, %cond3A_21 : i32
    scf.if %cond3A_22 {
      %get3A_28 = arith.constant 0 : index
      %get3A_29 = arith.constant 0 : index
      %get3A_30 = vector.load %arg10[%get3A_28, %get3A_29] : memref<1x128xf32, #tpu.memory_space<vmem>>, vector<1x128xf32>
      %reduce_sum3A = arith.constant dense<0.000000e+00> : vector<128xf32>
      %reduce_sum3A_31 = vector.multi_reduction <add>, %add3A_13, %reduce_sum3A [0] : vector<1000x128xf32> to vector<128xf32>
      %broadcast_in_dim3A = vector.shape_cast %reduce_sum3A_31 : vector<128xf32> to vector<1x128xf32>
      %add3A_32 = arith.addf %get3A_30, %broadcast_in_dim3A : vector<1x128xf32>
      %swap3A = arith.constant 0 : index
      %swap3A_33 = arith.constant 0 : index
      %swap3A_34 = vector.load %arg10[%swap3A, %swap3A_33] : memref<1x128xf32, #tpu.memory_space<vmem>>, vector<1x128xf32>
      tpu.vector_store %arg10[%swap3A, %swap3A_33], %add3A_32 {strides = array<i32>} : memref<1x128xf32, #tpu.memory_space<vmem>>, vector<1x128xf32>,
      %get3A_35 = arith.constant 0 : index
      %get3A_36 = arith.constant 0 : index
      %get3A_37 = vector.load %arg11[%get3A_35, %get3A_36] : memref<1x128xf32, #tpu.memory_space<vmem>>, vector<1x128xf32>
      %mul3A_38 = arith.mulf %add3A_13, %add3A_13 : vector<1000x128xf32>
      %reduce_sum3A_39 = arith.constant dense<0.000000e+00> : vector<128xf32>
      %reduce_sum3A_40 = vector.multi_reduction <add>, %mul3A_38, %reduce_sum3A_39 [0] : vector<1000x128xf32> to vector<128xf32>
      %broadcast_in_dim3A_41 = vector.shape_cast %reduce_sum3A_40 : vector<128xf32> to vector<1x128xf32>
      %add3A_42 = arith.addf %get3A_37, %broadcast_in_dim3A_41 : vector<1x128xf32>
      %swap3A_43 = arith.constant 0 : index
      %swap3A_44 = arith.constant 0 : index
      %swap3A_45 = vector.load %arg11[%swap3A_43, %swap3A_44] : memref<1x128xf32, #tpu.memory_space<vmem>>, vector<1x128xf32>
      tpu.vector_store %arg11[%swap3A_43, %swap3A_44], %add3A_42 {strides = array<i32>} : memref<1x128xf32, #tpu.memory_space<vmem>>, vector<1x128xf32>,
    } else {
    }
    %eq3A_23 = arith.constant 1 : i32
    %eq3A_24 = arith.cmpi eq, %arg0, %eq3A_23 : i32
    %convert_element_type3A_25 = arith.extui %eq3A_24 : i1 to i32
    %cond3A_26 = arith.constant 0 : i32
    %cond3A_27 = arith.cmpi ne, %convert_element_type3A_25, %cond3A_26 : i32
    scf.if %cond3A_27 {
      %get3A_28 = arith.constant 0 : index
      %get3A_29 = arith.constant 0 : index
      %get3A_30 = vector.load %arg10[%get3A_28, %get3A_29] : memref<1x128xf32, #tpu.memory_space<vmem>>, vector<1x128xf32>
      %mul3A_31 = arith.constant 9.99999974E-5 : f32
      %mul3A_32 = vector.broadcast %mul3A_31 : f32 to vector<1x128xf32>
      %mul3A_33 = arith.mulf %get3A_30, %mul3A_32 : vector<1x128xf32>
      %get3A_34 = arith.constant 0 : index
      %get3A_35 = arith.constant 0 : index
      %get3A_36 = vector.load %arg11[%get3A_34, %get3A_35] : memref<1x128xf32, #tpu.memory_space<vmem>>, vector<1x128xf32>
      %mul3A_37 = arith.constant 9.99999974E-5 : f32
      %mul3A_38 = vector.broadcast %mul3A_37 : f32 to vector<1x128xf32>
      %mul3A_39 = arith.mulf %get3A_36, %mul3A_38 : vector<1x128xf32>
      %mul3A_40 = arith.mulf %mul3A_33, %mul3A_33 : vector<1x128xf32>
      %sub3A = arith.subf %mul3A_39, %mul3A_40 : vector<1x128xf32>
      %sub3A_41 = vector.broadcast %mul3A_33 : vector<1x128xf32> to vector<1000x128xf32>
      %sub3A_42 = arith.subf %add3A_13, %sub3A_41 : vector<1000x128xf32>
      %add3A_43 = arith.constant 9.99999974E-6 : f32
      %add3A_44 = vector.broadcast %add3A_43 : f32 to vector<1x128xf32>
      %add3A_45 = arith.addf %sub3A, %add3A_44 : vector<1x128xf32>
      %rsqrt3A = math.rsqrt %add3A_45 : vector<1x128xf32>
      %mul3A_46 = vector.broadcast %rsqrt3A : vector<1x128xf32> to vector<1000x128xf32>
      %mul3A_47 = arith.mulf %sub3A_42, %mul3A_46 : vector<1000x128xf32>
      %get3A_48 = arith.constant 0 : index
      %get3A_49 = arith.constant 0 : index
      %get3A_50 = vector.load %arg6[%get3A_48, %get3A_49] : memref<1x128xf32, #tpu.memory_space<vmem>>, vector<1x128xf32>
      %mul3A_51 = vector.broadcast %get3A_50 : vector<1x128xf32> to vector<1000x128xf32>
      %mul3A_52 = arith.mulf %mul3A_47, %mul3A_51 : vector<1000x128xf32>
      %get3A_53 = arith.constant 0 : index
      %get3A_54 = arith.constant 0 : index
      %get3A_55 = vector.load %arg7[%get3A_53, %get3A_54] : memref<1x128xf32, #tpu.memory_space<vmem>>, vector<1x128xf32>
      %add3A_56 = vector.broadcast %get3A_55 : vector<1x128xf32> to vector<1000x128xf32>
      %add3A_57 = arith.addf %mul3A_52, %add3A_56 : vector<1000x128xf32>
      %max3A = arith.constant 0.000000e+00 : f32
      %max3A_58 = vector.broadcast %max3A : f32 to vector<1000x128xf32>
      %max3A_59 = arith.maximumf %add3A_57, %max3A_58 : vector<1000x128xf32>
      %get3A_60 = arith.constant 0 : index
      %get3A_61 = arith.constant 0 : index
      %get3A_62 = vector.load %arg8[%get3A_60, %get3A_61] : memref<128x128xf32, #tpu.memory_space<vmem>>, vector<128x128xf32>
      %dot_general3A = arith.constant dense<0.000000e+00> : vector<1000x128xf32>
      %dot_general3A_63 = tpu.matmul %max3A_59, %get3A_62, %dot_general3A {dimension_numbers = #tpu.dot_dimension_numbers<[1], [0], [0], [1], [0, 0, 1, 1], [], []>, transpose_lhs_hint = false} : vector<1000x128xf32>, vector<128x128xf32>, vector<1000x128xf32> -> vector<1000x128xf32>
      %get3A_64 = arith.constant 0 : index
      %get3A_65 = arith.constant 0 : index
      %get3A_66 = vector.load %arg4[%get3A_64, %get3A_65] : memref<1000x1xf32, #tpu.memory_space<vmem>>, vector<1000x1xf32>
      %mul3A_67 = vector.broadcast %get3A_66 : vector<1000x1xf32> to vector<1000x128xf32>
      %mul3A_68 = arith.mulf %dot_general3A_63, %mul3A_67 : vector<1000x128xf32>
      %swap3A = arith.constant 0 : index
      %swap3A_69 = arith.constant 0 : index
      %swap3A_70 = vector.load %arg9[%swap3A, %swap3A_69] : memref<1000x128xf32, #tpu.memory_space<vmem>>, vector<1000x128xf32>
      tpu.vector_store %arg9[%swap3A, %swap3A_69], %mul3A_68 {strides = array<i32>} : memref<1000x128xf32, #tpu.memory_space<vmem>>, vector<1000x128xf32>,
    } else {
    }
    return
  }
  func.func @transform_0(%arg0: i32, %arg1: i32) -> (i32, i32) {
    %c0_i32 = arith.constant 0 : i32
    %c0_i32_0 = arith.constant 0 : i32
    return %arg1, %c0_i32 : i32, i32
  }
  func.func @transform_1(%arg0: i32, %arg1: i32) -> (i32, i32) {
    %c0_i32 = arith.constant 0 : i32
    %c0_i32_0 = arith.constant 0 : i32
    return %arg1, %c0_i32 : i32, i32
  }
  func.func @transform_2(%arg0: i32, %arg1: i32) -> (i32, i32) {
    %c0_i32 = arith.constant 0 : i32
    %c0_i32_0 = arith.constant 0 : i32
    return %arg1, %c0_i32 : i32, i32
  }
  func.func @transform_3(%arg0: i32, %arg1: i32) -> (i32, i32) {
    %c0_i32 = arith.constant 0 : i32
    %c0_i32_0 = arith.constant 0 : i32
    %c0_i32_1 = arith.constant 0 : i32
    return %c0_i32, %c0_i32_0 : i32, i32
  }
  func.func @transform_4(%arg0: i32, %arg1: i32) -> (i32, i32) {
    %c0_i32 = arith.constant 0 : i32
    %c0_i32_0 = arith.constant 0 : i32
    %c0_i32_1 = arith.constant 0 : i32
    return %c0_i32, %c0_i32_0 : i32, i32
  }
  func.func @transform_5(%arg0: i32, %arg1: i32) -> (i32, i32) {
    %c0_i32 = arith.constant 0 : i32
    %c0_i32_0 = arith.constant 0 : i32
    %c0_i32_1 = arith.constant 0 : i32
    return %c0_i32, %c0_i32_0 : i32, i32
  }
  func.func @transform_6(%arg0: i32, %arg1: i32) -> (i32, i32) {
    %c0_i32 = arith.constant 0 : i32
    %c0_i32_0 = arith.constant 0 : i32
    %c0_i32_1 = arith.constant 0 : i32
    return %c0_i32, %c0_i32_0 : i32, i32
  }
  func.func @transform_7(%arg0: i32, %arg1: i32) -> (i32, i32) {
    %c0_i32 = arith.constant 0 : i32
    %c0_i32_0 = arith.constant 0 : i32
    return %arg1, %c0_i32 : i32, i32
  }
}

module attributes {stable_mosaic.version = 14 : i64} {
  func.func @_tc_mid2_body(%arg0: i32, %arg1: i32, %arg2: memref<1000x128xf32, #tpu.memory_space<vmem>>, %arg3: memref<1000x128xf32, #tpu.memory_space<vmem>>, %arg4: memref<1000x1xf32, #tpu.memory_space<vmem>>, %arg5: memref<1x128xf32, #tpu.memory_space<vmem>>, %arg6: memref<1x128xf32, #tpu.memory_space<vmem>>, %arg7: memref<1x128xf32, #tpu.memory_space<vmem>>, %arg8: memref<128x128xf32, #tpu.memory_space<vmem>>, %arg9: memref<1x128xf32, #tpu.memory_space<vmem>>, %arg10: memref<128x16xf32, #tpu.memory_space<vmem>>, %arg11: memref<1x16xf32, #tpu.memory_space<vmem>>, %arg12: memref<1000x128xf32, #tpu.memory_space<vmem>>, %arg13: memref<1000x16xf32, #tpu.memory_space<vmem>>, %arg14: memref<1x128xf32, #tpu.memory_space<vmem>>, %arg15: memref<1x128xf32, #tpu.memory_space<vmem>>) attributes {dimension_semantics = [#tpu.dimension_semantics<arbitrary>, #tpu.dimension_semantics<arbitrary>], iteration_bounds = array<i64: 2, 10>, scalar_prefetch = 0 : i64, scratch_operands = 2 : i64, tpu.core_type = #tpu.core_type<tc>, window_params = [{transform_indices = @transform_0, window_bounds = array<i64: 1000, 128>}, {transform_indices = @transform_1, window_bounds = array<i64: 1000, 128>}, {transform_indices = @transform_2, window_bounds = array<i64: 1000, 1>}, {pipeline_mode = #tpu.pipeline_mode<synchronous>, transform_indices = @transform_3, window_bounds = array<i64: 1, 128>}, {pipeline_mode = #tpu.pipeline_mode<synchronous>, transform_indices = @transform_4, window_bounds = array<i64: 1, 128>}, {pipeline_mode = #tpu.pipeline_mode<synchronous>, transform_indices = @transform_5, window_bounds = array<i64: 1, 128>}, {pipeline_mode = #tpu.pipeline_mode<synchronous>, transform_indices = @transform_6, window_bounds = array<i64: 128, 128>}, {pipeline_mode = #tpu.pipeline_mode<synchronous>, transform_indices = @transform_7, window_bounds = array<i64: 1, 128>}, {pipeline_mode = #tpu.pipeline_mode<synchronous>, transform_indices = @transform_8, window_bounds = array<i64: 128, 16>}, {pipeline_mode = #tpu.pipeline_mode<synchronous>, transform_indices = @transform_9, window_bounds = array<i64: 1, 16>}, {transform_indices = @transform_10, window_bounds = array<i64: 1000, 128>}, {transform_indices = @transform_11, window_bounds = array<i64: 1000, 16>}]} {
    %get3A = arith.constant 0 : index
    %get3A_0 = arith.constant 0 : index
    %get3A_1 = vector.load %arg2[%get3A, %get3A_0] : memref<1000x128xf32, #tpu.memory_space<vmem>>, vector<1000x128xf32>
    %get3A_2 = arith.constant 0 : index
    %get3A_3 = arith.constant 0 : index
    %get3A_4 = vector.load %arg3[%get3A_2, %get3A_3] : memref<1000x128xf32, #tpu.memory_space<vmem>>, vector<1000x128xf32>
    %add3A = arith.addf %get3A_1, %get3A_4 : vector<1000x128xf32>
    %get3A_5 = arith.constant 0 : index
    %get3A_6 = arith.constant 0 : index
    %get3A_7 = vector.load %arg4[%get3A_5, %get3A_6] : memref<1000x1xf32, #tpu.memory_space<vmem>>, vector<1000x1xf32>
    %mul3A = vector.broadcast %get3A_7 : vector<1000x1xf32> to vector<1000x128xf32>
    %mul3A_8 = arith.mulf %add3A, %mul3A : vector<1000x128xf32>
    %get3A_9 = arith.constant 0 : index
    %get3A_10 = arith.constant 0 : index
    %get3A_11 = vector.load %arg5[%get3A_9, %get3A_10] : memref<1x128xf32, #tpu.memory_space<vmem>>, vector<1x128xf32>
    %add3A_12 = vector.broadcast %get3A_11 : vector<1x128xf32> to vector<1000x128xf32>
    %add3A_13 = arith.addf %mul3A_8, %add3A_12 : vector<1000x128xf32>
    %eq3A = arith.constant 0 : i32
    %eq3A_14 = arith.cmpi eq, %arg0, %eq3A : i32
    %eq3A_15 = arith.constant 0 : i32
    %eq3A_16 = arith.cmpi eq, %arg1, %eq3A_15 : i32
    %and3A = arith.andi %eq3A_14, %eq3A_16 : i1
    %convert_element_type3A = arith.extui %and3A : i1 to i32
    %cond3A = arith.constant 0 : i32
    %cond3A_17 = arith.cmpi ne, %convert_element_type3A, %cond3A : i32
    scf.if %cond3A_17 {
      %broadcast_in_dim3A = arith.constant 0.000000e+00 : f32
      %broadcast_in_dim3A_28 = vector.broadcast %broadcast_in_dim3A : f32 to vector<1x128xf32>
      %swap3A = arith.constant 0 : index
      %swap3A_29 = arith.constant 0 : index
      %swap3A_30 = vector.load %arg14[%swap3A, %swap3A_29] : memref<1x128xf32, #tpu.memory_space<vmem>>, vector<1x128xf32>
      tpu.vector_store %arg14[%swap3A, %swap3A_29], %broadcast_in_dim3A_28 {strides = array<i32>} : memref<1x128xf32, #tpu.memory_space<vmem>>, vector<1x128xf32>,
      %broadcast_in_dim3A_31 = arith.constant 0.000000e+00 : f32
      %broadcast_in_dim3A_32 = vector.broadcast %broadcast_in_dim3A_31 : f32 to vector<1x128xf32>
      %swap3A_33 = arith.constant 0 : index
      %swap3A_34 = arith.constant 0 : index
      %swap3A_35 = vector.load %arg15[%swap3A_33, %swap3A_34] : memref<1x128xf32, #tpu.memory_space<vmem>>, vector<1x128xf32>
      tpu.vector_store %arg15[%swap3A_33, %swap3A_34], %broadcast_in_dim3A_32 {strides = array<i32>} : memref<1x128xf32, #tpu.memory_space<vmem>>, vector<1x128xf32>,
    } else {
    }
    %eq3A_18 = arith.constant 0 : i32
    %eq3A_19 = arith.cmpi eq, %arg0, %eq3A_18 : i32
    %convert_element_type3A_20 = arith.extui %eq3A_19 : i1 to i32
    %cond3A_21 = arith.constant 0 : i32
    %cond3A_22 = arith.cmpi ne, %convert_element_type3A_20, %cond3A_21 : i32
    scf.if %cond3A_22 {
      %get3A_28 = arith.constant 0 : index
      %get3A_29 = arith.constant 0 : index
      %get3A_30 = vector.load %arg14[%get3A_28, %get3A_29] : memref<1x128xf32, #tpu.memory_space<vmem>>, vector<1x128xf32>
      %reduce_sum3A = arith.constant dense<0.000000e+00> : vector<128xf32>
      %reduce_sum3A_31 = vector.multi_reduction <add>, %add3A_13, %reduce_sum3A [0] : vector<1000x128xf32> to vector<128xf32>
      %broadcast_in_dim3A = vector.shape_cast %reduce_sum3A_31 : vector<128xf32> to vector<1x128xf32>
      %add3A_32 = arith.addf %get3A_30, %broadcast_in_dim3A : vector<1x128xf32>
      %swap3A = arith.constant 0 : index
      %swap3A_33 = arith.constant 0 : index
      %swap3A_34 = vector.load %arg14[%swap3A, %swap3A_33] : memref<1x128xf32, #tpu.memory_space<vmem>>, vector<1x128xf32>
      tpu.vector_store %arg14[%swap3A, %swap3A_33], %add3A_32 {strides = array<i32>} : memref<1x128xf32, #tpu.memory_space<vmem>>, vector<1x128xf32>,
      %get3A_35 = arith.constant 0 : index
      %get3A_36 = arith.constant 0 : index
      %get3A_37 = vector.load %arg15[%get3A_35, %get3A_36] : memref<1x128xf32, #tpu.memory_space<vmem>>, vector<1x128xf32>
      %mul3A_38 = arith.mulf %add3A_13, %add3A_13 : vector<1000x128xf32>
      %reduce_sum3A_39 = arith.constant dense<0.000000e+00> : vector<128xf32>
      %reduce_sum3A_40 = vector.multi_reduction <add>, %mul3A_38, %reduce_sum3A_39 [0] : vector<1000x128xf32> to vector<128xf32>
      %broadcast_in_dim3A_41 = vector.shape_cast %reduce_sum3A_40 : vector<128xf32> to vector<1x128xf32>
      %add3A_42 = arith.addf %get3A_37, %broadcast_in_dim3A_41 : vector<1x128xf32>
      %swap3A_43 = arith.constant 0 : index
      %swap3A_44 = arith.constant 0 : index
      %swap3A_45 = vector.load %arg15[%swap3A_43, %swap3A_44] : memref<1x128xf32, #tpu.memory_space<vmem>>, vector<1x128xf32>
      tpu.vector_store %arg15[%swap3A_43, %swap3A_44], %add3A_42 {strides = array<i32>} : memref<1x128xf32, #tpu.memory_space<vmem>>, vector<1x128xf32>,
    } else {
    }
    %eq3A_23 = arith.constant 1 : i32
    %eq3A_24 = arith.cmpi eq, %arg0, %eq3A_23 : i32
    %convert_element_type3A_25 = arith.extui %eq3A_24 : i1 to i32
    %cond3A_26 = arith.constant 0 : i32
    %cond3A_27 = arith.cmpi ne, %convert_element_type3A_25, %cond3A_26 : i32
    scf.if %cond3A_27 {
      %get3A_28 = arith.constant 0 : index
      %get3A_29 = arith.constant 0 : index
      %get3A_30 = vector.load %arg14[%get3A_28, %get3A_29] : memref<1x128xf32, #tpu.memory_space<vmem>>, vector<1x128xf32>
      %mul3A_31 = arith.constant 9.99999974E-5 : f32
      %mul3A_32 = vector.broadcast %mul3A_31 : f32 to vector<1x128xf32>
      %mul3A_33 = arith.mulf %get3A_30, %mul3A_32 : vector<1x128xf32>
      %get3A_34 = arith.constant 0 : index
      %get3A_35 = arith.constant 0 : index
      %get3A_36 = vector.load %arg15[%get3A_34, %get3A_35] : memref<1x128xf32, #tpu.memory_space<vmem>>, vector<1x128xf32>
      %mul3A_37 = arith.constant 9.99999974E-5 : f32
      %mul3A_38 = vector.broadcast %mul3A_37 : f32 to vector<1x128xf32>
      %mul3A_39 = arith.mulf %get3A_36, %mul3A_38 : vector<1x128xf32>
      %mul3A_40 = arith.mulf %mul3A_33, %mul3A_33 : vector<1x128xf32>
      %sub3A = arith.subf %mul3A_39, %mul3A_40 : vector<1x128xf32>
      %sub3A_41 = vector.broadcast %mul3A_33 : vector<1x128xf32> to vector<1000x128xf32>
      %sub3A_42 = arith.subf %add3A_13, %sub3A_41 : vector<1000x128xf32>
      %add3A_43 = arith.constant 9.99999974E-6 : f32
      %add3A_44 = vector.broadcast %add3A_43 : f32 to vector<1x128xf32>
      %add3A_45 = arith.addf %sub3A, %add3A_44 : vector<1x128xf32>
      %rsqrt3A = math.rsqrt %add3A_45 : vector<1x128xf32>
      %mul3A_46 = vector.broadcast %rsqrt3A : vector<1x128xf32> to vector<1000x128xf32>
      %mul3A_47 = arith.mulf %sub3A_42, %mul3A_46 : vector<1000x128xf32>
      %get3A_48 = arith.constant 0 : index
      %get3A_49 = arith.constant 0 : index
      %get3A_50 = vector.load %arg6[%get3A_48, %get3A_49] : memref<1x128xf32, #tpu.memory_space<vmem>>, vector<1x128xf32>
      %mul3A_51 = vector.broadcast %get3A_50 : vector<1x128xf32> to vector<1000x128xf32>
      %mul3A_52 = arith.mulf %mul3A_47, %mul3A_51 : vector<1000x128xf32>
      %get3A_53 = arith.constant 0 : index
      %get3A_54 = arith.constant 0 : index
      %get3A_55 = vector.load %arg7[%get3A_53, %get3A_54] : memref<1x128xf32, #tpu.memory_space<vmem>>, vector<1x128xf32>
      %add3A_56 = vector.broadcast %get3A_55 : vector<1x128xf32> to vector<1000x128xf32>
      %add3A_57 = arith.addf %mul3A_52, %add3A_56 : vector<1000x128xf32>
      %max3A = arith.constant 0.000000e+00 : f32
      %max3A_58 = vector.broadcast %max3A : f32 to vector<1000x128xf32>
      %max3A_59 = arith.maximumf %add3A_57, %max3A_58 : vector<1000x128xf32>
      %swap3A = arith.constant 0 : index
      %swap3A_60 = arith.constant 0 : index
      %swap3A_61 = vector.load %arg12[%swap3A, %swap3A_60] : memref<1000x128xf32, #tpu.memory_space<vmem>>, vector<1000x128xf32>
      tpu.vector_store %arg12[%swap3A, %swap3A_60], %max3A_59 {strides = array<i32>} : memref<1000x128xf32, #tpu.memory_space<vmem>>, vector<1000x128xf32>,
      %get3A_62 = arith.constant 0 : index
      %get3A_63 = arith.constant 0 : index
      %get3A_64 = vector.load %arg8[%get3A_62, %get3A_63] : memref<128x128xf32, #tpu.memory_space<vmem>>, vector<128x128xf32>
      %dot_general3A = arith.constant dense<0.000000e+00> : vector<1000x128xf32>
      %dot_general3A_65 = tpu.matmul %max3A_59, %get3A_64, %dot_general3A {dimension_numbers = #tpu.dot_dimension_numbers<[1], [0], [0], [1], [0, 0, 1, 1], [], []>, transpose_lhs_hint = false} : vector<1000x128xf32>, vector<128x128xf32>, vector<1000x128xf32> -> vector<1000x128xf32>
      %get3A_66 = arith.constant 0 : index
      %get3A_67 = arith.constant 0 : index
      %get3A_68 = vector.load %arg9[%get3A_66, %get3A_67] : memref<1x128xf32, #tpu.memory_space<vmem>>, vector<1x128xf32>
      %add3A_69 = vector.broadcast %get3A_68 : vector<1x128xf32> to vector<1000x128xf32>
      %add3A_70 = arith.addf %dot_general3A_65, %add3A_69 : vector<1000x128xf32>
      %max3A_71 = arith.constant 0.000000e+00 : f32
      %max3A_72 = vector.broadcast %max3A_71 : f32 to vector<1000x128xf32>
      %max3A_73 = arith.maximumf %add3A_70, %max3A_72 : vector<1000x128xf32>
      %get3A_74 = arith.constant 0 : index
      %get3A_75 = arith.constant 0 : index
      %get3A_76 = vector.load %arg10[%get3A_74, %get3A_75] : memref<128x16xf32, #tpu.memory_space<vmem>>, vector<128x16xf32>
      %dot_general3A_77 = arith.constant dense<0.000000e+00> : vector<1000x16xf32>
      %dot_general3A_78 = tpu.matmul %max3A_73, %get3A_76, %dot_general3A_77 {dimension_numbers = #tpu.dot_dimension_numbers<[1], [0], [0], [1], [0, 0, 1, 1], [], []>, transpose_lhs_hint = false} : vector<1000x128xf32>, vector<128x16xf32>, vector<1000x16xf32> -> vector<1000x16xf32>
      %get3A_79 = arith.constant 0 : index
      %get3A_80 = arith.constant 0 : index
      %get3A_81 = vector.load %arg11[%get3A_79, %get3A_80] : memref<1x16xf32, #tpu.memory_space<vmem>>, vector<1x16xf32>
      %add3A_82 = vector.broadcast %get3A_81 : vector<1x16xf32> to vector<1000x16xf32>
      %add3A_83 = arith.addf %dot_general3A_78, %add3A_82 : vector<1000x16xf32>
      %reduce_max3A = arith.constant dense<0xFF800000> : vector<1000xf32>
      %reduce_max3A_84 = vector.multi_reduction <maximumf>, %add3A_83, %reduce_max3A [1] : vector<1000x16xf32> to vector<1000xf32>
      %broadcast_in_dim3A = vector.shape_cast %reduce_max3A_84 : vector<1000xf32> to vector<1000x1xf32>
      %sub3A_85 = vector.broadcast %broadcast_in_dim3A : vector<1000x1xf32> to vector<1000x16xf32>
      %sub3A_86 = arith.subf %add3A_83, %sub3A_85 : vector<1000x16xf32>
      %exp3A = math.exp %sub3A_86 : vector<1000x16xf32>
      %reduce_sum3A = arith.constant dense<0.000000e+00> : vector<1000xf32>
      %reduce_sum3A_87 = vector.multi_reduction <add>, %exp3A, %reduce_sum3A [1] : vector<1000x16xf32> to vector<1000xf32>
      %broadcast_in_dim3A_88 = vector.shape_cast %reduce_sum3A_87 : vector<1000xf32> to vector<1000x1xf32>
      %div3A = vector.broadcast %broadcast_in_dim3A_88 : vector<1000x1xf32> to vector<1000x16xf32>
      %div3A_89 = arith.divf %exp3A, %div3A : vector<1000x16xf32>
      %swap3A_90 = arith.constant 0 : index
      %swap3A_91 = arith.constant 0 : index
      %swap3A_92 = vector.load %arg13[%swap3A_90, %swap3A_91] : memref<1000x16xf32, #tpu.memory_space<vmem>>, vector<1000x16xf32>
      tpu.vector_store %arg13[%swap3A_90, %swap3A_91], %div3A_89 {strides = array<i32>} : memref<1000x16xf32, #tpu.memory_space<vmem>>, vector<1000x16xf32>,
    } else {
    }
    return
  }
  func.func @transform_0(%arg0: i32, %arg1: i32) -> (i32, i32) {
    %c0_i32 = arith.constant 0 : i32
    %c0_i32_0 = arith.constant 0 : i32
    return %arg1, %c0_i32 : i32, i32
  }
  func.func @transform_1(%arg0: i32, %arg1: i32) -> (i32, i32) {
    %c0_i32 = arith.constant 0 : i32
    %c0_i32_0 = arith.constant 0 : i32
    return %arg1, %c0_i32 : i32, i32
  }
  func.func @transform_2(%arg0: i32, %arg1: i32) -> (i32, i32) {
    %c0_i32 = arith.constant 0 : i32
    %c0_i32_0 = arith.constant 0 : i32
    return %arg1, %c0_i32 : i32, i32
  }
  func.func @transform_3(%arg0: i32, %arg1: i32) -> (i32, i32) {
    %c0_i32 = arith.constant 0 : i32
    %c0_i32_0 = arith.constant 0 : i32
    %c0_i32_1 = arith.constant 0 : i32
    return %c0_i32, %c0_i32_0 : i32, i32
  }
  func.func @transform_4(%arg0: i32, %arg1: i32) -> (i32, i32) {
    %c0_i32 = arith.constant 0 : i32
    %c0_i32_0 = arith.constant 0 : i32
    %c0_i32_1 = arith.constant 0 : i32
    return %c0_i32, %c0_i32_0 : i32, i32
  }
  func.func @transform_5(%arg0: i32, %arg1: i32) -> (i32, i32) {
    %c0_i32 = arith.constant 0 : i32
    %c0_i32_0 = arith.constant 0 : i32
    %c0_i32_1 = arith.constant 0 : i32
    return %c0_i32, %c0_i32_0 : i32, i32
  }
  func.func @transform_6(%arg0: i32, %arg1: i32) -> (i32, i32) {
    %c0_i32 = arith.constant 0 : i32
    %c0_i32_0 = arith.constant 0 : i32
    %c0_i32_1 = arith.constant 0 : i32
    return %c0_i32, %c0_i32_0 : i32, i32
  }
  func.func @transform_7(%arg0: i32, %arg1: i32) -> (i32, i32) {
    %c0_i32 = arith.constant 0 : i32
    %c0_i32_0 = arith.constant 0 : i32
    %c0_i32_1 = arith.constant 0 : i32
    return %c0_i32, %c0_i32_0 : i32, i32
  }
  func.func @transform_8(%arg0: i32, %arg1: i32) -> (i32, i32) {
    %c0_i32 = arith.constant 0 : i32
    %c0_i32_0 = arith.constant 0 : i32
    %c0_i32_1 = arith.constant 0 : i32
    return %c0_i32, %c0_i32_0 : i32, i32
  }
  func.func @transform_9(%arg0: i32, %arg1: i32) -> (i32, i32) {
    %c0_i32 = arith.constant 0 : i32
    %c0_i32_0 = arith.constant 0 : i32
    %c0_i32_1 = arith.constant 0 : i32
    return %c0_i32, %c0_i32_0 : i32, i32
  }
  func.func @transform_10(%arg0: i32, %arg1: i32) -> (i32, i32) {
    %c0_i32 = arith.constant 0 : i32
    %c0_i32_0 = arith.constant 0 : i32
    return %arg1, %c0_i32 : i32, i32
  }
  func.func @transform_11(%arg0: i32, %arg1: i32) -> (i32, i32) {
    %c0_i32 = arith.constant 0 : i32
    %c0_i32_0 = arith.constant 0 : i32
    return %arg1, %c0_i32 : i32, i32
  }
}

</mosaic_0001>

<sc_bundles>
// kernel: kernel.11.cloned.1.call-start
scs
__scs_entry_jumppad:
0x0: {  	(pc) =	sbr.rel $0x88, $3  }
0x1: {  	(tag) =	ssettag $0x0;
	lr =	simm.s32 $0x1  }
0x2: {  	[smem:$0x3F93] =	sst lr;
	_ =	strace $0xD0000000  }
0x3: {  	_ = 	snop  }
0x4: {  	_ = 	snop  }
0x5: {  	_ = 	snop  }
0x6: {  	_ = 	snop  }
0x7: {  	_ = 	snop  }
__scs_overlays_trampoline_lowered:
0x8: {  	[smem:$0x3FA2] =	sst s0  }
0x9: {  	[smem:$0x3FA3] =	sst s1  }
0xa: {  	[smem:$0x3FA4] =	sst s2  }
0xb: {  	[smem:$0x3FA5] =	sst s3  }
0xc: {  	[smem:$0x3FA6] =	sst s4  }
0xd: {  	[smem:$0x3FA7] =	sst s5  }
0xe: {  	[smem:$0x3FA8] =	sst s6  }
0xf: {  	[smem:$0x3FA9] =	sst s7  }
0x10: {  	[smem:$0x3FAA] =	sst s8  }
0x11: {  	[smem:$0x3FAB] =	sst s9;
	s0 =	simm.s32 @!p0 $0x0  }
0x12: {  	s1 =	sld [smem:$0x3F91];
	s0 =	simm.s32 @p0 $0x1  }
0x13: {  	[smem:$0x3FAC] =	sst s0;
	s0 =	simm.s32 @!p1 $0x0  }
0x14: {  	s2 =	sld [smem:$0x3F90];
	s0 =	simm.s32 @p1 $0x1  }
0x15: {  	[smem:$0x3FAD] =	sst s0;
	s0 =	simm.s32 @!p2 $0x0  }
0x16: {  	s3 =	sld [smem:$0x3FDB];
	s0 =	simm.s32 @p2 $0x1  }
0x17: {  	s4 =	simm.s32 $0x1BF5;
	[smem:$0x3FAF] =	sst s0  }
0x18: {  	s0 =	sld [smem:$0x3F92];
	_ =	swait.ge [sflag:s4], $0x0  }
0x19: {  	s7 =	sld [smem:$0x3F93]  }
0x1a: {  	s8 =	sadd.s32 $0xFFFFE003, lr  }
0x1b: {  	s9 =	sadd.s32 $0xFFFFFEF7, lr;
	s5 =	simm.s32 $0xFFFFFFFF;
	p2 =	slt.u32 s8, $0xFFFFF086  }
0x1c: {  	p1 =	slt.u32 s9, $0xF7A;
	s5 =	simm.s32 @!p2 $0x0  }
0x1d: {  	s5 =	simm.s32 @p1 $0x1;
	p0 =	seq.s32 s7, s2  }
0x1e: {  	s7 =	smul.u32 @!p0 $0xF7A, s2;
	p2 =	seq.s32 @!p0 s5, $0x0  }
0x1f: {  	s9 =	smul.u32 $0xF7A, s1;
	s8 =	simm.s32 @!p0 $0x1BF5;
	p2 =	por !p2, p0  }
0x20: {  	[sflag:s8] =	ssyncset.s32 @!p0 $0xFFFFF086;
	s6 =	sadd.s32 @!p0 s3, s7;
	s7 =	simm.s32 @!p0 $0x108  }
0x21: {  	s3 =	sadd.s32 s3, s9;
	s6 =	sadd.s32 @!p0 $0x88, s6;
	s7 =	simm.s32 @p2 $0x1082  }
0x22: {  	[simem:s7], [sflag:s8] =	dma.local @!p0 [hbm:s6], $0xF7A  }
0x23: {  	s9 =	sor.u32 $0xD0000000, s2;
	s6 =	simm.s32 $0x108;
	_ =	swait.ge @!p0 [sflag:s8], $0x0  }
0x24: {  	s3 =	sadd.s32 $0x88, s3;
	s6 =	simm.s32 @!p1 $0x1082;
	[sflag:s4] =	ssyncset.s32 $0xFFFFF086  }
0x25: {  	[simem:s6], [sflag:s4] =	dma.local [hbm:s3], $0xF7A  }
0x26: {  	[smem:$0x3F93] =	sst s1;
	(tag) =	ssettag s2;
	_ =	strace s9  }
0x27: {  	s1 =	sld [smem:$0x3FA3]  }
0x28: {  	s2 =	sld [smem:$0x3FA4]  }
0x29: {  	s4 =	sld [smem:$0x3FA6]  }
0x2a: {  	p0 =	seq.s32 s5, $0x0;
	s5 =	sld [smem:$0x3FA7]  }
0x2b: {  	s6 =	sld [smem:$0x3FA8]  }
0x2c: {  	s7 =	sld [smem:$0x3FA9]  }
0x2d: {  	s3 =	simm.s32 $0x108;
	s8 =	sld [smem:$0x3FAA]  }
0x2e: {  	s3 =	simm.s32 @!p0 $0x1082;
	s9 =	sld [smem:$0x3FAB]  }
0x2f: {  	lr =	sadd.s32 s0, s3;
	s0 =	sld [smem:$0x3FA2]  }
0x30: {  	s3 =	sld [smem:$0x3FA5]  }
0x31: {  	[smem:$0x3FAE] =	sst s10  }
0x32: {  	s10 =	sld [smem:$0x3FAC];
	_ =	sdelay $0x3  }
0x33: {  	p0 =	seq.s32 s10, $0x1;
	s10 =	sld [smem:$0x3FAE];
	_ =	sdelay $0x3  }
0x34: {  	[smem:$0x3FAE] =	sst s10  }
0x35: {  	s10 =	sld [smem:$0x3FAD];
	_ =	sdelay $0x3  }
0x36: {  	p1 =	seq.s32 s10, $0x1;
	s10 =	sld [smem:$0x3FAE];
	_ =	sdelay $0x3  }
0x37: {  	[smem:$0x3FAE] =	sst s10  }
0x38: {  	s10 =	sld [smem:$0x3FAF]  }
0x39: {  	_ = 	snop;
	(pc) =	sbr.ind lr, $3  }
0x3a: {  	_ = 	snop  }
0x3b: {  	_ = 	snop  }
0x3c: {  	p2 =	seq.s32 s10, $0x1;
	s10 =	sld [smem:$0x3FAE]  }
0x3d: {  	_ =	shalt  }
0x3e: {  	_ =	shalt  }
0x3f: {  	_ =	shalt  }
0x40: {  	_ =	shalt  }
0x41: {  	_ =	shalt  }
0x42: {  	_ =	shalt  }
0x43: {  	_ =	shalt  }
0x44: {  	_ =	shalt  }
0x45: {  	_ =	shalt  }
0x46: {  	_ =	shalt  }
0x47: {  	_ =	shalt  }
0x48: {  	_ =	shalt  }
0x49: {  	_ =	shalt  }
0x4a: {  	_ =	shalt  }
0x4b: {  	_ =	shalt  }
0x4c: {  	_ =	shalt  }
0x4d: {  	_ =	shalt  }
0x4e: {  	_ =	shalt  }
0x4f: {  	_ =	shalt  }
0x50: {  	_ =	shalt  }
0x51: {  	_ =	shalt  }
0x52: {  	_ =	shalt  }
0x53: {  	_ =	shalt  }
0x54: {  	_ =	shalt  }
0x55: {  	_ =	shalt  }
0x56: {  	_ =	shalt  }
0x57: {  	_ =	shalt  }
0x58: {  	_ =	shalt  }
0x59: {  	_ =	shalt  }
0x5a: {  	_ =	shalt  }
0x5b: {  	_ =	shalt  }
0x5c: {  	_ =	shalt  }
0x5d: {  	_ =	shalt  }
0x5e: {  	_ =	shalt  }
0x5f: {  	_ =	shalt  }
0x60: {  	_ =	shalt  }
0x61: {  	_ =	shalt  }
0x62: {  	_ =	shalt  }
0x63: {  	_ =	shalt  }
0x64: {  	_ =	shalt  }
0x65: {  	_ =	shalt  }
0x66: {  	_ =	shalt  }
0x67: {  	_ =	shalt  }
0x68: {  	_ =	shalt  }
0x69: {  	_ =	shalt  }
0x6a: {  	_ =	shalt  }
0x6b: {  	_ =	shalt  }
0x6c: {  	_ =	shalt  }
0x6d: {  	_ =	shalt  }
0x6e: {  	_ =	shalt  }
0x6f: {  	_ =	shalt  }
0x70: {  	_ =	shalt  }
0x71: {  	_ =	shalt  }
0x72: {  	_ =	shalt  }
0x73: {  	_ =	shalt  }
0x74: {  	_ =	shalt  }
0x75: {  	_ =	shalt  }
0x76: {  	_ =	shalt  }
0x77: {  	_ =	shalt  }
0x78: {  	_ =	shalt  }
0x79: {  	_ =	shalt  }
0x7a: {  	_ =	shalt  }
0x7b: {  	_ =	shalt  }
0x7c: {  	_ =	shalt  }
0x7d: {  	_ =	shalt  }
0x7e: {  	_ =	shalt  }
0x7f: {  	_ =	shalt  }
0x80: {  	_ =	shalt  }
0x81: {  	_ =	shalt  }
0x82: {  	_ =	shalt  }
0x83: {  	_ =	shalt  }
0x84: {  	_ =	shalt  }
0x85: {  	_ =	shalt  }
0x86: {  	_ =	shalt  }
0x87: {  	_ =	shalt  }
.Lfunc_end0:
.L_simem_size_0:
called_computation.1_lowered:
.L_overlay_start_0:
0x88: {  	s2 =	sld [smem:$0x3FD9]  }
0x89: {  	s3 =	sld [smem:$0x3FFE];
	_ =	sdelay $0x1  }
0x8a: {  	s1 =	srdreg.scid  }
0x8b: {  	s0 =	sand.u32 $0x1, s1  }
0x8c: {  	s14 =	sshll.u32 s0, $0xA;
	s2 =	sadd.s32 s3, s2  }
0x8d: {  	s2 =	sadd.s32 s2, s14  }
0x8e: {  	[smem:$0x3FBA] =	sst s2  }
0x8f: {  	_ = 	snop  }
0x90: {  	s2 =	sld [smem:$0x3FD0];
	_ =	sdelay $0x2  }
0x91: {  	s15 =	simm.s32 $0xA;
	s4 =	simm.s32 $0x10  }
0x92: {  	[smem:s4], [sflag:s15] =	dma.local [hbm:s2], $0x1  }
0x93: {  	_ =	swait.eq [sflag:s15], $0x1  }
0x94: {  	[sflag:s15] =	ssyncset.done $0x0  }
0x95: {  	[sflag:s15] =	ssyncadd.s32 $0xFFFFFFFF  }
0x96: {  	s16 =	sld [smem:$0x10];
	(tm) =	ssettm $0x1  }
0x97: {  	s17 =	sld [smem:$0x3FFB];
	_ =	sdelay $0x3  }
0x98: {  	_ =	strace s17  }
0x99: {  	s3 =	sld [smem:$0x3FFC];
	_ =	sdelay $0x3  }
0x9a: {  	_ =	strace s3  }
0x9b: {  	s3 =	sld [smem:$0x3FFD];
	_ =	sdelay $0x3  }
0x9c: {  	_ =	strace s3  }
0x9d: {  	_ =	strace $0x8FFFFFFF  }
0x9e: {  	s18 =	sld [smem:$0x3FDB];
	_ =	sdelay $0x1  }
0x9f: {  	s19 =	simm.s32 $_scs_section_size  }
0xa0: {  	s5 =	simm.s32 $_size__tile_overlayer_lowered;
	s6 =	simm.s32 $_tile_overlayer_lowered  }
0xa1: {  	s22 =	simm.s32 $0x1BFF;
	s21 =	sshll.u32 s6, $0x1;
	s3 =	sadd.s32 s19, s18  }
0xa2: {  	s7 =	simm.s32 $0x0;
	s20 =	sshll.u32 s5, $0x1;
	s5 =	sadd.s32 s21, s3  }
0xa3: {  	[timem:s7], [sflag:s22] =	dma.local [hbm:s5], s20  }
0xa4: {  	_ =	swait.ge [sflag:s22], s20  }
0xa5: {  	s4 =	ssub.s32 $0x0, s20;
	[sflag:s22] =	ssyncset.done $0x0  }
0xa6: {  	[sflag:s22] =	ssyncadd.s32 s4;
	_ =	sdelay $0x1  }
0xa7: {  	s23 =	simm.s32 $0x1B8B  }
0xa8: {  	_ =	swait.ge [sflag:s23], $0x1  }
0xa9: {  	[sflag:s23] =	ssyncset.done $0x0  }
0xaa: {  	s25 =	simm.s32 $0x1B8E;
	s24 =	sld [smem:$0x3FFE];
	[sflag:s23] =	ssyncadd.s32 $0xFFFFFFFF  }
0xab: {  	s26 =	simm.s32 $execute0_lowered;
	[smem:$0x3FD2] =	sst s25  }
0xac: {  	s5 =	sshll.u32 s26, $0x1;
	_ =	strace $0x80000049;
	[dreg:$0x1] =	wrdreg $0xFFFFFFFF  }
0xad: {  	s28 =	simm.s32 $_size_execute0_lowered;
	s3 =	sadd.s32 s3, s5;
	[dreg:$0x0] =	wrdreg $0x0  }
0xae: {  	s5 =	sshll.u32 s28, $0x1;
	[dreg:$0x2] =	wrdreg s3  }
0xaf: {  	[dreg:$0x3] =	wrdreg s5  }
0xb0: {  	[dreg:$0x4] =	wrdreg $0xC0  }
0xb1: {  	_ =	task [dreg:s7], $0x5FFFF  }
0xb2: {  	[dreg:$0x1] =	wrdreg $0xFFFFFFFF  }
0xb3: {  	[dreg:$0x0] =	wrdreg $0x60  }
0xb4: {  	[dreg:$0x2] =	wrdreg s16  }
0xb5: {  	[dreg:$0x3] =	wrdreg s24  }
0xb6: {  	[dreg:$0x4] =	wrdreg $0xE0000  }
0xb7: {  	[dreg:$0x5] =	wrdreg $0x12F000  }
0xb8: {  	[dreg:$0x6] =	wrdreg $0x9  }
0xb9: {  	_ =	task.clear_ibuf [dreg:s7], $0x7FFFF;
	_ =	strace $0x90000049  }
0xba: {  	s29 =	simm.s32 $0x9;
	_ =	strace $0x8000004B  }
0xbb: {  	_ =	swait.ge [sflag:s29], $0x1  }
0xbc: {  	[sflag:s29] =	ssyncadd.s32 $0xFFFFFFFF  }
0xbd: {  	_ =	strace $0x9000004B  }
0xbe: {  	_ =	sfence  }
0xbf: {  	s30 =	sld [smem:$0x0];
	_ =	sdelay $0x2  }
0xc0: {  	s31 =	sshll.u32 s1, $0xD;
	s1 =	sshrl.u32 s1, $0x2  }
0xc1: {  	s3 =	sand.u32 $0x4000, s31;
	s1 =	sadd.s32 s1, s30  }
0xc2: {  	s0 =	sor.u32 s3, s0;
	s1 =	sshll.u32 s1, $0x11  }
0xc3: {  	s0 =	sor.u32 s1, s0  }
0xc4: {  	s0 =	sadd.s32 $0x8F2B, s0  }
0xc5: {  	[sflag:s0] =	ssyncadd.remote.s32 $0x1  }
0xc6: {  	_ =	sfence.sel $0xFFFF  }
0xc7: {  	[dreg:$0x0] =	wrdreg $0xFFFFFFFF;
	(pc) =	sbr.abs _section_cstart, $3  }
0xc8: {  	[dreg:$0x1] =	wrdreg $0xFFFFFFFF  }
0xc9: {  	_ =	task.clear_ibuf [dreg:s7], $0x2FFFF;
	_ =	strace $0x9FFFFFFF  }
0xca: {  	(tm) =	ssettm $0x7FFFFFFF  }
0xcb: {  	_ =	shalt  }
tec
execute0_lowered:
.L_overlay_start_1:
0x0: {  	(tag) =	ssettag $0x1  }
0x1: {  	s0 =	rddreg [dreg:$0x0]  }
0x2: {  	s1 =	rddreg [dreg:$0x1]  }
0x3: {  	s2 =	rddreg [dreg:$0x2]  }
0x4: {  	s3 =	rddreg [dreg:$0x3];
	s14 =	stileid.u32  }
0x5: {  	s4 =	simm.s32 $0x0;
	s7 =	srdreg.scid;
	s5 =	smul.u32 $0xA00, s14  }
0x6: {  	s28 =	simm.s32 $0xD000;
	s29 =	simm.s32 $0x2;
	s6 =	smul.u32 $0x4F00, s14  }
0x7: {  	s30 =	simm.s32 $0x5;
	s31 =	simm.s32 $0x6;
	s18 =	smul.u32 $0x13880, s14  }
0x8: {  	[smem:$0x7FF] =	sst s4;
	s7 =	sand.u32 $0x1, s7;
	s13 =	smul.u32 $0x13C00, s14  }
0x9: {  	s26 =	sshll.u32 s14, $0x6;
	s14 =	simm.s32 $0x8;
	_ =	strace $0x8000004A  }
0xa: {  	s9 =	ssub.s32 $0x2, s7;
	s20 =	sshll.u32 s7, $0x6;
	s15 =	sor.u32 $0x1C09, s26  }
0xb: {  	s26 =	simm.s32 $0x180;
	s5 =	sadd.s32 s5, s1;
	s8 =	sshrl.u32 s6, $0x3  }
0xc: {  	s10 =	sshrl.u32 s9, $0x1;
	s19 =	sadd.s32 s6, s2;
	s11 =	sshrl.u32 s18, $0x2  }
0xd: {  	s12 =	sor.u32 s20, s18;
	s23 =	sor.u32 s20, s13;
	s6 =	sor.u32 $0x20, s20  }
0xe: {  	s20 =	simm.s32 $0x10;
	s8 =	sadd.s32 s8, s1;
	s1 =	sadd.s32 $0x3FA00, s1  }
0xf: {  	s9 =	ssub.s32 s9, s10;
	s17 =	sadd.s32 $0x35A00, s5;
	s5 =	sadd.s32 $0x4200, s5  }
0x10: {  	s21 =	sadd.s32 s11, s3;
	s22 =	sshrl.u32 s12, $0x3;
	s10 =	sor.u32 s18, s6  }
0x11: {  	s6 =	sor.u32 s13, s6;
	s13 =	simm.s32 $0x9;
	s16 =	sshrl.u32 s19, $0x3  }
0x12: {  	s18 =	simm.s32 $0x1;
	s19 =	simm.s32 $0x4;
	[dreg:$0x5] =	wrdreg s17  }
0x13: {  	[dreg:$0x6] =	wrdreg s5;
	s7 =	sadd.s32 $0xE200, s8;
	s11 =	sadd.s32 s0, s22  }
0x14: {  	s10 =	sshrl.u32 s10, $0x3;
	s6 =	sshrl.u32 s6, $0x3;
	s25 =	smax.u32 s9, $0x1  }
0x15: {  	s17 =	sshrl.u32 s21, $0x3;
	s21 =	simm.s32 $0x80;
	s22 =	simm.s32 $0xA000  }
0x16: {  	s5 =	simm.s32 $0x9E00;
	s8 =	simm.s32 $0x9F00;
	s9 =	simm.s32 $0x9F80  }
0x17: {  	[dreg:$0x7] =	wrdreg s11;
	s11 =	sshrl.u32 s23, $0x3;
	s0 =	sadd.s32 s0, s10  }
0x18: {  	s24 =	sadd.s32 s1, s6;
	[dreg:$0xb] =	wrdreg s25;
	s23 =	simm.s32 $0xB000  }
0x19: {  	s25 =	simm.s32 $0xC000;
	s6 =	simm.s32 $0x9E80;
	[dreg:$0x9] =	wrdreg s0  }
0x1a: {  	s10 =	simm.s32 $0x0;
	s11 =	sadd.s32 s1, s11;
	[dreg:$0xa] =	wrdreg s24  }
0x1b: {  	s0 =	simm.s32 $0x3;
	s1 =	simm.s32 $0x7;
	[dreg:$0x8] =	wrdreg s11  }
.LBB2_1:
0x1c: {  	s11 =	rddreg [dreg:$0x5]  }
0x1d: {  	[tilespmem:s4], [sflag:$0x9] =	stream.linear.gather [hbm4b:s11+s4], $0x5000, $0x38;
	[tilespmem:$0x17D20] =	vst v63  }
0x1e: {  	_ =	swait.ge [sflag:s13], $0x5000  }
0x1f: {  	[sflag:s13] =	ssyncset.done $0x0  }
0x20: {  	s12 =	simm.s32 $0x5000;
	s24 =	rddreg [dreg:$0x6];
	[sflag:s13] =	ssyncadd.s32 $0xFFFFB000  }
0x21: {  	[tilespmem:s12], [sflag:$0x9] =	stream.linear.gather [hbm4b:s24+s4], $0x5000, $0x38;
	[tilespmem:$0x17D20] =	vst v63  }
0x22: {  	_ =	swait.ge [sflag:s13], $0x5000  }
0x23: {  	[sflag:s13] =	ssyncset.done $0x0  }
0x24: {  	[sflag:s13] =	ssyncadd.s32 $0xFFFFB000  }
0x25: {  	[spmem:s16], [sflag:s15] =	dma.local [hbm:s7], $0x9E0  }
0x26: {  	_ =	swait.ge [sflag:s13], $0x9E0  }
0x27: {  	[sflag:s13] =	ssyncset.done $0x0  }
0x28: {  	s24 =	rddreg [dreg:$0x7];
	[sflag:s13] =	ssyncadd.s32 $0xFFFFF620  }
0x29: {  	[spmem:s17@s19], [sflag:s15] =	dma.strided [hbm:s24@s20], $0x9C4, s18, $0x4   }
0x2a: {  	_ =	swait.ge [sflag:s13], $0x9C4  }
0x2b: {  	[sflag:s13] =	ssyncset.done $0x0  }
0x2c: {  	[sflag:s13] =	ssyncadd.s32 $0xFFFFF63C  }
0x2d: {  	[bflag:$0x0] =	sbarrier.arrive $0xFFFF  }
0x2e: {  	[tilespmem:s22], [sflag:$0x1] =	stream.indirect.gather [spmem:s3], $0x20, s4, s21, $0xb8;
	[tilespmem:$0x17D20] =	vst v63  }
0x2f: {  	_ = 	snop  }
0x30: {  	[tilespmem:s23], [sflag:$0x2] =	stream.indirect.gather [spmem:s3], $0x20, s21, s21, $0xb8;
	[tilespmem:$0x17D20] =	vst v63  }
0x31: {  	s12 =	simm.s32 $0x100  }
0x32: {  	[tilespmem:s25], [sflag:$0x3] =	stream.indirect.gather [spmem:s3], $0x20, s12, s21, $0xb8;
	[tilespmem:$0x17D20] =	vst v63  }
0x33: {  	_ = 	snop  }
0x34: {  	[tilespmem:s28], [sflag:$0x4] =	stream.indirect.gather [spmem:s3], $0x20, s26, s21, $0xb8;
	[tilespmem:$0x17D20] =	vst v63  }
0x35: {  	_ =	swait.ge [sflag:s18], $0x1000  }
0x36: {  	[sflag:s18] =	ssyncset.done $0x0  }
0x37: {  	s24 =	simm.s32 $0x5000;
	[sflag:s18] =	ssyncadd.s32 $0xFFFFF000  }
0x38: {  	[spmem:s2] =	stream.indirect.scatter.add.f32 [tilespmem:s22], [sflag:$0x5], $0x20, s24, s21, $0xb8;
	[tilespmem:$0x17D20] =	vst v63  }
0x39: {  	_ =	swait.ge [sflag:s29], $0x1000  }
0x3a: {  	[sflag:s29] =	ssyncset.done $0x0  }
0x3b: {  	s12 =	simm.s32 $0x5080;
	[sflag:s29] =	ssyncadd.s32 $0xFFFFF000  }
0x3c: {  	[spmem:s2] =	stream.indirect.scatter.add.f32 [tilespmem:s23], [sflag:$0x6], $0x20, s12, s21, $0xb8;
	[tilespmem:$0x17D20] =	vst v63  }
0x3d: {  	_ =	swait.ge [sflag:s30], $0x1000  }
0x3e: {  	[sflag:s30] =	ssyncset.done $0x0  }
0x3f: {  	[sflag:s30] =	ssyncadd.s32 $0xFFFFF000  }
0x40: {  	_ =	swait.ge [sflag:s31], $0x1000  }
0x41: {  	[sflag:s31] =	ssyncset.done $0x0  }
0x42: {  	s24 =	simm.s32 $0x200;
	[sflag:s31] =	ssyncadd.s32 $0xFFFFF000  }
0x43: {  	[tilespmem:s22], [sflag:$0x1] =	stream.indirect.gather [spmem:s3], $0x20, s24, s21, $0xb8;
	[tilespmem:$0x17D20] =	vst v63  }
0x44: {  	s12 =	simm.s32 $0x280  }
0x45: {  	[tilespmem:s23], [sflag:$0x2] =	stream.indirect.gather [spmem:s3], $0x20, s12, s21, $0xb8;
	[tilespmem:$0x17D20] =	vst v63  }
0x46: {  	_ =	swait.ge [sflag:s0], $0x1000  }
0x47: {  	[sflag:s0] =	ssyncset.done $0x0  }
0x48: {  	s24 =	simm.s32 $0x5100;
	[sflag:s0] =	ssyncadd.s32 $0xFFFFF000  }
0x49: {  	[spmem:s2] =	stream.indirect.scatter.add.f32 [tilespmem:s25], [sflag:$0x7], $0x20, s24, s21, $0xb8;
	[tilespmem:$0x17D20] =	vst v63  }
0x4a: {  	_ =	swait.ge [sflag:s19], $0x1000  }
0x4b: {  	[sflag:s19] =	ssyncset.done $0x0  }
0x4c: {  	s12 =	simm.s32 $0x5180;
	[sflag:s19] =	ssyncadd.s32 $0xFFFFF000  }
0x4d: {  	[spmem:s2] =	stream.indirect.scatter.add.f32 [tilespmem:s28], [sflag:$0x8], $0x20, s12, s21, $0xb8;
	[tilespmem:$0x17D20] =	vst v63  }
0x4e: {  	_ =	swait.ge [sflag:s1], $0x1000  }
0x4f: {  	[sflag:s1] =	ssyncset.done $0x0  }
0x50: {  	[sflag:s1] =	ssyncadd.s32 $0xFFFFF000  }
0x51: {  	_ =	swait.ge [sflag:s14], $0x1000  }
0x52: {  	s11 =	simm.s32 $0x800;
	[sflag:s14] =	ssyncset.done $0x0  }
0x53: {  	s24 =	simm.s32 $0x300;
	s12 =	simm.s32 $0x380;
	[sflag:s14] =	ssyncadd.s32 $0xFFFFF000  }
0x54: {  	[tilespmem:s25], [sflag:$0x3] =	stream.indirect.gather [spmem:s3], $0x20, s24, s21, $0xb8;
	[tilespmem:$0x17D20] =	vst v63  }
.LBB2_2:
0x55: {  	[tilespmem:s28], [sflag:$0x4] =	stream.indirect.gather [spmem:s3], $0x20, s12, s21, $0xb8;
	[tilespmem:$0x17D20] =	vst v63  }
0x56: {  	s12 =	smov.u32 s11  }
0x57: {  	p0 =	sne.s32 s11, $0x13000;
	s11 =	sadd.s32 $0x800, s11;
	_ =	swait.ge [sflag:s18], $0x1000  }
0x58: {  	s12 =	sshra.s32 s12, $0x2;
	[sflag:s18] =	ssyncset.done $0x0  }
0x59: {  	s24 =	sadd.s32 $0x5000, s12;
	[sflag:s18] =	ssyncadd.s32 $0xFFFFF000  }
0x5a: {  	[spmem:s2] =	stream.indirect.scatter.add.f32 [tilespmem:s22], [sflag:$0x5], $0x20, s24, s21, $0xb8;
	[tilespmem:$0x17D20] =	vst v63  }
0x5b: {  	_ =	swait.ge [sflag:s29], $0x1000  }
0x5c: {  	[sflag:s29] =	ssyncset.done $0x0  }
0x5d: {  	s24 =	sadd.s32 $0x5080, s12;
	[sflag:s29] =	ssyncadd.s32 $0xFFFFF000  }
0x5e: {  	[spmem:s2] =	stream.indirect.scatter.add.f32 [tilespmem:s23], [sflag:$0x6], $0x20, s24, s21, $0xb8;
	[tilespmem:$0x17D20] =	vst v63  }
0x5f: {  	_ =	swait.ge [sflag:s30], $0x1000  }
0x60: {  	[sflag:s30] =	ssyncset.done $0x0  }
0x61: {  	[sflag:s30] =	ssyncadd.s32 $0xFFFFF000  }
0x62: {  	_ =	swait.ge [sflag:s31], $0x1000  }
0x63: {  	[sflag:s31] =	ssyncset.done $0x0  }
0x64: {  	s24 =	sadd.s32 $0x200, s12;
	[sflag:s31] =	ssyncadd.s32 $0xFFFFF000  }
0x65: {  	[tilespmem:s22], [sflag:$0x1] =	stream.indirect.gather [spmem:s3], $0x20, s24, s21, $0xb8;
	[tilespmem:$0x17D20] =	vst v63  }
0x66: {  	s24 =	sadd.s32 $0x280, s12  }
0x67: {  	[tilespmem:s23], [sflag:$0x2] =	stream.indirect.gather [spmem:s3], $0x20, s24, s21, $0xb8;
	[tilespmem:$0x17D20] =	vst v63  }
0x68: {  	_ =	swait.ge [sflag:s0], $0x1000  }
0x69: {  	[sflag:s0] =	ssyncset.done $0x0  }
0x6a: {  	s24 =	sadd.s32 $0x5100, s12;
	[sflag:s0] =	ssyncadd.s32 $0xFFFFF000  }
0x6b: {  	[spmem:s2] =	stream.indirect.scatter.add.f32 [tilespmem:s25], [sflag:$0x7], $0x20, s24, s21, $0xb8;
	[tilespmem:$0x17D20] =	vst v63  }
0x6c: {  	_ =	swait.ge [sflag:s19], $0x1000  }
0x6d: {  	[sflag:s19] =	ssyncset.done $0x0  }
0x6e: {  	s24 =	sadd.s32 $0x5180, s12;
	[sflag:s19] =	ssyncadd.s32 $0xFFFFF000  }
0x6f: {  	[spmem:s2] =	stream.indirect.scatter.add.f32 [tilespmem:s28], [sflag:$0x8], $0x20, s24, s21, $0xb8;
	[tilespmem:$0x17D20] =	vst v63  }
0x70: {  	_ =	swait.ge [sflag:s1], $0x1000  }
0x71: {  	[sflag:s1] =	ssyncset.done $0x0  }
0x72: {  	[sflag:s1] =	ssyncadd.s32 $0xFFFFF000  }
.Ltmp0:
0x73: {  	_ =	swait.ge [sflag:s14], $0x1000;
	(pc) =	sbr.rel @p0 .LBB2_2-.Ltmp0, $4  }
0x74: {  	[sflag:s14] =	ssyncset.done $0x0  }
0x75: {  	s24 =	sadd.s32 $0x300, s12;
	[sflag:s14] =	ssyncadd.s32 $0xFFFFF000  }
0x76: {  	[tilespmem:s25], [sflag:$0x3] =	stream.indirect.gather [spmem:s3], $0x20, s24, s21, $0xb8;
	[tilespmem:$0x17D20] =	vst v63  }
0x77: {  	s12 =	sadd.s32 $0x380, s12  }
0x78: {  	[tilespmem:s28], [sflag:$0x4] =	stream.indirect.gather [spmem:s3], $0x20, s12, s21, $0xb8;
	[tilespmem:$0x17D20] =	vst v63  }
0x79: {  	_ =	swait.ge [sflag:s18], $0x1000  }
0x7a: {  	[sflag:s18] =	ssyncset.done $0x0  }
0x7b: {  	[sflag:s18] =	ssyncadd.s32 $0xFFFFF000  }
0x7c: {  	[spmem:s2] =	stream.indirect.scatter.add.f32 [tilespmem:s22], [sflag:$0x5], $0x20, s5, s21, $0xb8;
	[tilespmem:$0x17D20] =	vst v63  }
0x7d: {  	_ =	swait.ge [sflag:s29], $0x1000  }
0x7e: {  	[sflag:s29] =	ssyncset.done $0x0  }
0x7f: {  	[sflag:s29] =	ssyncadd.s32 $0xFFFFF000  }
0x80: {  	[spmem:s2] =	stream.indirect.scatter.add.f32 [tilespmem:s23], [sflag:$0x6], $0x20, s6, s21, $0xb8;
	[tilespmem:$0x17D20] =	vst v63  }
0x81: {  	_ =	swait.ge [sflag:s30], $0x1000  }
0x82: {  	[sflag:s30] =	ssyncset.done $0x0  }
0x83: {  	[sflag:s30] =	ssyncadd.s32 $0xFFFFF000  }
0x84: {  	_ =	swait.ge [sflag:s31], $0x1000  }
0x85: {  	[sflag:s31] =	ssyncset.done $0x0  }
0x86: {  	[sflag:s31] =	ssyncadd.s32 $0xFFFFF000  }
0x87: {  	_ =	swait.ge [sflag:s0], $0x1000  }
0x88: {  	[sflag:s0] =	ssyncset.done $0x0  }
0x89: {  	[sflag:s0] =	ssyncadd.s32 $0xFFFFF000  }
0x8a: {  	[spmem:s2] =	stream.indirect.scatter.add.f32 [tilespmem:s25], [sflag:$0x7], $0x20, s8, s21, $0xb8;
	[tilespmem:$0x17D20] =	vst v63  }
0x8b: {  	_ =	swait.ge [sflag:s19], $0x1000  }
0x8c: {  	[sflag:s19] =	ssyncset.done $0x0  }
0x8d: {  	[sflag:s19] =	ssyncadd.s32 $0xFFFFF000  }
0x8e: {  	[spmem:s2] =	stream.indirect.scatter.add.f32 [tilespmem:s28], [sflag:$0x8], $0x20, s9, s21, $0xb8;
	[tilespmem:$0x17D20] =	vst v63  }
0x8f: {  	_ =	swait.ge [sflag:s1], $0x1000  }
0x90: {  	[sflag:s1] =	ssyncset.done $0x0  }
0x91: {  	[sflag:s1] =	ssyncadd.s32 $0xFFFFF000  }
0x92: {  	_ =	swait.ge [sflag:s14], $0x1000  }
0x93: {  	[sflag:s14] =	ssyncset.done $0x0  }
0x94: {  	[sflag:s14] =	ssyncadd.s32 $0xFFFFF000  }
0x95: {  	[bflag:$0x0] =	sbarrier.arrive $0xFFFF  }
0x96: {  	s11 =	rddreg [dreg:$0x8]  }
0x97: {  	[hbm:s11@s20], [sflag:s15] =	dma.strided [spmem:s16@s19], $0x9E0, s18, $0x4   }
0x98: {  	_ =	swait.ge [sflag:s13], $0x9E0  }
0x99: {  	[sflag:s13] =	ssyncset.done $0x0  }
0x9a: {  	[sflag:s13] =	ssyncadd.s32 $0xFFFFF620  }
0x9b: {  	[spmem:s16], [sflag:s15] =	dma.local [hbm:s7], $0x9E0  }
0x9c: {  	_ =	swait.ge [sflag:s13], $0x9E0  }
0x9d: {  	[sflag:s13] =	ssyncset.done $0x0  }
0x9e: {  	s12 =	rddreg [dreg:$0x9];
	[sflag:s13] =	ssyncadd.s32 $0xFFFFF620  }
0x9f: {  	[spmem:s17@s19], [sflag:s15] =	dma.strided [hbm:s12@s20], $0x9C4, s18, $0x4   }
0xa0: {  	_ =	swait.ge [sflag:s13], $0x9C4  }
0xa1: {  	[sflag:s13] =	ssyncset.done $0x0  }
0xa2: {  	[sflag:s13] =	ssyncadd.s32 $0xFFFFF63C  }
0xa3: {  	s24 =	simm.s32 $0x0;
	[bflag:$0x0] =	sbarrier.arrive $0xFFFF  }
0xa4: {  	[tilespmem:s22], [sflag:$0x1] =	stream.indirect.gather [spmem:s3], $0x20, s24, s21, $0xb8;
	[tilespmem:$0x17D20] =	vst v63  }
0xa5: {  	_ = 	snop  }
0xa6: {  	[tilespmem:s23], [sflag:$0x2] =	stream.indirect.gather [spmem:s3], $0x20, s21, s21, $0xb8;
	[tilespmem:$0x17D20] =	vst v63  }
0xa7: {  	s12 =	simm.s32 $0x100  }
0xa8: {  	[tilespmem:s25], [sflag:$0x3] =	stream.indirect.gather [spmem:s3], $0x20, s12, s21, $0xb8;
	[tilespmem:$0x17D20] =	vst v63  }
0xa9: {  	_ = 	snop  }
0xaa: {  	[tilespmem:s28], [sflag:$0x4] =	stream.indirect.gather [spmem:s3], $0x20, s26, s21, $0xb8;
	[tilespmem:$0x17D20] =	vst v63  }
0xab: {  	_ =	swait.ge [sflag:s18], $0x1000  }
0xac: {  	[sflag:s18] =	ssyncset.done $0x0  }
0xad: {  	s24 =	simm.s32 $0x5000;
	[sflag:s18] =	ssyncadd.s32 $0xFFFFF000  }
0xae: {  	[spmem:s2] =	stream.indirect.scatter.add.f32 [tilespmem:s22], [sflag:$0x5], $0x20, s24, s21, $0xb8;
	[tilespmem:$0x17D20] =	vst v63  }
0xaf: {  	_ =	swait.ge [sflag:s29], $0x1000  }
0xb0: {  	[sflag:s29] =	ssyncset.done $0x0  }
0xb1: {  	s12 =	simm.s32 $0x5080;
	[sflag:s29] =	ssyncadd.s32 $0xFFFFF000  }
0xb2: {  	[spmem:s2] =	stream.indirect.scatter.add.f32 [tilespmem:s23], [sflag:$0x6], $0x20, s12, s21, $0xb8;
	[tilespmem:$0x17D20] =	vst v63  }
0xb3: {  	_ =	swait.ge [sflag:s30], $0x1000  }
0xb4: {  	[sflag:s30] =	ssyncset.done $0x0  }
0xb5: {  	[sflag:s30] =	ssyncadd.s32 $0xFFFFF000  }
0xb6: {  	_ =	swait.ge [sflag:s31], $0x1000  }
0xb7: {  	[sflag:s31] =	ssyncset.done $0x0  }
0xb8: {  	s24 =	simm.s32 $0x200;
	[sflag:s31] =	ssyncadd.s32 $0xFFFFF000  }
0xb9: {  	[tilespmem:s22], [sflag:$0x1] =	stream.indirect.gather [spmem:s3], $0x20, s24, s21, $0xb8;
	[tilespmem:$0x17D20] =	vst v63  }
0xba: {  	s12 =	simm.s32 $0x280  }
0xbb: {  	[tilespmem:s23], [sflag:$0x2] =	stream.indirect.gather [spmem:s3], $0x20, s12, s21, $0xb8;
	[tilespmem:$0x17D20] =	vst v63  }
0xbc: {  	_ =	swait.ge [sflag:s0], $0x1000  }
0xbd: {  	[sflag:s0] =	ssyncset.done $0x0  }
0xbe: {  	s24 =	simm.s32 $0x5100;
	[sflag:s0] =	ssyncadd.s32 $0xFFFFF000  }
0xbf: {  	[spmem:s2] =	stream.indirect.scatter.add.f32 [tilespmem:s25], [sflag:$0x7], $0x20, s24, s21, $0xb8;
	[tilespmem:$0x17D20] =	vst v63  }
0xc0: {  	_ =	swait.ge [sflag:s19], $0x1000  }
0xc1: {  	[sflag:s19] =	ssyncset.done $0x0  }
0xc2: {  	s12 =	simm.s32 $0x5180;
	[sflag:s19] =	ssyncadd.s32 $0xFFFFF000  }
0xc3: {  	[spmem:s2] =	stream.indirect.scatter.add.f32 [tilespmem:s28], [sflag:$0x8], $0x20, s12, s21, $0xb8;
	[tilespmem:$0x17D20] =	vst v63  }
0xc4: {  	_ =	swait.ge [sflag:s1], $0x1000  }
0xc5: {  	[sflag:s1] =	ssyncset.done $0x0  }
0xc6: {  	[sflag:s1] =	ssyncadd.s32 $0xFFFFF000  }
0xc7: {  	_ =	swait.ge [sflag:s14], $0x1000  }
0xc8: {  	s11 =	simm.s32 $0x800;
	[sflag:s14] =	ssyncset.done $0x0  }
0xc9: {  	s24 =	simm.s32 $0x300;
	s12 =	simm.s32 $0x380;
	[sflag:s14] =	ssyncadd.s32 $0xFFFFF000  }
0xca: {  	[tilespmem:s25], [sflag:$0x3] =	stream.indirect.gather [spmem:s3], $0x20, s24, s21, $0xb8;
	[tilespmem:$0x17D20] =	vst v63  }
.LBB2_4:
0xcb: {  	[tilespmem:s28], [sflag:$0x4] =	stream.indirect.gather [spmem:s3], $0x20, s12, s21, $0xb8;
	[tilespmem:$0x17D20] =	vst v63  }
0xcc: {  	s12 =	smov.u32 s11  }
0xcd: {  	p0 =	sne.s32 s11, $0x13000;
	s11 =	sadd.s32 $0x800, s11;
	_ =	swait.ge [sflag:s18], $0x1000  }
0xce: {  	s12 =	sshra.s32 s12, $0x2;
	[sflag:s18] =	ssyncset.done $0x0  }
0xcf: {  	s24 =	sadd.s32 $0x5000, s12;
	[sflag:s18] =	ssyncadd.s32 $0xFFFFF000  }
0xd0: {  	[spmem:s2] =	stream.indirect.scatter.add.f32 [tilespmem:s22], [sflag:$0x5], $0x20, s24, s21, $0xb8;
	[tilespmem:$0x17D20] =	vst v63  }
0xd1: {  	_ =	swait.ge [sflag:s29], $0x1000  }
0xd2: {  	[sflag:s29] =	ssyncset.done $0x0  }
0xd3: {  	s24 =	sadd.s32 $0x5080, s12;
	[sflag:s29] =	ssyncadd.s32 $0xFFFFF000  }
0xd4: {  	[spmem:s2] =	stream.indirect.scatter.add.f32 [tilespmem:s23], [sflag:$0x6], $0x20, s24, s21, $0xb8;
	[tilespmem:$0x17D20] =	vst v63  }
0xd5: {  	_ =	swait.ge [sflag:s30], $0x1000  }
0xd6: {  	[sflag:s30] =	ssyncset.done $0x0  }
0xd7: {  	[sflag:s30] =	ssyncadd.s32 $0xFFFFF000  }
0xd8: {  	_ =	swait.ge [sflag:s31], $0x1000  }
0xd9: {  	[sflag:s31] =	ssyncset.done $0x0  }
0xda: {  	s24 =	sadd.s32 $0x200, s12;
	[sflag:s31] =	ssyncadd.s32 $0xFFFFF000  }
0xdb: {  	[tilespmem:s22], [sflag:$0x1] =	stream.indirect.gather [spmem:s3], $0x20, s24, s21, $0xb8;
	[tilespmem:$0x17D20] =	vst v63  }
0xdc: {  	s24 =	sadd.s32 $0x280, s12  }
0xdd: {  	[tilespmem:s23], [sflag:$0x2] =	stream.indirect.gather [spmem:s3], $0x20, s24, s21, $0xb8;
	[tilespmem:$0x17D20] =	vst v63  }
0xde: {  	_ =	swait.ge [sflag:s0], $0x1000  }
0xdf: {  	[sflag:s0] =	ssyncset.done $0x0  }
0xe0: {  	s24 =	sadd.s32 $0x5100, s12;
	[sflag:s0] =	ssyncadd.s32 $0xFFFFF000  }
0xe1: {  	[spmem:s2] =	stream.indirect.scatter.add.f32 [tilespmem:s25], [sflag:$0x7], $0x20, s24, s21, $0xb8;
	[tilespmem:$0x17D20] =	vst v63  }
0xe2: {  	_ =	swait.ge [sflag:s19], $0x1000  }
0xe3: {  	[sflag:s19] =	ssyncset.done $0x0  }
0xe4: {  	s24 =	sadd.s32 $0x5180, s12;
	[sflag:s19] =	ssyncadd.s32 $0xFFFFF000  }
0xe5: {  	[spmem:s2] =	stream.indirect.scatter.add.f32 [tilespmem:s28], [sflag:$0x8], $0x20, s24, s21, $0xb8;
	[tilespmem:$0x17D20] =	vst v63  }
0xe6: {  	_ =	swait.ge [sflag:s1], $0x1000  }
0xe7: {  	[sflag:s1] =	ssyncset.done $0x0  }
0xe8: {  	[sflag:s1] =	ssyncadd.s32 $0xFFFFF000  }
.Ltmp1:
0xe9: {  	_ =	swait.ge [sflag:s14], $0x1000;
	(pc) =	sbr.rel @p0 .LBB2_4-.Ltmp1, $4  }
0xea: {  	[sflag:s14] =	ssyncset.done $0x0  }
0xeb: {  	s24 =	sadd.s32 $0x300, s12;
	[sflag:s14] =	ssyncadd.s32 $0xFFFFF000  }
0xec: {  	[tilespmem:s25], [sflag:$0x3] =	stream.indirect.gather [spmem:s3], $0x20, s24, s21, $0xb8;
	[tilespmem:$0x17D20] =	vst v63  }
0xed: {  	s12 =	sadd.s32 $0x380, s12  }
0xee: {  	[tilespmem:s28], [sflag:$0x4] =	stream.indirect.gather [spmem:s3], $0x20, s12, s21, $0xb8;
	[tilespmem:$0x17D20] =	vst v63  }
0xef: {  	_ =	swait.ge [sflag:s18], $0x1000  }
0xf0: {  	[sflag:s18] =	ssyncset.done $0x0  }
0xf1: {  	[sflag:s18] =	ssyncadd.s32 $0xFFFFF000  }
0xf2: {  	[spmem:s2] =	stream.indirect.scatter.add.f32 [tilespmem:s22], [sflag:$0x5], $0x20, s5, s21, $0xb8;
	[tilespmem:$0x17D20] =	vst v63  }
0xf3: {  	_ =	swait.ge [sflag:s29], $0x1000  }
0xf4: {  	[sflag:s29] =	ssyncset.done $0x0  }
0xf5: {  	[sflag:s29] =	ssyncadd.s32 $0xFFFFF000  }
0xf6: {  	[spmem:s2] =	stream.indirect.scatter.add.f32 [tilespmem:s23], [sflag:$0x6], $0x20, s6, s21, $0xb8;
	[tilespmem:$0x17D20] =	vst v63  }
0xf7: {  	_ =	swait.ge [sflag:s30], $0x1000  }
0xf8: {  	[sflag:s30] =	ssyncset.done $0x0  }
0xf9: {  	[sflag:s30] =	ssyncadd.s32 $0xFFFFF000  }
0xfa: {  	_ =	swait.ge [sflag:s31], $0x1000  }
0xfb: {  	[sflag:s31] =	ssyncset.done $0x0  }
0xfc: {  	[sflag:s31] =	ssyncadd.s32 $0xFFFFF000  }
0xfd: {  	_ =	swait.ge [sflag:s0], $0x1000  }
0xfe: {  	[sflag:s0] =	ssyncset.done $0x0  }
0xff: {  	[sflag:s0] =	ssyncadd.s32 $0xFFFFF000  }
0x100: {  	[spmem:s2] =	stream.indirect.scatter.add.f32 [tilespmem:s25], [sflag:$0x7], $0x20, s8, s21, $0xb8;
	[tilespmem:$0x17D20] =	vst v63  }
0x101: {  	_ =	swait.ge [sflag:s19], $0x1000  }
0x102: {  	[sflag:s19] =	ssyncset.done $0x0  }
0x103: {  	[sflag:s19] =	ssyncadd.s32 $0xFFFFF000  }
0x104: {  	[spmem:s2] =	stream.indirect.scatter.add.f32 [tilespmem:s28], [sflag:$0x8], $0x20, s9, s21, $0xb8;
	[tilespmem:$0x17D20] =	vst v63  }
0x105: {  	_ =	swait.ge [sflag:s1], $0x1000  }
0x106: {  	[sflag:s1] =	ssyncset.done $0x0  }
0x107: {  	[sflag:s1] =	ssyncadd.s32 $0xFFFFF000  }
0x108: {  	_ =	swait.ge [sflag:s14], $0x1000  }
0x109: {  	[sflag:s14] =	ssyncset.done $0x0  }
0x10a: {  	[sflag:s14] =	ssyncadd.s32 $0xFFFFF000  }
0x10b: {  	[bflag:$0x0] =	sbarrier.arrive $0xFFFF  }
0x10c: {  	s11 =	rddreg [dreg:$0xa]  }
0x10d: {  	[hbm:s11@s20], [sflag:s15] =	dma.strided [spmem:s16@s19], $0x9E0, s18, $0x4   }
0x10e: {  	_ =	swait.ge [sflag:s13], $0x9E0  }
0x10f: {  	s10 =	sadd.s32 $0x1, s10;
	s24 =	rddreg [dreg:$0xb]  }
0x110: {  	p0 =	sne.s32 s10, s24  }
.Ltmp2:
0x111: {  	_ = 	snop;
	(pc) =	sbr.rel @p0 .LBB2_1-.Ltmp2, $3  }
0x112: {  	_ =	sdelay $0x1  }
0x113: {  	[sflag:s13] =	ssyncset.done $0x0  }
0x114: {  	[sflag:s13] =	ssyncadd.s32 $0xFFFFF620  }
0x115: {  	_ =	sfence.sel $0x180000  }
0x116: {  	[bflag:$0x0] =	sbarrier.arrive $0xFFFF  }
0x117: {  	_ =	strace $0x9000004A  }
0x118: {  	s0 =	stileid.u32;
	[bflag:$0x2] =	sbarrier.arrive $0xFFFF  }
0x119: {  	p0 =	sne.s32 s0, $0x0;
	s0 =	rddreg [dreg:$0x4]  }
0x11a: {  	s0 =	sadd.s32 @!p0 $0x100000, s0  }
0x11b: {  	[sflag:s0] =	ssyncadd.tile.s32 @!p0 $0x1;
	_ =	shalt  }
.Lfunc_end2:
_tile_overlayer_lowered:
.L_overlay_start_2:
0x11c: {  	(tag) =	ssettag $0x2  }
0x11d: {  	s0 =	rddreg [dreg:$0x0];
	s2 =	stileid.u32  }
0x11e: {  	s1 =	rddreg [dreg:$0x1];
	p0 =	sne.s32 s2, $0x0  }
0x11f: {  	s3 =	rddreg [dreg:$0x2];
	[bflag:$0x3] =	sbarrier.arrive $0xFFFF;
	s2 =	simm.s32 @!p0 $0x1C09  }
0x120: {  	[timem:s3], [sflag:s2] =	dma.local @!p0 [hbm:s0], s1  }
0x121: {  	s0 =	simm.s32 @!p0 $0x9  }
0x122: {  	_ =	swait.ge @!p0 [sflag:s0], s1  }
0x123: {  	s1 =	ssub.s32 @!p0 $0x0, s1;
	[sflag:s0] =	ssyncset.done @!p0 $0x0  }
0x124: {  	[sflag:s0] =	ssyncadd.s32 @!p0 s1  }
0x125: {  	[bflag:$0x3] =	sbarrier.arrive $0xFFFF  }
0x126: {  	_ =	shalt  }

// kernel: kernel.14.cloned.1.call-start
scs
__scs_entry_jumppad:
0x0: {  	(pc) =	sbr.rel $0x88, $3  }
0x1: {  	(tag) =	ssettag $0x0;
	lr =	simm.s32 $0x1  }
0x2: {  	[smem:$0x3F93] =	sst lr;
	_ =	strace $0xD0000000  }
0x3: {  	_ = 	snop  }
0x4: {  	_ = 	snop  }
0x5: {  	_ = 	snop  }
0x6: {  	_ = 	snop  }
0x7: {  	_ = 	snop  }
__scs_overlays_trampoline_lowered:
0x8: {  	[smem:$0x3FA2] =	sst s0  }
0x9: {  	[smem:$0x3FA3] =	sst s1  }
0xa: {  	[smem:$0x3FA4] =	sst s2  }
0xb: {  	[smem:$0x3FA5] =	sst s3  }
0xc: {  	[smem:$0x3FA6] =	sst s4  }
0xd: {  	[smem:$0x3FA7] =	sst s5  }
0xe: {  	[smem:$0x3FA8] =	sst s6  }
0xf: {  	[smem:$0x3FA9] =	sst s7  }
0x10: {  	[smem:$0x3FAA] =	sst s8  }
0x11: {  	[smem:$0x3FAB] =	sst s9;
	s0 =	simm.s32 @!p0 $0x0  }
0x12: {  	s1 =	sld [smem:$0x3F91];
	s0 =	simm.s32 @p0 $0x1  }
0x13: {  	[smem:$0x3FAC] =	sst s0;
	s0 =	simm.s32 @!p1 $0x0  }
0x14: {  	s2 =	sld [smem:$0x3F90];
	s0 =	simm.s32 @p1 $0x1  }
0x15: {  	[smem:$0x3FAD] =	sst s0;
	s0 =	simm.s32 @!p2 $0x0  }
0x16: {  	s3 =	sld [smem:$0x3FDB];
	s0 =	simm.s32 @p2 $0x1  }
0x17: {  	s4 =	simm.s32 $0x1BF5;
	[smem:$0x3FAF] =	sst s0  }
0x18: {  	s0 =	sld [smem:$0x3F92];
	_ =	swait.ge [sflag:s4], $0x0  }
0x19: {  	s7 =	sld [smem:$0x3F93]  }
0x1a: {  	s8 =	sadd.s32 $0xFFFFE003, lr  }
0x1b: {  	s9 =	sadd.s32 $0xFFFFFEF7, lr;
	s5 =	simm.s32 $0xFFFFFFFF;
	p2 =	slt.u32 s8, $0xFFFFF086  }
0x1c: {  	p1 =	slt.u32 s9, $0xF7A;
	s5 =	simm.s32 @!p2 $0x0  }
0x1d: {  	s5 =	simm.s32 @p1 $0x1;
	p0 =	seq.s32 s7, s2  }
0x1e: {  	s7 =	smul.u32 @!p0 $0xF7A, s2;
	p2 =	seq.s32 @!p0 s5, $0x0  }
0x1f: {  	s9 =	smul.u32 $0xF7A, s1;
	s8 =	simm.s32 @!p0 $0x1BF5;
	p2 =	por !p2, p0  }
0x20: {  	[sflag:s8] =	ssyncset.s32 @!p0 $0xFFFFF086;
	s6 =	sadd.s32 @!p0 s3, s7;
	s7 =	simm.s32 @!p0 $0x108  }
0x21: {  	s3 =	sadd.s32 s3, s9;
	s6 =	sadd.s32 @!p0 $0x88, s6;
	s7 =	simm.s32 @p2 $0x1082  }
0x22: {  	[simem:s7], [sflag:s8] =	dma.local @!p0 [hbm:s6], $0xF7A  }
0x23: {  	s9 =	sor.u32 $0xD0000000, s2;
	s6 =	simm.s32 $0x108;
	_ =	swait.ge @!p0 [sflag:s8], $0x0  }
0x24: {  	s3 =	sadd.s32 $0x88, s3;
	s6 =	simm.s32 @!p1 $0x1082;
	[sflag:s4] =	ssyncset.s32 $0xFFFFF086  }
0x25: {  	[simem:s6], [sflag:s4] =	dma.local [hbm:s3], $0xF7A  }
0x26: {  	[smem:$0x3F93] =	sst s1;
	(tag) =	ssettag s2;
	_ =	strace s9  }
0x27: {  	s1 =	sld [smem:$0x3FA3]  }
0x28: {  	s2 =	sld [smem:$0x3FA4]  }
0x29: {  	s4 =	sld [smem:$0x3FA6]  }
0x2a: {  	p0 =	seq.s32 s5, $0x0;
	s5 =	sld [smem:$0x3FA7]  }
0x2b: {  	s6 =	sld [smem:$0x3FA8]  }
0x2c: {  	s7 =	sld [smem:$0x3FA9]  }
0x2d: {  	s3 =	simm.s32 $0x108;
	s8 =	sld [smem:$0x3FAA]  }
0x2e: {  	s3 =	simm.s32 @!p0 $0x1082;
	s9 =	sld [smem:$0x3FAB]  }
0x2f: {  	lr =	sadd.s32 s0, s3;
	s0 =	sld [smem:$0x3FA2]  }
0x30: {  	s3 =	sld [smem:$0x3FA5]  }
0x31: {  	[smem:$0x3FAE] =	sst s10  }
0x32: {  	s10 =	sld [smem:$0x3FAC];
	_ =	sdelay $0x3  }
0x33: {  	p0 =	seq.s32 s10, $0x1;
	s10 =	sld [smem:$0x3FAE];
	_ =	sdelay $0x3  }
0x34: {  	[smem:$0x3FAE] =	sst s10  }
0x35: {  	s10 =	sld [smem:$0x3FAD];
	_ =	sdelay $0x3  }
0x36: {  	p1 =	seq.s32 s10, $0x1;
	s10 =	sld [smem:$0x3FAE];
	_ =	sdelay $0x3  }
0x37: {  	[smem:$0x3FAE] =	sst s10  }
0x38: {  	s10 =	sld [smem:$0x3FAF]  }
0x39: {  	_ = 	snop;
	(pc) =	sbr.ind lr, $3  }
0x3a: {  	_ = 	snop  }
0x3b: {  	_ = 	snop  }
0x3c: {  	p2 =	seq.s32 s10, $0x1;
	s10 =	sld [smem:$0x3FAE]  }
0x3d: {  	_ =	shalt  }
0x3e: {  	_ =	shalt  }
0x3f: {  	_ =	shalt  }
0x40: {  	_ =	shalt  }
0x41: {  	_ =	shalt  }
0x42: {  	_ =	shalt  }
0x43: {  	_ =	shalt  }
0x44: {  	_ =	shalt  }
0x45: {  	_ =	shalt  }
0x46: {  	_ =	shalt  }
0x47: {  	_ =	shalt  }
0x48: {  	_ =	shalt  }
0x49: {  	_ =	shalt  }
0x4a: {  	_ =	shalt  }
0x4b: {  	_ =	shalt  }
0x4c: {  	_ =	shalt  }
0x4d: {  	_ =	shalt  }
0x4e: {  	_ =	shalt  }
0x4f: {  	_ =	shalt  }
0x50: {  	_ =	shalt  }
0x51: {  	_ =	shalt  }
0x52: {  	_ =	shalt  }
0x53: {  	_ =	shalt  }
0x54: {  	_ =	shalt  }
0x55: {  	_ =	shalt  }
0x56: {  	_ =	shalt  }
0x57: {  	_ =	shalt  }
0x58: {  	_ =	shalt  }
0x59: {  	_ =	shalt  }
0x5a: {  	_ =	shalt  }
0x5b: {  	_ =	shalt  }
0x5c: {  	_ =	shalt  }
0x5d: {  	_ =	shalt  }
0x5e: {  	_ =	shalt  }
0x5f: {  	_ =	shalt  }
0x60: {  	_ =	shalt  }
0x61: {  	_ =	shalt  }
0x62: {  	_ =	shalt  }
0x63: {  	_ =	shalt  }
0x64: {  	_ =	shalt  }
0x65: {  	_ =	shalt  }
0x66: {  	_ =	shalt  }
0x67: {  	_ =	shalt  }
0x68: {  	_ =	shalt  }
0x69: {  	_ =	shalt  }
0x6a: {  	_ =	shalt  }
0x6b: {  	_ =	shalt  }
0x6c: {  	_ =	shalt  }
0x6d: {  	_ =	shalt  }
0x6e: {  	_ =	shalt  }
0x6f: {  	_ =	shalt  }
0x70: {  	_ =	shalt  }
0x71: {  	_ =	shalt  }
0x72: {  	_ =	shalt  }
0x73: {  	_ =	shalt  }
0x74: {  	_ =	shalt  }
0x75: {  	_ =	shalt  }
0x76: {  	_ =	shalt  }
0x77: {  	_ =	shalt  }
0x78: {  	_ =	shalt  }
0x79: {  	_ =	shalt  }
0x7a: {  	_ =	shalt  }
0x7b: {  	_ =	shalt  }
0x7c: {  	_ =	shalt  }
0x7d: {  	_ =	shalt  }
0x7e: {  	_ =	shalt  }
0x7f: {  	_ =	shalt  }
0x80: {  	_ =	shalt  }
0x81: {  	_ =	shalt  }
0x82: {  	_ =	shalt  }
0x83: {  	_ =	shalt  }
0x84: {  	_ =	shalt  }
0x85: {  	_ =	shalt  }
0x86: {  	_ =	shalt  }
0x87: {  	_ =	shalt  }
.Lfunc_end0:
.L_simem_size_0:
called_computation.2_lowered:
.L_overlay_start_0:
0x88: {  	s2 =	sld [smem:$0x3FD9]  }
0x89: {  	s3 =	sld [smem:$0x3FFE];
	_ =	sdelay $0x1  }
0x8a: {  	s1 =	srdreg.scid  }
0x8b: {  	s0 =	sand.u32 $0x1, s1  }
0x8c: {  	s14 =	sshll.u32 s0, $0xA;
	s2 =	sadd.s32 s3, s2  }
0x8d: {  	s2 =	sadd.s32 s2, s14  }
0x8e: {  	[smem:$0x3FBA] =	sst s2  }
0x8f: {  	_ = 	snop  }
0x90: {  	s2 =	sld [smem:$0x3FD0];
	_ =	sdelay $0x2  }
0x91: {  	s15 =	simm.s32 $0xA;
	s4 =	simm.s32 $0x10  }
0x92: {  	[smem:s4], [sflag:s15] =	dma.local [hbm:s2], $0x1  }
0x93: {  	_ =	swait.eq [sflag:s15], $0x1  }
0x94: {  	[sflag:s15] =	ssyncset.done $0x0  }
0x95: {  	[sflag:s15] =	ssyncadd.s32 $0xFFFFFFFF  }
0x96: {  	s16 =	sld [smem:$0x10];
	(tm) =	ssettm $0x1  }
0x97: {  	s17 =	sld [smem:$0x3FFB];
	_ =	sdelay $0x3  }
0x98: {  	_ =	strace s17  }
0x99: {  	s3 =	sld [smem:$0x3FFC];
	_ =	sdelay $0x3  }
0x9a: {  	_ =	strace s3  }
0x9b: {  	s3 =	sld [smem:$0x3FFD];
	_ =	sdelay $0x3  }
0x9c: {  	_ =	strace s3  }
0x9d: {  	_ =	strace $0x8FFFFFFF  }
0x9e: {  	s18 =	sld [smem:$0x3FDB];
	_ =	sdelay $0x1  }
0x9f: {  	s19 =	simm.s32 $_scs_section_size  }
0xa0: {  	s5 =	simm.s32 $_size__tile_overlayer_lowered;
	s6 =	simm.s32 $_tile_overlayer_lowered  }
0xa1: {  	s22 =	simm.s32 $0x1BFF;
	s21 =	sshll.u32 s6, $0x1;
	s3 =	sadd.s32 s19, s18  }
0xa2: {  	s7 =	simm.s32 $0x0;
	s20 =	sshll.u32 s5, $0x1;
	s5 =	sadd.s32 s21, s3  }
0xa3: {  	[timem:s7], [sflag:s22] =	dma.local [hbm:s5], s20  }
0xa4: {  	_ =	swait.ge [sflag:s22], s20  }
0xa5: {  	s4 =	ssub.s32 $0x0, s20;
	[sflag:s22] =	ssyncset.done $0x0  }
0xa6: {  	[sflag:s22] =	ssyncadd.s32 s4;
	_ =	sdelay $0x1  }
0xa7: {  	s23 =	simm.s32 $0x1B8B  }
0xa8: {  	_ =	swait.ge [sflag:s23], $0x1  }
0xa9: {  	[sflag:s23] =	ssyncset.done $0x0  }
0xaa: {  	s25 =	simm.s32 $0x1B8E;
	s24 =	sld [smem:$0x3FFE];
	[sflag:s23] =	ssyncadd.s32 $0xFFFFFFFF  }
0xab: {  	s26 =	simm.s32 $execute0_lowered;
	[smem:$0x3FD2] =	sst s25  }
0xac: {  	s5 =	sshll.u32 s26, $0x1;
	_ =	strace $0x8000004C;
	[dreg:$0x1] =	wrdreg $0xFFFFFFFF  }
0xad: {  	s28 =	simm.s32 $_size_execute0_lowered;
	s3 =	sadd.s32 s3, s5;
	[dreg:$0x0] =	wrdreg $0x0  }
0xae: {  	s5 =	sshll.u32 s28, $0x1;
	[dreg:$0x2] =	wrdreg s3  }
0xaf: {  	[dreg:$0x3] =	wrdreg s5  }
0xb0: {  	[dreg:$0x4] =	wrdreg $0xC0  }
0xb1: {  	_ =	task [dreg:s7], $0x5FFFF  }
0xb2: {  	[dreg:$0x1] =	wrdreg $0xFFFFFFFF  }
0xb3: {  	[dreg:$0x0] =	wrdreg $0x60  }
0xb4: {  	[dreg:$0x2] =	wrdreg s16  }
0xb5: {  	[dreg:$0x3] =	wrdreg s24  }
0xb6: {  	[dreg:$0x4] =	wrdreg $0xE0000  }
0xb7: {  	[dreg:$0x5] =	wrdreg $0x12F000  }
0xb8: {  	[dreg:$0x6] =	wrdreg $0x9  }
0xb9: {  	_ =	task.clear_ibuf [dreg:s7], $0x7FFFF;
	_ =	strace $0x9000004C  }
0xba: {  	s29 =	simm.s32 $0x9;
	_ =	strace $0x8000004E  }
0xbb: {  	_ =	swait.ge [sflag:s29], $0x1  }
0xbc: {  	[sflag:s29] =	ssyncadd.s32 $0xFFFFFFFF  }
0xbd: {  	_ =	strace $0x9000004E  }
0xbe: {  	_ =	sfence  }
0xbf: {  	s30 =	sld [smem:$0x0];
	_ =	sdelay $0x2  }
0xc0: {  	s31 =	sshll.u32 s1, $0xD;
	s1 =	sshrl.u32 s1, $0x2  }
0xc1: {  	s3 =	sand.u32 $0x4000, s31;
	s1 =	sadd.s32 s1, s30  }
0xc2: {  	s0 =	sor.u32 s3, s0;
	s1 =	sshll.u32 s1, $0x11  }
0xc3: {  	s0 =	sor.u32 s1, s0  }
0xc4: {  	s0 =	sadd.s32 $0x8F2B, s0  }
0xc5: {  	[sflag:s0] =	ssyncadd.remote.s32 $0x1  }
0xc6: {  	_ =	sfence.sel $0xFFFF  }
0xc7: {  	[dreg:$0x0] =	wrdreg $0xFFFFFFFF;
	(pc) =	sbr.abs _section_cstart, $3  }
0xc8: {  	[dreg:$0x1] =	wrdreg $0xFFFFFFFF  }
0xc9: {  	_ =	task.clear_ibuf [dreg:s7], $0x2FFFF;
	_ =	strace $0x9FFFFFFF  }
0xca: {  	(tm) =	ssettm $0x7FFFFFFF  }
0xcb: {  	_ =	shalt  }
tec
execute0_lowered:
.L_overlay_start_1:
0x0: {  	(tag) =	ssettag $0x1  }
0x1: {  	s0 =	rddreg [dreg:$0x0]  }
0x2: {  	s1 =	rddreg [dreg:$0x1]  }
0x3: {  	s2 =	rddreg [dreg:$0x2]  }
0x4: {  	s3 =	rddreg [dreg:$0x3];
	s14 =	stileid.u32  }
0x5: {  	s4 =	simm.s32 $0x0;
	s7 =	srdreg.scid;
	s5 =	smul.u32 $0xA00, s14  }
0x6: {  	s28 =	simm.s32 $0xD000;
	s29 =	simm.s32 $0x2;
	s6 =	smul.u32 $0x4F00, s14  }
0x7: {  	s30 =	simm.s32 $0x5;
	s31 =	simm.s32 $0x6;
	s18 =	smul.u32 $0x13880, s14  }
0x8: {  	[smem:$0x7FF] =	sst s4;
	s7 =	sand.u32 $0x1, s7;
	s13 =	smul.u32 $0x13C00, s14  }
0x9: {  	s26 =	sshll.u32 s14, $0x6;
	s14 =	simm.s32 $0x8;
	_ =	strace $0x8000004D  }
0xa: {  	s9 =	ssub.s32 $0x2, s7;
	s20 =	sshll.u32 s7, $0x6;
	s15 =	sor.u32 $0x1C09, s26  }
0xb: {  	s26 =	simm.s32 $0x180;
	s5 =	sadd.s32 s5, s1;
	s8 =	sshrl.u32 s6, $0x3  }
0xc: {  	s10 =	sshrl.u32 s9, $0x1;
	s19 =	sadd.s32 s6, s2;
	s11 =	sshrl.u32 s18, $0x2  }
0xd: {  	s12 =	sor.u32 s20, s18;
	s23 =	sor.u32 s20, s13;
	s6 =	sor.u32 $0x20, s20  }
0xe: {  	s20 =	simm.s32 $0x10;
	s8 =	sadd.s32 s8, s1;
	s1 =	sadd.s32 $0x3FA00, s1  }
0xf: {  	s9 =	ssub.s32 s9, s10;
	s17 =	sadd.s32 $0x35A00, s5;
	s5 =	sadd.s32 $0x4200, s5  }
0x10: {  	s21 =	sadd.s32 s11, s3;
	s22 =	sshrl.u32 s12, $0x3;
	s10 =	sor.u32 s18, s6  }
0x11: {  	s6 =	sor.u32 s13, s6;
	s13 =	simm.s32 $0x9;
	s16 =	sshrl.u32 s19, $0x3  }
0x12: {  	s18 =	simm.s32 $0x1;
	s19 =	simm.s32 $0x4;
	[dreg:$0x5] =	wrdreg s17  }
0x13: {  	[dreg:$0x6] =	wrdreg s5;
	s7 =	sadd.s32 $0xE200, s8;
	s11 =	sadd.s32 s0, s22  }
0x14: {  	s10 =	sshrl.u32 s10, $0x3;
	s6 =	sshrl.u32 s6, $0x3;
	s25 =	smax.u32 s9, $0x1  }
0x15: {  	s17 =	sshrl.u32 s21, $0x3;
	s21 =	simm.s32 $0x80;
	s22 =	simm.s32 $0xA000  }
0x16: {  	s5 =	simm.s32 $0x9E00;
	s8 =	simm.s32 $0x9F00;
	s9 =	simm.s32 $0x9F80  }
0x17: {  	[dreg:$0x7] =	wrdreg s11;
	s11 =	sshrl.u32 s23, $0x3;
	s0 =	sadd.s32 s0, s10  }
0x18: {  	s24 =	sadd.s32 s1, s6;
	[dreg:$0xb] =	wrdreg s25;
	s23 =	simm.s32 $0xB000  }
0x19: {  	s25 =	simm.s32 $0xC000;
	s6 =	simm.s32 $0x9E80;
	[dreg:$0x9] =	wrdreg s0  }
0x1a: {  	s10 =	simm.s32 $0x0;
	s11 =	sadd.s32 s1, s11;
	[dreg:$0xa] =	wrdreg s24  }
0x1b: {  	s0 =	simm.s32 $0x3;
	s1 =	simm.s32 $0x7;
	[dreg:$0x8] =	wrdreg s11  }
.LBB2_1:
0x1c: {  	s11 =	rddreg [dreg:$0x5]  }
0x1d: {  	[tilespmem:s4], [sflag:$0x9] =	stream.linear.gather [hbm4b:s11+s4], $0x5000, $0x38;
	[tilespmem:$0x17D20] =	vst v63  }
0x1e: {  	_ =	swait.ge [sflag:s13], $0x5000  }
0x1f: {  	[sflag:s13] =	ssyncset.done $0x0  }
0x20: {  	s12 =	simm.s32 $0x5000;
	s24 =	rddreg [dreg:$0x6];
	[sflag:s13] =	ssyncadd.s32 $0xFFFFB000  }
0x21: {  	[tilespmem:s12], [sflag:$0x9] =	stream.linear.gather [hbm4b:s24+s4], $0x5000, $0x38;
	[tilespmem:$0x17D20] =	vst v63  }
0x22: {  	_ =	swait.ge [sflag:s13], $0x5000  }
0x23: {  	[sflag:s13] =	ssyncset.done $0x0  }
0x24: {  	[sflag:s13] =	ssyncadd.s32 $0xFFFFB000  }
0x25: {  	[spmem:s16], [sflag:s15] =	dma.local [hbm:s7], $0x9E0  }
0x26: {  	_ =	swait.ge [sflag:s13], $0x9E0  }
0x27: {  	[sflag:s13] =	ssyncset.done $0x0  }
0x28: {  	s24 =	rddreg [dreg:$0x7];
	[sflag:s13] =	ssyncadd.s32 $0xFFFFF620  }
0x29: {  	[spmem:s17@s19], [sflag:s15] =	dma.strided [hbm:s24@s20], $0x9C4, s18, $0x4   }
0x2a: {  	_ =	swait.ge [sflag:s13], $0x9C4  }
0x2b: {  	[sflag:s13] =	ssyncset.done $0x0  }
0x2c: {  	[sflag:s13] =	ssyncadd.s32 $0xFFFFF63C  }
0x2d: {  	[bflag:$0x0] =	sbarrier.arrive $0xFFFF  }
0x2e: {  	[tilespmem:s22], [sflag:$0x1] =	stream.indirect.gather [spmem:s3], $0x20, s4, s21, $0xb8;
	[tilespmem:$0x17D20] =	vst v63  }
0x2f: {  	_ = 	snop  }
0x30: {  	[tilespmem:s23], [sflag:$0x2] =	stream.indirect.gather [spmem:s3], $0x20, s21, s21, $0xb8;
	[tilespmem:$0x17D20] =	vst v63  }
0x31: {  	s12 =	simm.s32 $0x100  }
0x32: {  	[tilespmem:s25], [sflag:$0x3] =	stream.indirect.gather [spmem:s3], $0x20, s12, s21, $0xb8;
	[tilespmem:$0x17D20] =	vst v63  }
0x33: {  	_ = 	snop  }
0x34: {  	[tilespmem:s28], [sflag:$0x4] =	stream.indirect.gather [spmem:s3], $0x20, s26, s21, $0xb8;
	[tilespmem:$0x17D20] =	vst v63  }
0x35: {  	_ =	swait.ge [sflag:s18], $0x1000  }
0x36: {  	[sflag:s18] =	ssyncset.done $0x0  }
0x37: {  	s24 =	simm.s32 $0x5000;
	[sflag:s18] =	ssyncadd.s32 $0xFFFFF000  }
0x38: {  	[spmem:s2] =	stream.indirect.scatter.add.f32 [tilespmem:s22], [sflag:$0x5], $0x20, s24, s21, $0xb8;
	[tilespmem:$0x17D20] =	vst v63  }
0x39: {  	_ =	swait.ge [sflag:s29], $0x1000  }
0x3a: {  	[sflag:s29] =	ssyncset.done $0x0  }
0x3b: {  	s12 =	simm.s32 $0x5080;
	[sflag:s29] =	ssyncadd.s32 $0xFFFFF000  }
0x3c: {  	[spmem:s2] =	stream.indirect.scatter.add.f32 [tilespmem:s23], [sflag:$0x6], $0x20, s12, s21, $0xb8;
	[tilespmem:$0x17D20] =	vst v63  }
0x3d: {  	_ =	swait.ge [sflag:s30], $0x1000  }
0x3e: {  	[sflag:s30] =	ssyncset.done $0x0  }
0x3f: {  	[sflag:s30] =	ssyncadd.s32 $0xFFFFF000  }
0x40: {  	_ =	swait.ge [sflag:s31], $0x1000  }
0x41: {  	[sflag:s31] =	ssyncset.done $0x0  }
0x42: {  	s24 =	simm.s32 $0x200;
	[sflag:s31] =	ssyncadd.s32 $0xFFFFF000  }
0x43: {  	[tilespmem:s22], [sflag:$0x1] =	stream.indirect.gather [spmem:s3], $0x20, s24, s21, $0xb8;
	[tilespmem:$0x17D20] =	vst v63  }
0x44: {  	s12 =	simm.s32 $0x280  }
0x45: {  	[tilespmem:s23], [sflag:$0x2] =	stream.indirect.gather [spmem:s3], $0x20, s12, s21, $0xb8;
	[tilespmem:$0x17D20] =	vst v63  }
0x46: {  	_ =	swait.ge [sflag:s0], $0x1000  }
0x47: {  	[sflag:s0] =	ssyncset.done $0x0  }
0x48: {  	s24 =	simm.s32 $0x5100;
	[sflag:s0] =	ssyncadd.s32 $0xFFFFF000  }
0x49: {  	[spmem:s2] =	stream.indirect.scatter.add.f32 [tilespmem:s25], [sflag:$0x7], $0x20, s24, s21, $0xb8;
	[tilespmem:$0x17D20] =	vst v63  }
0x4a: {  	_ =	swait.ge [sflag:s19], $0x1000  }
0x4b: {  	[sflag:s19] =	ssyncset.done $0x0  }
0x4c: {  	s12 =	simm.s32 $0x5180;
	[sflag:s19] =	ssyncadd.s32 $0xFFFFF000  }
0x4d: {  	[spmem:s2] =	stream.indirect.scatter.add.f32 [tilespmem:s28], [sflag:$0x8], $0x20, s12, s21, $0xb8;
	[tilespmem:$0x17D20] =	vst v63  }
0x4e: {  	_ =	swait.ge [sflag:s1], $0x1000  }
0x4f: {  	[sflag:s1] =	ssyncset.done $0x0  }
0x50: {  	[sflag:s1] =	ssyncadd.s32 $0xFFFFF000  }
0x51: {  	_ =	swait.ge [sflag:s14], $0x1000  }
0x52: {  	s11 =	simm.s32 $0x800;
	[sflag:s14] =	ssyncset.done $0x0  }
0x53: {  	s24 =	simm.s32 $0x300;
	s12 =	simm.s32 $0x380;
	[sflag:s14] =	ssyncadd.s32 $0xFFFFF000  }
0x54: {  	[tilespmem:s25], [sflag:$0x3] =	stream.indirect.gather [spmem:s3], $0x20, s24, s21, $0xb8;
	[tilespmem:$0x17D20] =	vst v63  }
.LBB2_2:
0x55: {  	[tilespmem:s28], [sflag:$0x4] =	stream.indirect.gather [spmem:s3], $0x20, s12, s21, $0xb8;
	[tilespmem:$0x17D20] =	vst v63  }
0x56: {  	s12 =	smov.u32 s11  }
0x57: {  	p0 =	sne.s32 s11, $0x13000;
	s11 =	sadd.s32 $0x800, s11;
	_ =	swait.ge [sflag:s18], $0x1000  }
0x58: {  	s12 =	sshra.s32 s12, $0x2;
	[sflag:s18] =	ssyncset.done $0x0  }
0x59: {  	s24 =	sadd.s32 $0x5000, s12;
	[sflag:s18] =	ssyncadd.s32 $0xFFFFF000  }
0x5a: {  	[spmem:s2] =	stream.indirect.scatter.add.f32 [tilespmem:s22], [sflag:$0x5], $0x20, s24, s21, $0xb8;
	[tilespmem:$0x17D20] =	vst v63  }
0x5b: {  	_ =	swait.ge [sflag:s29], $0x1000  }
0x5c: {  	[sflag:s29] =	ssyncset.done $0x0  }
0x5d: {  	s24 =	sadd.s32 $0x5080, s12;
	[sflag:s29] =	ssyncadd.s32 $0xFFFFF000  }
0x5e: {  	[spmem:s2] =	stream.indirect.scatter.add.f32 [tilespmem:s23], [sflag:$0x6], $0x20, s24, s21, $0xb8;
	[tilespmem:$0x17D20] =	vst v63  }
0x5f: {  	_ =	swait.ge [sflag:s30], $0x1000  }
0x60: {  	[sflag:s30] =	ssyncset.done $0x0  }
0x61: {  	[sflag:s30] =	ssyncadd.s32 $0xFFFFF000  }
0x62: {  	_ =	swait.ge [sflag:s31], $0x1000  }
0x63: {  	[sflag:s31] =	ssyncset.done $0x0  }
0x64: {  	s24 =	sadd.s32 $0x200, s12;
	[sflag:s31] =	ssyncadd.s32 $0xFFFFF000  }
0x65: {  	[tilespmem:s22], [sflag:$0x1] =	stream.indirect.gather [spmem:s3], $0x20, s24, s21, $0xb8;
	[tilespmem:$0x17D20] =	vst v63  }
0x66: {  	s24 =	sadd.s32 $0x280, s12  }
0x67: {  	[tilespmem:s23], [sflag:$0x2] =	stream.indirect.gather [spmem:s3], $0x20, s24, s21, $0xb8;
	[tilespmem:$0x17D20] =	vst v63  }
0x68: {  	_ =	swait.ge [sflag:s0], $0x1000  }
0x69: {  	[sflag:s0] =	ssyncset.done $0x0  }
0x6a: {  	s24 =	sadd.s32 $0x5100, s12;
	[sflag:s0] =	ssyncadd.s32 $0xFFFFF000  }
0x6b: {  	[spmem:s2] =	stream.indirect.scatter.add.f32 [tilespmem:s25], [sflag:$0x7], $0x20, s24, s21, $0xb8;
	[tilespmem:$0x17D20] =	vst v63  }
0x6c: {  	_ =	swait.ge [sflag:s19], $0x1000  }
0x6d: {  	[sflag:s19] =	ssyncset.done $0x0  }
0x6e: {  	s24 =	sadd.s32 $0x5180, s12;
	[sflag:s19] =	ssyncadd.s32 $0xFFFFF000  }
0x6f: {  	[spmem:s2] =	stream.indirect.scatter.add.f32 [tilespmem:s28], [sflag:$0x8], $0x20, s24, s21, $0xb8;
	[tilespmem:$0x17D20] =	vst v63  }
0x70: {  	_ =	swait.ge [sflag:s1], $0x1000  }
0x71: {  	[sflag:s1] =	ssyncset.done $0x0  }
0x72: {  	[sflag:s1] =	ssyncadd.s32 $0xFFFFF000  }
.Ltmp0:
0x73: {  	_ =	swait.ge [sflag:s14], $0x1000;
	(pc) =	sbr.rel @p0 .LBB2_2-.Ltmp0, $4  }
0x74: {  	[sflag:s14] =	ssyncset.done $0x0  }
0x75: {  	s24 =	sadd.s32 $0x300, s12;
	[sflag:s14] =	ssyncadd.s32 $0xFFFFF000  }
0x76: {  	[tilespmem:s25], [sflag:$0x3] =	stream.indirect.gather [spmem:s3], $0x20, s24, s21, $0xb8;
	[tilespmem:$0x17D20] =	vst v63  }
0x77: {  	s12 =	sadd.s32 $0x380, s12  }
0x78: {  	[tilespmem:s28], [sflag:$0x4] =	stream.indirect.gather [spmem:s3], $0x20, s12, s21, $0xb8;
	[tilespmem:$0x17D20] =	vst v63  }
0x79: {  	_ =	swait.ge [sflag:s18], $0x1000  }
0x7a: {  	[sflag:s18] =	ssyncset.done $0x0  }
0x7b: {  	[sflag:s18] =	ssyncadd.s32 $0xFFFFF000  }
0x7c: {  	[spmem:s2] =	stream.indirect.scatter.add.f32 [tilespmem:s22], [sflag:$0x5], $0x20, s5, s21, $0xb8;
	[tilespmem:$0x17D20] =	vst v63  }
0x7d: {  	_ =	swait.ge [sflag:s29], $0x1000  }
0x7e: {  	[sflag:s29] =	ssyncset.done $0x0  }
0x7f: {  	[sflag:s29] =	ssyncadd.s32 $0xFFFFF000  }
0x80: {  	[spmem:s2] =	stream.indirect.scatter.add.f32 [tilespmem:s23], [sflag:$0x6], $0x20, s6, s21, $0xb8;
	[tilespmem:$0x17D20] =	vst v63  }
0x81: {  	_ =	swait.ge [sflag:s30], $0x1000  }
0x82: {  	[sflag:s30] =	ssyncset.done $0x0  }
0x83: {  	[sflag:s30] =	ssyncadd.s32 $0xFFFFF000  }
0x84: {  	_ =	swait.ge [sflag:s31], $0x1000  }
0x85: {  	[sflag:s31] =	ssyncset.done $0x0  }
0x86: {  	[sflag:s31] =	ssyncadd.s32 $0xFFFFF000  }
0x87: {  	_ =	swait.ge [sflag:s0], $0x1000  }
0x88: {  	[sflag:s0] =	ssyncset.done $0x0  }
0x89: {  	[sflag:s0] =	ssyncadd.s32 $0xFFFFF000  }
0x8a: {  	[spmem:s2] =	stream.indirect.scatter.add.f32 [tilespmem:s25], [sflag:$0x7], $0x20, s8, s21, $0xb8;
	[tilespmem:$0x17D20] =	vst v63  }
0x8b: {  	_ =	swait.ge [sflag:s19], $0x1000  }
0x8c: {  	[sflag:s19] =	ssyncset.done $0x0  }
0x8d: {  	[sflag:s19] =	ssyncadd.s32 $0xFFFFF000  }
0x8e: {  	[spmem:s2] =	stream.indirect.scatter.add.f32 [tilespmem:s28], [sflag:$0x8], $0x20, s9, s21, $0xb8;
	[tilespmem:$0x17D20] =	vst v63  }
0x8f: {  	_ =	swait.ge [sflag:s1], $0x1000  }
0x90: {  	[sflag:s1] =	ssyncset.done $0x0  }
0x91: {  	[sflag:s1] =	ssyncadd.s32 $0xFFFFF000  }
0x92: {  	_ =	swait.ge [sflag:s14], $0x1000  }
0x93: {  	[sflag:s14] =	ssyncset.done $0x0  }
0x94: {  	[sflag:s14] =	ssyncadd.s32 $0xFFFFF000  }
0x95: {  	[bflag:$0x0] =	sbarrier.arrive $0xFFFF  }
0x96: {  	s11 =	rddreg [dreg:$0x8]  }
0x97: {  	[hbm:s11@s20], [sflag:s15] =	dma.strided [spmem:s16@s19], $0x9E0, s18, $0x4   }
0x98: {  	_ =	swait.ge [sflag:s13], $0x9E0  }
0x99: {  	[sflag:s13] =	ssyncset.done $0x0  }
0x9a: {  	[sflag:s13] =	ssyncadd.s32 $0xFFFFF620  }
0x9b: {  	[spmem:s16], [sflag:s15] =	dma.local [hbm:s7], $0x9E0  }
0x9c: {  	_ =	swait.ge [sflag:s13], $0x9E0  }
0x9d: {  	[sflag:s13] =	ssyncset.done $0x0  }
0x9e: {  	s12 =	rddreg [dreg:$0x9];
	[sflag:s13] =	ssyncadd.s32 $0xFFFFF620  }
0x9f: {  	[spmem:s17@s19], [sflag:s15] =	dma.strided [hbm:s12@s20], $0x9C4, s18, $0x4   }
0xa0: {  	_ =	swait.ge [sflag:s13], $0x9C4  }
0xa1: {  	[sflag:s13] =	ssyncset.done $0x0  }
0xa2: {  	[sflag:s13] =	ssyncadd.s32 $0xFFFFF63C  }
0xa3: {  	s24 =	simm.s32 $0x0;
	[bflag:$0x0] =	sbarrier.arrive $0xFFFF  }
0xa4: {  	[tilespmem:s22], [sflag:$0x1] =	stream.indirect.gather [spmem:s3], $0x20, s24, s21, $0xb8;
	[tilespmem:$0x17D20] =	vst v63  }
0xa5: {  	_ = 	snop  }
0xa6: {  	[tilespmem:s23], [sflag:$0x2] =	stream.indirect.gather [spmem:s3], $0x20, s21, s21, $0xb8;
	[tilespmem:$0x17D20] =	vst v63  }
0xa7: {  	s12 =	simm.s32 $0x100  }
0xa8: {  	[tilespmem:s25], [sflag:$0x3] =	stream.indirect.gather [spmem:s3], $0x20, s12, s21, $0xb8;
	[tilespmem:$0x17D20] =	vst v63  }
0xa9: {  	_ = 	snop  }
0xaa: {  	[tilespmem:s28], [sflag:$0x4] =	stream.indirect.gather [spmem:s3], $0x20, s26, s21, $0xb8;
	[tilespmem:$0x17D20] =	vst v63  }
0xab: {  	_ =	swait.ge [sflag:s18], $0x1000  }
0xac: {  	[sflag:s18] =	ssyncset.done $0x0  }
0xad: {  	s24 =	simm.s32 $0x5000;
	[sflag:s18] =	ssyncadd.s32 $0xFFFFF000  }
0xae: {  	[spmem:s2] =	stream.indirect.scatter.add.f32 [tilespmem:s22], [sflag:$0x5], $0x20, s24, s21, $0xb8;
	[tilespmem:$0x17D20] =	vst v63  }
0xaf: {  	_ =	swait.ge [sflag:s29], $0x1000  }
0xb0: {  	[sflag:s29] =	ssyncset.done $0x0  }
0xb1: {  	s12 =	simm.s32 $0x5080;
	[sflag:s29] =	ssyncadd.s32 $0xFFFFF000  }
0xb2: {  	[spmem:s2] =	stream.indirect.scatter.add.f32 [tilespmem:s23], [sflag:$0x6], $0x20, s12, s21, $0xb8;
	[tilespmem:$0x17D20] =	vst v63  }
0xb3: {  	_ =	swait.ge [sflag:s30], $0x1000  }
0xb4: {  	[sflag:s30] =	ssyncset.done $0x0  }
0xb5: {  	[sflag:s30] =	ssyncadd.s32 $0xFFFFF000  }
0xb6: {  	_ =	swait.ge [sflag:s31], $0x1000  }
0xb7: {  	[sflag:s31] =	ssyncset.done $0x0  }
0xb8: {  	s24 =	simm.s32 $0x200;
	[sflag:s31] =	ssyncadd.s32 $0xFFFFF000  }
0xb9: {  	[tilespmem:s22], [sflag:$0x1] =	stream.indirect.gather [spmem:s3], $0x20, s24, s21, $0xb8;
	[tilespmem:$0x17D20] =	vst v63  }
0xba: {  	s12 =	simm.s32 $0x280  }
0xbb: {  	[tilespmem:s23], [sflag:$0x2] =	stream.indirect.gather [spmem:s3], $0x20, s12, s21, $0xb8;
	[tilespmem:$0x17D20] =	vst v63  }
0xbc: {  	_ =	swait.ge [sflag:s0], $0x1000  }
0xbd: {  	[sflag:s0] =	ssyncset.done $0x0  }
0xbe: {  	s24 =	simm.s32 $0x5100;
	[sflag:s0] =	ssyncadd.s32 $0xFFFFF000  }
0xbf: {  	[spmem:s2] =	stream.indirect.scatter.add.f32 [tilespmem:s25], [sflag:$0x7], $0x20, s24, s21, $0xb8;
	[tilespmem:$0x17D20] =	vst v63  }
0xc0: {  	_ =	swait.ge [sflag:s19], $0x1000  }
0xc1: {  	[sflag:s19] =	ssyncset.done $0x0  }
0xc2: {  	s12 =	simm.s32 $0x5180;
	[sflag:s19] =	ssyncadd.s32 $0xFFFFF000  }
0xc3: {  	[spmem:s2] =	stream.indirect.scatter.add.f32 [tilespmem:s28], [sflag:$0x8], $0x20, s12, s21, $0xb8;
	[tilespmem:$0x17D20] =	vst v63  }
0xc4: {  	_ =	swait.ge [sflag:s1], $0x1000  }
0xc5: {  	[sflag:s1] =	ssyncset.done $0x0  }
0xc6: {  	[sflag:s1] =	ssyncadd.s32 $0xFFFFF000  }
0xc7: {  	_ =	swait.ge [sflag:s14], $0x1000  }
0xc8: {  	s11 =	simm.s32 $0x800;
	[sflag:s14] =	ssyncset.done $0x0  }
0xc9: {  	s24 =	simm.s32 $0x300;
	s12 =	simm.s32 $0x380;
	[sflag:s14] =	ssyncadd.s32 $0xFFFFF000  }
0xca: {  	[tilespmem:s25], [sflag:$0x3] =	stream.indirect.gather [spmem:s3], $0x20, s24, s21, $0xb8;
	[tilespmem:$0x17D20] =	vst v63  }
.LBB2_4:
0xcb: {  	[tilespmem:s28], [sflag:$0x4] =	stream.indirect.gather [spmem:s3], $0x20, s12, s21, $0xb8;
	[tilespmem:$0x17D20] =	vst v63  }
0xcc: {  	s12 =	smov.u32 s11  }
0xcd: {  	p0 =	sne.s32 s11, $0x13000;
	s11 =	sadd.s32 $0x800, s11;
	_ =	swait.ge [sflag:s18], $0x1000  }
0xce: {  	s12 =	sshra.s32 s12, $0x2;
	[sflag:s18] =	ssyncset.done $0x0  }
0xcf: {  	s24 =	sadd.s32 $0x5000, s12;
	[sflag:s18] =	ssyncadd.s32 $0xFFFFF000  }
0xd0: {  	[spmem:s2] =	stream.indirect.scatter.add.f32 [tilespmem:s22], [sflag:$0x5], $0x20, s24, s21, $0xb8;
	[tilespmem:$0x17D20] =	vst v63  }
0xd1: {  	_ =	swait.ge [sflag:s29], $0x1000  }
0xd2: {  	[sflag:s29] =	ssyncset.done $0x0  }
0xd3: {  	s24 =	sadd.s32 $0x5080, s12;
	[sflag:s29] =	ssyncadd.s32 $0xFFFFF000  }
0xd4: {  	[spmem:s2] =	stream.indirect.scatter.add.f32 [tilespmem:s23], [sflag:$0x6], $0x20, s24, s21, $0xb8;
	[tilespmem:$0x17D20] =	vst v63  }
0xd5: {  	_ =	swait.ge [sflag:s30], $0x1000  }
0xd6: {  	[sflag:s30] =	ssyncset.done $0x0  }
0xd7: {  	[sflag:s30] =	ssyncadd.s32 $0xFFFFF000  }
0xd8: {  	_ =	swait.ge [sflag:s31], $0x1000  }
0xd9: {  	[sflag:s31] =	ssyncset.done $0x0  }
0xda: {  	s24 =	sadd.s32 $0x200, s12;
	[sflag:s31] =	ssyncadd.s32 $0xFFFFF000  }
0xdb: {  	[tilespmem:s22], [sflag:$0x1] =	stream.indirect.gather [spmem:s3], $0x20, s24, s21, $0xb8;
	[tilespmem:$0x17D20] =	vst v63  }
0xdc: {  	s24 =	sadd.s32 $0x280, s12  }
0xdd: {  	[tilespmem:s23], [sflag:$0x2] =	stream.indirect.gather [spmem:s3], $0x20, s24, s21, $0xb8;
	[tilespmem:$0x17D20] =	vst v63  }
0xde: {  	_ =	swait.ge [sflag:s0], $0x1000  }
0xdf: {  	[sflag:s0] =	ssyncset.done $0x0  }
0xe0: {  	s24 =	sadd.s32 $0x5100, s12;
	[sflag:s0] =	ssyncadd.s32 $0xFFFFF000  }
0xe1: {  	[spmem:s2] =	stream.indirect.scatter.add.f32 [tilespmem:s25], [sflag:$0x7], $0x20, s24, s21, $0xb8;
	[tilespmem:$0x17D20] =	vst v63  }
0xe2: {  	_ =	swait.ge [sflag:s19], $0x1000  }
0xe3: {  	[sflag:s19] =	ssyncset.done $0x0  }
0xe4: {  	s24 =	sadd.s32 $0x5180, s12;
	[sflag:s19] =	ssyncadd.s32 $0xFFFFF000  }
0xe5: {  	[spmem:s2] =	stream.indirect.scatter.add.f32 [tilespmem:s28], [sflag:$0x8], $0x20, s24, s21, $0xb8;
	[tilespmem:$0x17D20] =	vst v63  }
0xe6: {  	_ =	swait.ge [sflag:s1], $0x1000  }
0xe7: {  	[sflag:s1] =	ssyncset.done $0x0  }
0xe8: {  	[sflag:s1] =	ssyncadd.s32 $0xFFFFF000  }
.Ltmp1:
0xe9: {  	_ =	swait.ge [sflag:s14], $0x1000;
	(pc) =	sbr.rel @p0 .LBB2_4-.Ltmp1, $4  }
0xea: {  	[sflag:s14] =	ssyncset.done $0x0  }
0xeb: {  	s24 =	sadd.s32 $0x300, s12;
	[sflag:s14] =	ssyncadd.s32 $0xFFFFF000  }
0xec: {  	[tilespmem:s25], [sflag:$0x3] =	stream.indirect.gather [spmem:s3], $0x20, s24, s21, $0xb8;
	[tilespmem:$0x17D20] =	vst v63  }
0xed: {  	s12 =	sadd.s32 $0x380, s12  }
0xee: {  	[tilespmem:s28], [sflag:$0x4] =	stream.indirect.gather [spmem:s3], $0x20, s12, s21, $0xb8;
	[tilespmem:$0x17D20] =	vst v63  }
0xef: {  	_ =	swait.ge [sflag:s18], $0x1000  }
0xf0: {  	[sflag:s18] =	ssyncset.done $0x0  }
0xf1: {  	[sflag:s18] =	ssyncadd.s32 $0xFFFFF000  }
0xf2: {  	[spmem:s2] =	stream.indirect.scatter.add.f32 [tilespmem:s22], [sflag:$0x5], $0x20, s5, s21, $0xb8;
	[tilespmem:$0x17D20] =	vst v63  }
0xf3: {  	_ =	swait.ge [sflag:s29], $0x1000  }
0xf4: {  	[sflag:s29] =	ssyncset.done $0x0  }
0xf5: {  	[sflag:s29] =	ssyncadd.s32 $0xFFFFF000  }
0xf6: {  	[spmem:s2] =	stream.indirect.scatter.add.f32 [tilespmem:s23], [sflag:$0x6], $0x20, s6, s21, $0xb8;
	[tilespmem:$0x17D20] =	vst v63  }
0xf7: {  	_ =	swait.ge [sflag:s30], $0x1000  }
0xf8: {  	[sflag:s30] =	ssyncset.done $0x0  }
0xf9: {  	[sflag:s30] =	ssyncadd.s32 $0xFFFFF000  }
0xfa: {  	_ =	swait.ge [sflag:s31], $0x1000  }
0xfb: {  	[sflag:s31] =	ssyncset.done $0x0  }
0xfc: {  	[sflag:s31] =	ssyncadd.s32 $0xFFFFF000  }
0xfd: {  	_ =	swait.ge [sflag:s0], $0x1000  }
0xfe: {  	[sflag:s0] =	ssyncset.done $0x0  }
0xff: {  	[sflag:s0] =	ssyncadd.s32 $0xFFFFF000  }
0x100: {  	[spmem:s2] =	stream.indirect.scatter.add.f32 [tilespmem:s25], [sflag:$0x7], $0x20, s8, s21, $0xb8;
	[tilespmem:$0x17D20] =	vst v63  }
0x101: {  	_ =	swait.ge [sflag:s19], $0x1000  }
0x102: {  	[sflag:s19] =	ssyncset.done $0x0  }
0x103: {  	[sflag:s19] =	ssyncadd.s32 $0xFFFFF000  }
0x104: {  	[spmem:s2] =	stream.indirect.scatter.add.f32 [tilespmem:s28], [sflag:$0x8], $0x20, s9, s21, $0xb8;
	[tilespmem:$0x17D20] =	vst v63  }
0x105: {  	_ =	swait.ge [sflag:s1], $0x1000  }
0x106: {  	[sflag:s1] =	ssyncset.done $0x0  }
0x107: {  	[sflag:s1] =	ssyncadd.s32 $0xFFFFF000  }
0x108: {  	_ =	swait.ge [sflag:s14], $0x1000  }
0x109: {  	[sflag:s14] =	ssyncset.done $0x0  }
0x10a: {  	[sflag:s14] =	ssyncadd.s32 $0xFFFFF000  }
0x10b: {  	[bflag:$0x0] =	sbarrier.arrive $0xFFFF  }
0x10c: {  	s11 =	rddreg [dreg:$0xa]  }
0x10d: {  	[hbm:s11@s20], [sflag:s15] =	dma.strided [spmem:s16@s19], $0x9E0, s18, $0x4   }
0x10e: {  	_ =	swait.ge [sflag:s13], $0x9E0  }
0x10f: {  	s10 =	sadd.s32 $0x1, s10;
	s24 =	rddreg [dreg:$0xb]  }
0x110: {  	p0 =	sne.s32 s10, s24  }
.Ltmp2:
0x111: {  	_ = 	snop;
	(pc) =	sbr.rel @p0 .LBB2_1-.Ltmp2, $3  }
0x112: {  	_ =	sdelay $0x1  }
0x113: {  	[sflag:s13] =	ssyncset.done $0x0  }
0x114: {  	[sflag:s13] =	ssyncadd.s32 $0xFFFFF620  }
0x115: {  	_ =	sfence.sel $0x180000  }
0x116: {  	[bflag:$0x0] =	sbarrier.arrive $0xFFFF  }
0x117: {  	_ =	strace $0x9000004D  }
0x118: {  	s0 =	stileid.u32;
	[bflag:$0x2] =	sbarrier.arrive $0xFFFF  }
0x119: {  	p0 =	sne.s32 s0, $0x0;
	s0 =	rddreg [dreg:$0x4]  }
0x11a: {  	s0 =	sadd.s32 @!p0 $0x100000, s0  }
0x11b: {  	[sflag:s0] =	ssyncadd.tile.s32 @!p0 $0x1;
	_ =	shalt  }
.Lfunc_end2:
_tile_overlayer_lowered:
.L_overlay_start_2:
0x11c: {  	(tag) =	ssettag $0x2  }
0x11d: {  	s0 =	rddreg [dreg:$0x0];
	s2 =	stileid.u32  }
0x11e: {  	s1 =	rddreg [dreg:$0x1];
	p0 =	sne.s32 s2, $0x0  }
0x11f: {  	s3 =	rddreg [dreg:$0x2];
	[bflag:$0x3] =	sbarrier.arrive $0xFFFF;
	s2 =	simm.s32 @!p0 $0x1C09  }
0x120: {  	[timem:s3], [sflag:s2] =	dma.local @!p0 [hbm:s0], s1  }
0x121: {  	s0 =	simm.s32 @!p0 $0x9  }
0x122: {  	_ =	swait.ge @!p0 [sflag:s0], s1  }
0x123: {  	s1 =	ssub.s32 @!p0 $0x0, s1;
	[sflag:s0] =	ssyncset.done @!p0 $0x0  }
0x124: {  	[sflag:s0] =	ssyncadd.s32 @!p0 s1  }
0x125: {  	[bflag:$0x3] =	sbarrier.arrive $0xFFFF  }
0x126: {  	_ =	shalt  }

// kernel: kernel.8.cloned.1.call-start
scs
__scs_entry_jumppad:
0x0: {  	(pc) =	sbr.rel $0x88, $3  }
0x1: {  	(tag) =	ssettag $0x0;
	lr =	simm.s32 $0x1  }
0x2: {  	[smem:$0x3F93] =	sst lr;
	_ =	strace $0xD0000000  }
0x3: {  	_ = 	snop  }
0x4: {  	_ = 	snop  }
0x5: {  	_ = 	snop  }
0x6: {  	_ = 	snop  }
0x7: {  	_ = 	snop  }
__scs_overlays_trampoline_lowered:
0x8: {  	[smem:$0x3FA2] =	sst s0  }
0x9: {  	[smem:$0x3FA3] =	sst s1  }
0xa: {  	[smem:$0x3FA4] =	sst s2  }
0xb: {  	[smem:$0x3FA5] =	sst s3  }
0xc: {  	[smem:$0x3FA6] =	sst s4  }
0xd: {  	[smem:$0x3FA7] =	sst s5  }
0xe: {  	[smem:$0x3FA8] =	sst s6  }
0xf: {  	[smem:$0x3FA9] =	sst s7  }
0x10: {  	[smem:$0x3FAA] =	sst s8  }
0x11: {  	[smem:$0x3FAB] =	sst s9;
	s0 =	simm.s32 @!p0 $0x0  }
0x12: {  	s1 =	sld [smem:$0x3F91];
	s0 =	simm.s32 @p0 $0x1  }
0x13: {  	[smem:$0x3FAC] =	sst s0;
	s0 =	simm.s32 @!p1 $0x0  }
0x14: {  	s2 =	sld [smem:$0x3F90];
	s0 =	simm.s32 @p1 $0x1  }
0x15: {  	[smem:$0x3FAD] =	sst s0;
	s0 =	simm.s32 @!p2 $0x0  }
0x16: {  	s3 =	sld [smem:$0x3FDB];
	s0 =	simm.s32 @p2 $0x1  }
0x17: {  	s4 =	simm.s32 $0x1BF5;
	[smem:$0x3FAF] =	sst s0  }
0x18: {  	s0 =	sld [smem:$0x3F92];
	_ =	swait.ge [sflag:s4], $0x0  }
0x19: {  	s7 =	sld [smem:$0x3F93]  }
0x1a: {  	s8 =	sadd.s32 $0xFFFFE003, lr  }
0x1b: {  	s9 =	sadd.s32 $0xFFFFFEF7, lr;
	s5 =	simm.s32 $0xFFFFFFFF;
	p2 =	slt.u32 s8, $0xFFFFF086  }
0x1c: {  	p1 =	slt.u32 s9, $0xF7A;
	s5 =	simm.s32 @!p2 $0x0  }
0x1d: {  	s5 =	simm.s32 @p1 $0x1;
	p0 =	seq.s32 s7, s2  }
0x1e: {  	s7 =	smul.u32 @!p0 $0xF7A, s2;
	p2 =	seq.s32 @!p0 s5, $0x0  }
0x1f: {  	s9 =	smul.u32 $0xF7A, s1;
	s8 =	simm.s32 @!p0 $0x1BF5;
	p2 =	por !p2, p0  }
0x20: {  	[sflag:s8] =	ssyncset.s32 @!p0 $0xFFFFF086;
	s6 =	sadd.s32 @!p0 s3, s7;
	s7 =	simm.s32 @!p0 $0x108  }
0x21: {  	s3 =	sadd.s32 s3, s9;
	s6 =	sadd.s32 @!p0 $0x88, s6;
	s7 =	simm.s32 @p2 $0x1082  }
0x22: {  	[simem:s7], [sflag:s8] =	dma.local @!p0 [hbm:s6], $0xF7A  }
0x23: {  	s9 =	sor.u32 $0xD0000000, s2;
	s6 =	simm.s32 $0x108;
	_ =	swait.ge @!p0 [sflag:s8], $0x0  }
0x24: {  	s3 =	sadd.s32 $0x88, s3;
	s6 =	simm.s32 @!p1 $0x1082;
	[sflag:s4] =	ssyncset.s32 $0xFFFFF086  }
0x25: {  	[simem:s6], [sflag:s4] =	dma.local [hbm:s3], $0xF7A  }
0x26: {  	[smem:$0x3F93] =	sst s1;
	(tag) =	ssettag s2;
	_ =	strace s9  }
0x27: {  	s1 =	sld [smem:$0x3FA3]  }
0x28: {  	s2 =	sld [smem:$0x3FA4]  }
0x29: {  	s4 =	sld [smem:$0x3FA6]  }
0x2a: {  	p0 =	seq.s32 s5, $0x0;
	s5 =	sld [smem:$0x3FA7]  }
0x2b: {  	s6 =	sld [smem:$0x3FA8]  }
0x2c: {  	s7 =	sld [smem:$0x3FA9]  }
0x2d: {  	s3 =	simm.s32 $0x108;
	s8 =	sld [smem:$0x3FAA]  }
0x2e: {  	s3 =	simm.s32 @!p0 $0x1082;
	s9 =	sld [smem:$0x3FAB]  }
0x2f: {  	lr =	sadd.s32 s0, s3;
	s0 =	sld [smem:$0x3FA2]  }
0x30: {  	s3 =	sld [smem:$0x3FA5]  }
0x31: {  	[smem:$0x3FAE] =	sst s10  }
0x32: {  	s10 =	sld [smem:$0x3FAC];
	_ =	sdelay $0x3  }
0x33: {  	p0 =	seq.s32 s10, $0x1;
	s10 =	sld [smem:$0x3FAE];
	_ =	sdelay $0x3  }
0x34: {  	[smem:$0x3FAE] =	sst s10  }
0x35: {  	s10 =	sld [smem:$0x3FAD];
	_ =	sdelay $0x3  }
0x36: {  	p1 =	seq.s32 s10, $0x1;
	s10 =	sld [smem:$0x3FAE];
	_ =	sdelay $0x3  }
0x37: {  	[smem:$0x3FAE] =	sst s10  }
0x38: {  	s10 =	sld [smem:$0x3FAF]  }
0x39: {  	_ = 	snop;
	(pc) =	sbr.ind lr, $3  }
0x3a: {  	_ = 	snop  }
0x3b: {  	_ = 	snop  }
0x3c: {  	p2 =	seq.s32 s10, $0x1;
	s10 =	sld [smem:$0x3FAE]  }
0x3d: {  	_ =	shalt  }
0x3e: {  	_ =	shalt  }
0x3f: {  	_ =	shalt  }
0x40: {  	_ =	shalt  }
0x41: {  	_ =	shalt  }
0x42: {  	_ =	shalt  }
0x43: {  	_ =	shalt  }
0x44: {  	_ =	shalt  }
0x45: {  	_ =	shalt  }
0x46: {  	_ =	shalt  }
0x47: {  	_ =	shalt  }
0x48: {  	_ =	shalt  }
0x49: {  	_ =	shalt  }
0x4a: {  	_ =	shalt  }
0x4b: {  	_ =	shalt  }
0x4c: {  	_ =	shalt  }
0x4d: {  	_ =	shalt  }
0x4e: {  	_ =	shalt  }
0x4f: {  	_ =	shalt  }
0x50: {  	_ =	shalt  }
0x51: {  	_ =	shalt  }
0x52: {  	_ =	shalt  }
0x53: {  	_ =	shalt  }
0x54: {  	_ =	shalt  }
0x55: {  	_ =	shalt  }
0x56: {  	_ =	shalt  }
0x57: {  	_ =	shalt  }
0x58: {  	_ =	shalt  }
0x59: {  	_ =	shalt  }
0x5a: {  	_ =	shalt  }
0x5b: {  	_ =	shalt  }
0x5c: {  	_ =	shalt  }
0x5d: {  	_ =	shalt  }
0x5e: {  	_ =	shalt  }
0x5f: {  	_ =	shalt  }
0x60: {  	_ =	shalt  }
0x61: {  	_ =	shalt  }
0x62: {  	_ =	shalt  }
0x63: {  	_ =	shalt  }
0x64: {  	_ =	shalt  }
0x65: {  	_ =	shalt  }
0x66: {  	_ =	shalt  }
0x67: {  	_ =	shalt  }
0x68: {  	_ =	shalt  }
0x69: {  	_ =	shalt  }
0x6a: {  	_ =	shalt  }
0x6b: {  	_ =	shalt  }
0x6c: {  	_ =	shalt  }
0x6d: {  	_ =	shalt  }
0x6e: {  	_ =	shalt  }
0x6f: {  	_ =	shalt  }
0x70: {  	_ =	shalt  }
0x71: {  	_ =	shalt  }
0x72: {  	_ =	shalt  }
0x73: {  	_ =	shalt  }
0x74: {  	_ =	shalt  }
0x75: {  	_ =	shalt  }
0x76: {  	_ =	shalt  }
0x77: {  	_ =	shalt  }
0x78: {  	_ =	shalt  }
0x79: {  	_ =	shalt  }
0x7a: {  	_ =	shalt  }
0x7b: {  	_ =	shalt  }
0x7c: {  	_ =	shalt  }
0x7d: {  	_ =	shalt  }
0x7e: {  	_ =	shalt  }
0x7f: {  	_ =	shalt  }
0x80: {  	_ =	shalt  }
0x81: {  	_ =	shalt  }
0x82: {  	_ =	shalt  }
0x83: {  	_ =	shalt  }
0x84: {  	_ =	shalt  }
0x85: {  	_ =	shalt  }
0x86: {  	_ =	shalt  }
0x87: {  	_ =	shalt  }
.Lfunc_end0:
.L_simem_size_0:
called_computation_lowered:
.L_overlay_start_0:
0x88: {  	s2 =	sld [smem:$0x3FD9]  }
0x89: {  	s3 =	sld [smem:$0x3FFE];
	_ =	sdelay $0x1  }
0x8a: {  	s1 =	srdreg.scid  }
0x8b: {  	s0 =	sand.u32 $0x1, s1  }
0x8c: {  	s14 =	sshll.u32 s0, $0xA;
	s2 =	sadd.s32 s3, s2  }
0x8d: {  	s2 =	sadd.s32 s2, s14  }
0x8e: {  	[smem:$0x3FBA] =	sst s2  }
0x8f: {  	_ = 	snop  }
0x90: {  	s2 =	sld [smem:$0x3FD0];
	_ =	sdelay $0x2  }
0x91: {  	s15 =	simm.s32 $0xA;
	s4 =	simm.s32 $0x10  }
0x92: {  	[smem:s4], [sflag:s15] =	dma.local [hbm:s2], $0x1  }
0x93: {  	_ =	swait.eq [sflag:s15], $0x1  }
0x94: {  	[sflag:s15] =	ssyncset.done $0x0  }
0x95: {  	s16 =	sld [smem:$0x10];
	[sflag:s15] =	ssyncadd.s32 $0xFFFFFFFF  }
0x96: {  	s17 =	sld [smem:$0x11];
	(tm) =	ssettm $0x1  }
0x97: {  	s18 =	sld [smem:$0x3FFB];
	_ =	sdelay $0x3  }
0x98: {  	_ =	strace s18  }
0x99: {  	s4 =	sld [smem:$0x3FFC];
	_ =	sdelay $0x3  }
0x9a: {  	_ =	strace s4  }
0x9b: {  	s4 =	sld [smem:$0x3FFD];
	_ =	sdelay $0x3  }
0x9c: {  	_ =	strace s4  }
0x9d: {  	_ =	strace $0x8FFFFFFF  }
0x9e: {  	s19 =	sld [smem:$0x3FDB];
	_ =	sdelay $0x1  }
0x9f: {  	s5 =	simm.s32 $_scs_section_size  }
0xa0: {  	s6 =	simm.s32 $_size__tile_overlayer_lowered;
	s7 =	simm.s32 $_tile_overlayer_lowered  }
0xa1: {  	s22 =	simm.s32 $0x1BFF;
	s21 =	sshll.u32 s7, $0x1;
	s4 =	sadd.s32 s5, s19  }
0xa2: {  	s8 =	simm.s32 $0x0;
	s20 =	sshll.u32 s6, $0x1;
	s6 =	sadd.s32 s21, s4  }
0xa3: {  	[timem:s8], [sflag:s22] =	dma.local [hbm:s6], s20  }
0xa4: {  	_ =	swait.ge [sflag:s22], s20  }
0xa5: {  	s5 =	ssub.s32 $0x0, s20;
	[sflag:s22] =	ssyncset.done $0x0  }
0xa6: {  	[sflag:s22] =	ssyncadd.s32 s5;
	_ =	sdelay $0x1  }
0xa7: {  	s23 =	simm.s32 $0x1B8B  }
0xa8: {  	_ =	swait.ge [sflag:s23], $0x1  }
0xa9: {  	[sflag:s23] =	ssyncset.done $0x0  }
0xaa: {  	s25 =	simm.s32 $0x1B8E;
	s24 =	sld [smem:$0x3FFE];
	[sflag:s23] =	ssyncadd.s32 $0xFFFFFFFF  }
0xab: {  	s26 =	simm.s32 $execute0_lowered;
	[smem:$0x3FD2] =	sst s25  }
0xac: {  	s6 =	sshll.u32 s26, $0x1;
	_ =	strace $0x80000046;
	[dreg:$0x1] =	wrdreg $0xFFFFFFFF  }
0xad: {  	s28 =	simm.s32 $_size_execute0_lowered;
	s4 =	sadd.s32 s4, s6;
	[dreg:$0x0] =	wrdreg $0x0  }
0xae: {  	s6 =	sshll.u32 s28, $0x1;
	[dreg:$0x2] =	wrdreg s4  }
0xaf: {  	[dreg:$0x3] =	wrdreg s6  }
0xb0: {  	[dreg:$0x4] =	wrdreg $0xC0  }
0xb1: {  	_ =	task [dreg:s8], $0x5FFFF  }
0xb2: {  	[dreg:$0x1] =	wrdreg $0xFFFFFFFF  }
0xb3: {  	[dreg:$0x0] =	wrdreg $0x60  }
0xb4: {  	[dreg:$0x2] =	wrdreg s24  }
0xb5: {  	[dreg:$0x3] =	wrdreg s16  }
0xb6: {  	[dreg:$0x4] =	wrdreg s17  }
0xb7: {  	[dreg:$0x5] =	wrdreg $0x2C000  }
0xb8: {  	[dreg:$0x6] =	wrdreg $0x9  }
0xb9: {  	_ =	task.clear_ibuf [dreg:s8], $0x7FFFF;
	_ =	strace $0x90000046  }
0xba: {  	s29 =	simm.s32 $0x9;
	_ =	strace $0x80000048  }
0xbb: {  	_ =	swait.ge [sflag:s29], $0x1  }
0xbc: {  	[sflag:s29] =	ssyncadd.s32 $0xFFFFFFFF  }
0xbd: {  	_ =	strace $0x90000048  }
0xbe: {  	_ =	sfence  }
0xbf: {  	s30 =	sld [smem:$0x0];
	_ =	sdelay $0x2  }
0xc0: {  	s31 =	sshll.u32 s1, $0xD;
	s1 =	sshrl.u32 s1, $0x2  }
0xc1: {  	s3 =	sand.u32 $0x4000, s31;
	s1 =	sadd.s32 s1, s30  }
0xc2: {  	s0 =	sor.u32 s3, s0;
	s1 =	sshll.u32 s1, $0x11  }
0xc3: {  	s0 =	sor.u32 s1, s0  }
0xc4: {  	s0 =	sadd.s32 $0x8F2B, s0  }
0xc5: {  	[sflag:s0] =	ssyncadd.remote.s32 $0x1  }
0xc6: {  	_ =	sfence.sel $0xFFFF  }
0xc7: {  	[dreg:$0x0] =	wrdreg $0xFFFFFFFF;
	(pc) =	sbr.abs _section_cstart, $3  }
0xc8: {  	[dreg:$0x1] =	wrdreg $0xFFFFFFFF  }
0xc9: {  	_ =	task.clear_ibuf [dreg:s8], $0x2FFFF;
	_ =	strace $0x9FFFFFFF  }
0xca: {  	(tm) =	ssettm $0x7FFFFFFF  }
0xcb: {  	_ =	shalt  }
tec
execute0_lowered:
.L_overlay_start_1:
0x0: {  	(tag) =	ssettag $0x1  }
0x1: {  	s5 =	rddreg [dreg:$0x0]  }
0x2: {  	s1 =	rddreg [dreg:$0x1]  }
0x3: {  	s6 =	rddreg [dreg:$0x2]  }
0x4: {  	s3 =	rddreg [dreg:$0x3]  }
0x5: {  	s0 =	rddreg [dreg:$0x4];
	s2 =	stileid.u32  }
0x6: {  	s7 =	srdreg.scid;
	s4 =	simm.s32 $0x0;
	s8 =	smul.u32 $0xA00, s2  }
0x7: {  	s7 =	sand.u32 $0x1, s7;
	[smem:$0x7FF] =	sst s4;
	s11 =	smul.u32 $0x13C0, s2  }
0x8: {  	s30 =	sshll.u32 s2, $0x6;
	s13 =	smul.u32 $0x2780, s2;
	s9 =	ssub.s32 $0x2, s7  }
0x9: {  	_ =	strace $0x80000047;
	s12 =	sadd.s32 s7, s5;
	s15 =	smul.u32 $0x500, s7  }
0xa: {  	s10 =	sshrl.u32 s9, $0x1;
	s8 =	sadd.s32 s8, s5;
	s29 =	sshrl.u32 s11, $0x3  }
0xb: {  	s11 =	sadd.s32 s11, s3;
	s31 =	sadd.s32 s13, s12;
	s12 =	simm.s32 $0x2800  }
0xc: {  	s13 =	simm.s32 $0x80;
	s9 =	ssub.s32 s9, s10;
	s5 =	sadd.s32 s6, s29  }
0xd: {  	s6 =	sor.u32 $0x1C01, s30;
	s14 =	sadd.s32 $0x4200, s8;
	s7 =	sadd.s32 $0xE200, s31  }
0xe: {  	s10 =	simm.s32 $0x1;
	s8 =	smax.u32 s9, $0x1;
	s9 =	sshrl.u32 s11, $0x3  }
0xf: {  	s11 =	sadd.s32 s15, s14;
	s14 =	simm.s32 $0x10;
	s15 =	simm.s32 $0x0  }
.LBB2_1:
0x10: {  	[spmem:s9], [sflag:s6] =	dma.local [hbm:s5], $0x278  }
0x11: {  	_ =	swait.ge [sflag:s10], $0x278  }
0x12: {  	[sflag:s10] =	ssyncset.done $0x0  }
0x13: {  	[sflag:s10] =	ssyncadd.s32 $0xFFFFFD88  }
0x14: {  	[tilespmem:s4], [sflag:$0x1] =	stream.linear.gather [hbm4b:s11+s4], $0x2800, $0x38;
	[tilespmem:$0x3FC0] =	vst v63  }
0x15: {  	_ =	swait.ge [sflag:s10], $0x2800  }
0x16: {  	[sflag:s10] =	ssyncset.done $0x0  }
0x17: {  	[sflag:s10] =	ssyncadd.s32 $0xFFFFD800  }
0x18: {  	[tilespmem:s12], [sflag:$0x1] =	stream.linear.gather [hbm4b:s1+s4], $0x400, $0x38;
	[tilespmem:$0x3FC0] =	vst v63  }
0x19: {  	_ =	swait.ge [sflag:s10], $0x400  }
0x1a: {  	[sflag:s10] =	ssyncset.done $0x0  }
0x1b: {  	[sflag:s10] =	ssyncadd.s32 $0xFFFFFC00  }
0x1c: {  	s16 =	simm.s32 $0x0;
	[bflag:$0x0] =	sbarrier.arrive $0xFFFF  }
0x1d: {  	[spmem:s3] =	stream.indirect.scatter.add.f32 [tilespmem:s12], [sflag:$0x1], $0x8, s16, s13, $0xb8;
	[tilespmem:$0x3FC0] =	vst v63  }
0x1e: {  	_ =	swait.ge [sflag:s10], $0x400  }
0x1f: {  	s16 =	simm.s32 $0x200;
	[sflag:s10] =	ssyncset.done $0x0  }
.LBB2_2:
0x20: {  	s17 =	sshra.s32 s16, $0x2;
	[sflag:s10] =	ssyncadd.s32 $0xFFFFFC00;
	p0 =	sne.s32 s16, $0x9E00  }
0x21: {  	[spmem:s3] =	stream.indirect.scatter.add.f32 [tilespmem:s12], [sflag:$0x1], $0x8, s17, s13, $0xb8;
	[tilespmem:$0x3FC0] =	vst v63  }
.Ltmp0:
0x22: {  	_ = 	snop;
	(pc) =	sbr.rel @p0 .LBB2_2-.Ltmp0, $4  }
0x23: {  	_ = 	snop  }
0x24: {  	s16 =	sadd.s32 $0x200, s16  }
0x25: {  	_ =	swait.ge [sflag:s10], $0x400  }
0x26: {  	[sflag:s10] =	ssyncset.done $0x0  }
0x27: {  	s15 =	sadd.s32 $0x1, s15  }
0x28: {  	[sflag:s10] =	ssyncadd.s32 $0xFFFFFC00;
	p0 =	sne.s32 s15, s8  }
.Ltmp1:
0x29: {  	[bflag:$0x0] =	sbarrier.arrive $0xFFFF;
	(pc) =	sbr.rel @p0 .LBB2_1-.Ltmp1, $4  }
0x2a: {  	[hbm:s7@s14], [sflag:s6] =	dma.strided [spmem:s9@s10], $0x278, s10, $0x1   }
0x2b: {  	_ =	swait.ge [sflag:s10], $0x278  }
0x2c: {  	[sflag:s10] =	ssyncset.done $0x0  }
0x2d: {  	[sflag:s10] =	ssyncadd.s32 $0xFFFFFD88  }
0x2e: {  	_ =	sfence.sel $0x180000  }
0x2f: {  	[bflag:$0x0] =	sbarrier.arrive $0xFFFF  }
0x30: {  	p0 =	sne.s32 s2, $0x0;
	_ =	strace $0x90000047  }
0x31: {  	s0 =	sadd.s32 @!p0 $0x100000, s0;
	[bflag:$0x2] =	sbarrier.arrive $0xFFFF  }
0x32: {  	[sflag:s0] =	ssyncadd.tile.s32 @!p0 $0x1;
	_ =	shalt  }
.Lfunc_end2:
_tile_overlayer_lowered:
.L_overlay_start_2:
0x33: {  	(tag) =	ssettag $0x2  }
0x34: {  	s0 =	rddreg [dreg:$0x0];
	s2 =	stileid.u32  }
0x35: {  	s1 =	rddreg [dreg:$0x1];
	p0 =	sne.s32 s2, $0x0  }
0x36: {  	s3 =	rddreg [dreg:$0x2];
	[bflag:$0x3] =	sbarrier.arrive $0xFFFF;
	s2 =	simm.s32 @!p0 $0x1C01  }
0x37: {  	[timem:s3], [sflag:s2] =	dma.local @!p0 [hbm:s0], s1  }
0x38: {  	s0 =	simm.s32 @!p0 $0x1  }
0x39: {  	_ =	swait.ge @!p0 [sflag:s0], s1  }
0x3a: {  	s1 =	ssub.s32 @!p0 $0x0, s1;
	[sflag:s0] =	ssyncset.done @!p0 $0x0  }
0x3b: {  	[sflag:s0] =	ssyncadd.s32 @!p0 s1  }
0x3c: {  	[bflag:$0x3] =	sbarrier.arrive $0xFFFF  }
0x3d: {  	_ =	shalt  }

</sc_bundles>
